<compile_context>
chip_gen: v7x
topology: tpu7x:2x2x1
jax: 0.10.2.dev20260603
libtpu: 0.0.44.dev20260713+nightly
codegen_flags: <defaults>
</compile_context>

<pallas_src>
import functools

import jax
import jax.numpy as jnp
from jax import lax
from jax.experimental import pallas as pl
from jax.experimental.pallas import tpu as pltpu
from jax.experimental.pallas import tpu_sc as plsc

N = 10000
E = 160000
NC = 2
NS = 16
EPT = E // NS
K = 125
CH = 80
EPD = E // (NC * NS)
CHD = 40
NA = N
RPT = 624
TAIL = N - NS * RPT
ZB = 104


def _fill_rows(ref, rows, cols, value, dtype):
    per_row = cols // 16

    def body(i, _):
        r = i // per_row
        c = (i % per_row) * 16
        ref[r, pl.ds(c, 16)] = jnp.full((16,), value, dtype)
        return 0

    lax.fori_loop(0, rows * per_row, body, 0)


def _sc_mesh():
    return plsc.VectorSubcoreMesh(core_axis_name="c", subcore_axis_name="s")


def _zero_acc_slice(zsrc, acc, sid):

    def zero_chunk(i, _):
        pltpu.sync_copy(zsrc.at[pl.ds(0, 96)],
                        acc.at[pl.ds(sid * RPT + i * 96, 96)])
        return 0

    lax.fori_loop(0, 6, zero_chunk, 0)
    pltpu.sync_copy(zsrc.at[pl.ds(0, 48)], acc.at[pl.ds(sid * RPT + 576, 48)])

    @pl.when(sid == NS - 1)
    def _():
        pltpu.sync_copy(zsrc.at[pl.ds(0, TAIL)], acc.at[pl.ds(NS * RPT, TAIL)])


def _deg_kernel(dst_d):

    @functools.partial(
        pl.kernel,
        out_type=jax.ShapeDtypeStruct((2 * N, 128), jnp.float32),
        mesh=_sc_mesh(),
        scratch_types=[
            pltpu.VMEM((CHD, K), jnp.int32),
            pltpu.VMEM((K, 128), jnp.float32),
            pltpu.VMEM((ZB, 128), jnp.float32),
            pltpu.VMEM_SHARED((NA, 128), jnp.float32),
        ],
    )
    def k(dstd_hbm, out_hbm, dst_v, ones_v, zbuf, acc):
        cid = lax.axis_index("c")
        sid = lax.axis_index("s")
        _fill_rows(ones_v, K, 128, 1.0, jnp.float32)
        _fill_rows(zbuf, ZB, 128, 0.0, jnp.float32)
        _zero_acc_slice(zbuf, acc, sid)
        pltpu.sync_copy(dstd_hbm.at[cid * NS + sid], dst_v)
        plsc.subcore_barrier()

        def step(j, _):
            pltpu.sync_copy(ones_v, acc.at[dst_v.at[j]], add=True)
            return 0

        lax.fori_loop(0, CHD, step, 0)
        plsc.subcore_barrier()
        pltpu.sync_copy(acc.at[pl.ds(sid * RPT, RPT)],
                        out_hbm.at[pl.ds(cid * N + sid * RPT, RPT)])

        @pl.when(sid == NS - 1)
        def _():
            pltpu.sync_copy(acc.at[pl.ds(NS * RPT, TAIL)],
                            out_hbm.at[pl.ds(cid * N + NS * RPT, TAIL)])

    return k(dst_d)


def _prop_kernel(table, src_g, dst_t):

    @functools.partial(
        pl.kernel,
        out_type=jax.ShapeDtypeStruct((2 * N, 128), jnp.float32),
        mesh=_sc_mesh(),
        scratch_types=[
            pltpu.VMEM((CH, K), jnp.int32),
            pltpu.VMEM((CH, K), jnp.int32),
            pltpu.VMEM((K, 128), jnp.float32),
            pltpu.VMEM_SHARED((NA, 128), jnp.float32),
            pltpu.SemaphoreType.DMA,
        ],
    )
    def k(table_hbm, srcg_hbm, dstt_hbm, out_hbm,
          src_v, dst_v, rows_v, acc, gsem):
        cid = lax.axis_index("c")
        sid = lax.axis_index("s")
        _fill_rows(rows_v, K, 128, 0.0, jnp.float32)
        _zero_acc_slice(rows_v, acc, sid)
        pltpu.sync_copy(srcg_hbm.at[cid * NS + sid], src_v)
        pltpu.sync_copy(dstt_hbm.at[sid], dst_v)
        plsc.subcore_barrier()

        def step(j, _):
            pltpu.async_copy(table_hbm.at[src_v.at[j]], rows_v, gsem).wait()
            pltpu.sync_copy(rows_v, acc.at[dst_v.at[j]], add=True)
            return 0

        lax.fori_loop(0, CH, step, 0)
        plsc.subcore_barrier()
        pltpu.sync_copy(acc.at[pl.ds(sid * RPT, RPT)],
                        out_hbm.at[pl.ds(cid * N + sid * RPT, RPT)])

        @pl.when(sid == NS - 1)
        def _():
            pltpu.sync_copy(acc.at[pl.ds(NS * RPT, TAIL)],
                            out_hbm.at[pl.ds(cid * N + NS * RPT, TAIL)])

    return k(table, src_g, dst_t)


_R = 1000


def _dis_from_deg(deg_col):
    pos = deg_col > 0.0
    return jnp.where(pos, 1.0 / jnp.sqrt(jnp.where(pos, deg_col, 1.0)), 0.0)


def _tc_first(x, w0, deg2):

    def body(x_ref, w_ref, deg_ref, g_ref, dis_ref):
        deg = deg_ref[0, :, 0:1] + deg_ref[1, :, 0:1]
        dis = _dis_from_deg(deg)
        u = lax.dot_general(x_ref[...], w_ref[...], (((1,), (1,)), ((), ())),
                            preferred_element_type=jnp.float32)
        g = dis * u
        g_ref[0] = g[:, :128]
        g_ref[1] = g[:, 128:]
        dis_ref[...] = dis

    return pl.pallas_call(
        body,
        grid=(N // _R,),
        in_specs=[pl.BlockSpec((_R, 256), lambda i: (i, 0)),
                  pl.BlockSpec((256, 256), lambda i: (0, 0)),
                  pl.BlockSpec((2, _R, 128), lambda i: (0, i, 0))],
        out_specs=[pl.BlockSpec((2, _R, 128), lambda i: (0, i, 0)),
                   pl.BlockSpec((_R, 1), lambda i: (i, 0))],
        out_shape=[jax.ShapeDtypeStruct((2, N, 128), jnp.float32),
                   jax.ShapeDtypeStruct((N, 1), jnp.float32)],
    )(x, w0, deg2)


def _tc_mid_first(s, dis, b_prev, w):

    def body(s_ref, dis_ref, b_ref, w_ref, acc_ref, g_ref):
        dis = dis_ref[...]
        h = dis * jnp.concatenate([s_ref[0], s_ref[1]], axis=1) + b_ref[...]
        acc_ref[...] = h
        u = lax.dot_general(h, w_ref[...], (((1,), (1,)), ((), ())),
                            preferred_element_type=jnp.float32)
        g = dis * u
        g_ref[0] = g[:, :128]
        g_ref[1] = g[:, 128:]

    return pl.pallas_call(
        body,
        grid=(N // _R,),
        in_specs=[pl.BlockSpec((2, _R, 128), lambda i: (0, i, 0)),
                  pl.BlockSpec((_R, 1), lambda i: (i, 0)),
                  pl.BlockSpec((1, 256), lambda i: (0, 0)),
                  pl.BlockSpec((256, 256), lambda i: (0, 0))],
        out_specs=[pl.BlockSpec((_R, 256), lambda i: (i, 0)),
                   pl.BlockSpec((2, _R, 128), lambda i: (0, i, 0))],
        out_shape=[jax.ShapeDtypeStruct((N, 256), jnp.float32),
                   jax.ShapeDtypeStruct((2, N, 128), jnp.float32)],
    )(s, dis, b_prev, w)


def _tc_mid(s, dis, b_prev, w, acc_in):

    def body(s_ref, dis_ref, b_ref, w_ref, accin_ref, acc_ref, g_ref):
        dis = dis_ref[...]
        h = dis * jnp.concatenate([s_ref[0], s_ref[1]], axis=1) + b_ref[...]
        acc_ref[...] = accin_ref[...] + h
        u = lax.dot_general(h, w_ref[...], (((1,), (1,)), ((), ())),
                            preferred_element_type=jnp.float32)
        g = dis * u
        g_ref[0] = g[:, :128]
        g_ref[1] = g[:, 128:]

    return pl.pallas_call(
        body,
        grid=(N // _R,),
        in_specs=[pl.BlockSpec((2, _R, 128), lambda i: (0, i, 0)),
                  pl.BlockSpec((_R, 1), lambda i: (i, 0)),
                  pl.BlockSpec((1, 256), lambda i: (0, 0)),
                  pl.BlockSpec((256, 256), lambda i: (0, 0)),
                  pl.BlockSpec((_R, 256), lambda i: (i, 0))],
        out_specs=[pl.BlockSpec((_R, 256), lambda i: (i, 0)),
                   pl.BlockSpec((2, _R, 128), lambda i: (0, i, 0))],
        out_shape=[jax.ShapeDtypeStruct((N, 256), jnp.float32),
                   jax.ShapeDtypeStruct((2, N, 128), jnp.float32)],
    )(s, dis, b_prev, w, acc_in)


def _tc_last(s, dis, b_prev, acc_in, w_out, b_out):

    def body(s_ref, dis_ref, b_ref, accin_ref, w_ref, bout_ref, o_ref):
        h = dis_ref[...] * jnp.concatenate([s_ref[0], s_ref[1]], axis=1) + b_ref[...]
        m = (accin_ref[...] + h) * (1.0 / 3.0)
        o_ref[...] = lax.dot_general(
            m, w_ref[...], (((1,), (1,)), ((), ())),
            preferred_element_type=jnp.float32) + bout_ref[...]

    return pl.pallas_call(
        body,
        grid=(N // _R,),
        in_specs=[pl.BlockSpec((2, _R, 128), lambda i: (0, i, 0)),
                  pl.BlockSpec((_R, 1), lambda i: (i, 0)),
                  pl.BlockSpec((1, 256), lambda i: (0, 0)),
                  pl.BlockSpec((_R, 256), lambda i: (i, 0)),
                  pl.BlockSpec((128, 256), lambda i: (0, 0)),
                  pl.BlockSpec((1, 128), lambda i: (0, 0))],
        out_specs=pl.BlockSpec((_R, 128), lambda i: (i, 0)),
        out_shape=jax.ShapeDtypeStruct((N, 128), jnp.float32),
    )(s, dis, b_prev, acc_in, w_out, b_out)


def kernel(x, edge_index, W0, b0, W1, b1, W2, b2, W_out, b_out):
    src = edge_index[0]
    dst = edge_index[1]
    src_p = src.reshape(NS, EPT)
    src_g = jnp.concatenate([src_p, src_p + N]).reshape(2 * NS, CH, K)
    dst_t = dst.reshape(NS, CH, K)
    dst_d = dst.reshape(NC * NS, CHD, K)

    deg2 = _deg_kernel(dst_d).reshape(2, N, 128)
    g1, dis = _tc_first(x, W0, deg2)
    s1 = _prop_kernel(g1.reshape(2 * N, 128), src_g, dst_t).reshape(2, N, 128)
    acc1, g2 = _tc_mid_first(s1, dis, b0.reshape(1, -1), W1)
    s2 = _prop_kernel(g2.reshape(2 * N, 128), src_g, dst_t).reshape(2, N, 128)
    acc2, g3 = _tc_mid(s2, dis, b1.reshape(1, -1), W2, acc1)
    s3 = _prop_kernel(g3.reshape(2 * N, 128), src_g, dst_t).reshape(2, N, 128)
    return _tc_last(s3, dis, b2.reshape(1, -1), acc2, W_out, b_out.reshape(1, -1))

# --- scband reference (transcript-rebuilt; emitter-appended) ---
"""Pipeline reference for scband-light-gcn-52776558133530 (READ-ONLY COPY).

The authoritative reference and input builder live on the scoring server;
editing this copy changes nothing except your own understanding.
"""

import jax, jax.numpy as jnp
import numpy as np

N = 10000
E = 160000
D_IN = 256
H = 256
L = 3
D_OUT = 128


def setup_inputs(seed: int = 0) -> dict:
    key = jax.random.key(seed)
    ks = jax.random.split(key, 12)
    x = jax.random.normal(ks[0], (N, D_IN), dtype=jnp.float32)
    edge_index = jax.random.randint(ks[1], (2, E), 0, N, dtype=jnp.int32)
    # GCNConv layer params: W shape [out, in] (PyG lin stores weight [out,in]), bias [out]
    W0 = jax.random.normal(ks[2], (H, D_IN), dtype=jnp.float32) * (1.0 / np.sqrt(D_IN))
    b0 = jnp.zeros((H,), dtype=jnp.float32)
    W1 = jax.random.normal(ks[3], (H, H), dtype=jnp.float32) * (1.0 / np.sqrt(H))
    b1 = jnp.zeros((H,), dtype=jnp.float32)
    W2 = jax.random.normal(ks[4], (H, H), dtype=jnp.float32) * (1.0 / np.sqrt(H))
    b2 = jnp.zeros((H,), dtype=jnp.float32)
    W_out = jax.random.normal(ks[5], (D_OUT, H), dtype=jnp.float32) * (1.0 / np.sqrt(H))
    b_out = jnp.zeros((D_OUT,), dtype=jnp.float32)
    return {"x": x, "edge_index": edge_index, "W0": W0, "b0": b0,
            "W1": W1, "b1": b1, "W2": W2, "b2": b2,
            "W_out": W_out, "b_out": b_out}


def _gcn_conv(h, src, dst, W, b):
    # GCNConv with add_self_loops=False: x' = D^{-1/2} A D^{-1/2} (x W^T) + b
    h = h @ W.T
    deg = jnp.zeros((N,), dtype=h.dtype).at[dst].add(1.0)
    deg_inv_sqrt = jnp.where(deg > 0, 1.0 / jnp.sqrt(jnp.where(deg > 0, deg, 1.0)), 0.0)
    norm = deg_inv_sqrt[src] * deg_inv_sqrt[dst]
    msg = h[src] * norm[:, None]
    out = jnp.zeros((N, h.shape[1]), dtype=h.dtype).at[dst].add(msg)
    return out + b


def reference(x, edge_index, W0, b0, W1, b1, W2, b2, W_out, b_out):
    src = edge_index[0]
    dst = edge_index[1]
    layer_outputs = []
    h = x
    for (W, b) in ((W0, b0), (W1, b1), (W2, b2)):
        h = _gcn_conv(h, src, dst, W, b)
        layer_outputs.append(h)
    final = jnp.mean(jnp.stack(layer_outputs, axis=0), axis=0)
    final = final @ W_out.T + b_out
    return final

if __name__ == "__main__":
    import jax
    _d = setup_inputs()
    print(jax.jit(kernel)(*tuple(_d.values())))

</pallas_src>

<mosaic_0001>
#map = affine_map<(d0, d1) -> (0, 0)>
#map1 = affine_map<(d0, d1) -> (0, 0, 0)>
module attributes {stable_mosaic.version = 14 : i64} {
  func.func @k(%arg0: i32, %arg1: i32, %arg2: memref<20000x128xf32, #tpu.memory_space<hbm>>, %arg3: memref<32x80x125xi32, #tpu.memory_space<hbm>>, %arg4: memref<16x80x125xi32, #tpu.memory_space<hbm>>, %arg5: memref<20000x128xf32, #tpu.memory_space<hbm>>, %arg6: memref<80x125xi32, #tpu.memory_space<vmem>>, %arg7: memref<80x125xi32, #tpu.memory_space<vmem>>, %arg8: memref<125x128xf32, #tpu.memory_space<vmem>>, %arg9: memref<10000x128xf32, #tpu.memory_space<vmem_shared>>, %arg10: memref<!tpu.dma_semaphore, #tpu.memory_space<semaphore_mem>>) attributes {dimension_semantics = [#tpu.dimension_semantics<core_parallel>, #tpu.dimension_semantics<subcore_parallel>], iteration_bounds = array<i64: 2, 16>, scalar_prefetch = 0 : i64, scratch_operands = 5 : i64, tpu.core_type = #tpu.core_type<sc_vector_subcore>, window_params = [{transform_indices = #map}, {transform_indices = #map1}, {transform_indices = #map1}, {transform_indices = #map}]} {
    %scan3A = arith.constant 0 : i32
    %scan3A_0 = arith.constant 0 : i32
    %scan3A_1 = arith.constant 1000 : i32
    %scan3A_2 = arith.addi %scan3A_0, %scan3A_1 : i32
    %scan3A_3 = arith.constant 1 : i32
    %scan3A_4 = scf.for %scan3A_40 = %scan3A_0 to %scan3A_2 step %scan3A_3 iter_args(%scan3A_41 = %scan3A) -> (i32)  : i32 {
      %jit3A = arith.constant 8 : i32
      %div3A = arith.divsi %scan3A_40, %jit3A : i32
      %sign3A = arith.constant 0 : i32
      %sign3A_42 = arith.cmpi sgt, %scan3A_40, %sign3A : i32
      %sign3A_43 = arith.extui %sign3A_42 : i1 to i32
      %sign3A_44 = arith.constant 0 : i32
      %sign3A_45 = arith.cmpi slt, %scan3A_40, %sign3A_44 : i32
      %sign3A_46 = arith.extui %sign3A_45 : i1 to i32
      %sign3A_47 = arith.subi %sign3A_43, %sign3A_46 : i32
      %sign3A_48 = arith.constant 0 : i32
      %sign3A_49 = arith.cmpi sgt, %jit3A, %sign3A_48 : i32
      %sign3A_50 = arith.extui %sign3A_49 : i1 to i32
      %sign3A_51 = arith.constant 0 : i32
      %sign3A_52 = arith.cmpi slt, %jit3A, %sign3A_51 : i32
      %sign3A_53 = arith.extui %sign3A_52 : i1 to i32
      %sign3A_54 = arith.subi %sign3A_50, %sign3A_53 : i32
      %ne3A = arith.cmpi ne, %sign3A_47, %sign3A_54 : i32
      %rem3A = arith.remsi %scan3A_40, %jit3A : i32
      %ne3A_55 = arith.constant 0 : i32
      %ne3A_56 = arith.cmpi ne, %rem3A, %ne3A_55 : i32
      %and3A = arith.andi %ne3A, %ne3A_56 : i1
      %sub3A = arith.constant 1 : i32
      %sub3A_57 = arith.subi %div3A, %sub3A : i32
      %select_n3A = arith.select %and3A, %sub3A_57, %div3A : i32
      %jit3A_58 = arith.constant 8 : i32
      %eq3A_59 = arith.constant 0 : i32
      %eq3A_60 = arith.cmpi eq, %jit3A_58, %eq3A_59 : i32
      %jit3A_61 = arith.constant 1 : i32
      %select_n3A_62 = arith.select %eq3A_60, %jit3A_61, %jit3A_58 : i32
      %rem3A_63 = arith.remsi %scan3A_40, %select_n3A_62 : i32
      %ne3A_64 = arith.constant 0 : i32
      %ne3A_65 = arith.cmpi ne, %rem3A_63, %ne3A_64 : i32
      %lt3A = arith.constant 0 : i32
      %lt3A_66 = arith.cmpi slt, %rem3A_63, %lt3A : i32
      %lt3A_67 = arith.constant 0 : i32
      %lt3A_68 = arith.cmpi slt, %select_n3A_62, %lt3A_67 : i32
      %ne3A_69 = arith.xori %lt3A_66, %lt3A_68 : i1
      %and3A_70 = arith.andi %ne3A_69, %ne3A_65 : i1
      %add3A_71 = arith.addi %rem3A_63, %select_n3A_62 : i32
      %select_n3A_72 = arith.select %and3A_70, %add3A_71, %rem3A_63 : i32
      %mul3A_73 = arith.constant 16 : i32
      %mul3A_74 = arith.muli %select_n3A_72, %mul3A_73 : i32
      %broadcast_in_dim3A = arith.constant 0.000000e+00 : f32
      %broadcast_in_dim3A_75 = vector.broadcast %broadcast_in_dim3A : f32 to vector<16xf32>
      %swap3A = arith.index_cast %select_n3A : i32 to index
      %swap3A_76 = arith.index_cast %mul3A_74 : i32 to index
      %swap3A_77 = tpu.vector_load %arg8[%swap3A, %swap3A_76] {strides = array<i32>} : memref<125x128xf32, #tpu.memory_space<vmem>>, vector<1x16xf32>,
      %swap3A_78 = vector.shape_cast %swap3A_77 : vector<1x16xf32> to vector<16xf32>
      %swap3A_79 = vector.shape_cast %broadcast_in_dim3A_75 : vector<16xf32> to vector<1x16xf32>
      tpu.vector_store %arg8[%swap3A, %swap3A_76], %swap3A_79 {strides = array<i32>} : memref<125x128xf32, #tpu.memory_space<vmem>>, vector<1x16xf32>,
      %scan3A_80 = arith.constant 0 : i32
      scf.yield %scan3A_80 : i32
    }
    %scan3A_5 = arith.constant 1000 : i32
    %scan3A_6 = arith.constant 0 : i32
    %scan3A_7 = arith.constant 0 : i32
    %scan3A_8 = arith.constant 6 : i32
    %scan3A_9 = arith.addi %scan3A_7, %scan3A_8 : i32
    %scan3A_10 = arith.constant 1 : i32
    %scan3A_11 = scf.for %scan3A_40 = %scan3A_7 to %scan3A_9 step %scan3A_10 iter_args(%scan3A_41 = %scan3A_6) -> (i32)  : i32 {
      %mul3A_42 = arith.constant 624 : i32
      %mul3A_43 = arith.muli %arg1, %mul3A_42 : i32
      %mul3A_44 = arith.constant 96 : i32
      %mul3A_45 = arith.muli %scan3A_40, %mul3A_44 : i32
      %add3A_46 = arith.addi %mul3A_43, %mul3A_45 : i32
      "tpu.region"() ({
        %run_scoped3A = tpu.sem_alloc : memref<!tpu.dma_semaphore, #tpu.memory_space<semaphore_mem>>
        %dma_start3A = arith.constant 0 : i32
        %dma_start3A_48 = arith.constant 0 : i32
        %dma_start3A_49 = tpu.memref_slice %arg8[%dma_start3A, %dma_start3A_48] : memref<125x128xf32, #tpu.memory_space<vmem>> -> memref<96x128xf32, #tpu.memory_space<vmem>>
        %dma_start3A_50 = arith.constant 0 : i32
        %dma_start3A_51 = tpu.memref_slice %arg9[%add3A_46, %dma_start3A_50] : memref<10000x128xf32, #tpu.memory_space<vmem_shared>> -> memref<96x128xf32, #tpu.memory_space<vmem_shared>>
        %dma_start3A_52 = arith.constant 0 : i32
        %dma_start3A_53 = tpu.memref_slice %arg9[%add3A_46, %dma_start3A_52] : memref<10000x128xf32, #tpu.memory_space<vmem_shared>> -> memref<96x128xf32, #tpu.memory_space<vmem_shared>>
        %dma_start3A_54 = arith.constant 0 : i32
        %dma_start3A_55 = arith.constant 0 : i32
        %dma_start3A_56 = tpu.memref_slice %arg8[%dma_start3A_54, %dma_start3A_55] : memref<125x128xf32, #tpu.memory_space<vmem>> -> memref<96x128xf32, #tpu.memory_space<vmem>>
        tpu.enqueue_dma source(%dma_start3A_56 : memref<96x128xf32, #tpu.memory_space<vmem>>) target(%dma_start3A_53 : memref<96x128xf32, #tpu.memory_space<vmem_shared>>) target_semaphore(%run_scoped3A : memref<!tpu.dma_semaphore, #tpu.memory_space<semaphore_mem>>)
        %dma_wait3A = arith.constant 0 : i32
        %dma_wait3A_57 = arith.constant 0 : i32
        %dma_wait3A_58 = tpu.memref_slice %arg8[%dma_wait3A, %dma_wait3A_57] : memref<125x128xf32, #tpu.memory_space<vmem>> -> memref<96x128xf32, #tpu.memory_space<vmem>>
        %dma_wait3A_59 = arith.constant 0 : i32
        %dma_wait3A_60 = tpu.memref_slice %arg9[%add3A_46, %dma_wait3A_59] : memref<10000x128xf32, #tpu.memory_space<vmem_shared>> -> memref<96x128xf32, #tpu.memory_space<vmem_shared>>
        %dma_wait3A_61 = arith.constant 0 : i32
        %dma_wait3A_62 = tpu.memref_slice %arg9[%add3A_46, %dma_wait3A_61] : memref<10000x128xf32, #tpu.memory_space<vmem_shared>> -> memref<96x128xf32, #tpu.memory_space<vmem_shared>>
        %dma_wait3A_63 = arith.constant 0 : i32
        %dma_wait3A_64 = arith.constant 0 : i32
        %dma_wait3A_65 = tpu.memref_slice %arg8[%dma_wait3A_63, %dma_wait3A_64] : memref<125x128xf32, #tpu.memory_space<vmem>> -> memref<96x128xf32, #tpu.memory_space<vmem>>
        tpu.wait_dma2 semaphore(%run_scoped3A : memref<!tpu.dma_semaphore, #tpu.memory_space<semaphore_mem>>) src(%dma_wait3A_65 : memref<96x128xf32, #tpu.memory_space<vmem>>) dst(%dma_wait3A_62 : memref<96x128xf32, #tpu.memory_space<vmem_shared>>)
        tpu.yield
      }) : () -> ()
      %scan3A_47 = arith.constant 0 : i32
      scf.yield %scan3A_47 : i32
    }
    %scan3A_12 = arith.constant 6 : i32
    %mul3A = arith.constant 624 : i32
    %mul3A_13 = arith.muli %arg1, %mul3A : i32
    %add3A = arith.constant 576 : i32
    %add3A_14 = arith.addi %mul3A_13, %add3A : i32
    "tpu.region"() ({
      %run_scoped3A = tpu.sem_alloc : memref<!tpu.dma_semaphore, #tpu.memory_space<semaphore_mem>>
      %dma_start3A = arith.constant 0 : i32
      %dma_start3A_40 = arith.constant 0 : i32
      %dma_start3A_41 = tpu.memref_slice %arg8[%dma_start3A, %dma_start3A_40] : memref<125x128xf32, #tpu.memory_space<vmem>> -> memref<48x128xf32, #tpu.memory_space<vmem>>
      %dma_start3A_42 = arith.constant 0 : i32
      %dma_start3A_43 = tpu.memref_slice %arg9[%add3A_14, %dma_start3A_42] : memref<10000x128xf32, #tpu.memory_space<vmem_shared>> -> memref<48x128xf32, #tpu.memory_space<vmem_shared>>
      %dma_start3A_44 = arith.constant 0 : i32
      %dma_start3A_45 = tpu.memref_slice %arg9[%add3A_14, %dma_start3A_44] : memref<10000x128xf32, #tpu.memory_space<vmem_shared>> -> memref<48x128xf32, #tpu.memory_space<vmem_shared>>
      %dma_start3A_46 = arith.constant 0 : i32
      %dma_start3A_47 = arith.constant 0 : i32
      %dma_start3A_48 = tpu.memref_slice %arg8[%dma_start3A_46, %dma_start3A_47] : memref<125x128xf32, #tpu.memory_space<vmem>> -> memref<48x128xf32, #tpu.memory_space<vmem>>
      tpu.enqueue_dma source(%dma_start3A_48 : memref<48x128xf32, #tpu.memory_space<vmem>>) target(%dma_start3A_45 : memref<48x128xf32, #tpu.memory_space<vmem_shared>>) target_semaphore(%run_scoped3A : memref<!tpu.dma_semaphore, #tpu.memory_space<semaphore_mem>>)
      %dma_wait3A = arith.constant 0 : i32
      %dma_wait3A_49 = arith.constant 0 : i32
      %dma_wait3A_50 = tpu.memref_slice %arg8[%dma_wait3A, %dma_wait3A_49] : memref<125x128xf32, #tpu.memory_space<vmem>> -> memref<48x128xf32, #tpu.memory_space<vmem>>
      %dma_wait3A_51 = arith.constant 0 : i32
      %dma_wait3A_52 = tpu.memref_slice %arg9[%add3A_14, %dma_wait3A_51] : memref<10000x128xf32, #tpu.memory_space<vmem_shared>> -> memref<48x128xf32, #tpu.memory_space<vmem_shared>>
      %dma_wait3A_53 = arith.constant 0 : i32
      %dma_wait3A_54 = tpu.memref_slice %arg9[%add3A_14, %dma_wait3A_53] : memref<10000x128xf32, #tpu.memory_space<vmem_shared>> -> memref<48x128xf32, #tpu.memory_space<vmem_shared>>
      %dma_wait3A_55 = arith.constant 0 : i32
      %dma_wait3A_56 = arith.constant 0 : i32
      %dma_wait3A_57 = tpu.memref_slice %arg8[%dma_wait3A_55, %dma_wait3A_56] : memref<125x128xf32, #tpu.memory_space<vmem>> -> memref<48x128xf32, #tpu.memory_space<vmem>>
      tpu.wait_dma2 semaphore(%run_scoped3A : memref<!tpu.dma_semaphore, #tpu.memory_space<semaphore_mem>>) src(%dma_wait3A_57 : memref<48x128xf32, #tpu.memory_space<vmem>>) dst(%dma_wait3A_54 : memref<48x128xf32, #tpu.memory_space<vmem_shared>>)
      tpu.yield
    }) : () -> ()
    %eq3A = arith.constant 15 : i32
    %eq3A_15 = arith.cmpi eq, %arg1, %eq3A : i32
    %convert_element_type3A = arith.extui %eq3A_15 : i1 to i32
    %cond3A = arith.constant 0 : i32
    %cond3A_16 = arith.cmpi ne, %convert_element_type3A, %cond3A : i32
    scf.if %cond3A_16 {
      "tpu.region"() ({
        %run_scoped3A = tpu.sem_alloc : memref<!tpu.dma_semaphore, #tpu.memory_space<semaphore_mem>>
        %dma_start3A = arith.constant 0 : i32
        %dma_start3A_40 = arith.constant 0 : i32
        %dma_start3A_41 = tpu.memref_slice %arg8[%dma_start3A, %dma_start3A_40] : memref<125x128xf32, #tpu.memory_space<vmem>> -> memref<16x128xf32, #tpu.memory_space<vmem>>
        %dma_start3A_42 = arith.constant 9984 : i32
        %dma_start3A_43 = arith.constant 0 : i32
        %dma_start3A_44 = tpu.memref_slice %arg9[%dma_start3A_42, %dma_start3A_43] : memref<10000x128xf32, #tpu.memory_space<vmem_shared>> -> memref<16x128xf32, #tpu.memory_space<vmem_shared>>
        %dma_start3A_45 = arith.constant 9984 : i32
        %dma_start3A_46 = arith.constant 0 : i32
        %dma_start3A_47 = tpu.memref_slice %arg9[%dma_start3A_45, %dma_start3A_46] : memref<10000x128xf32, #tpu.memory_space<vmem_shared>> -> memref<16x128xf32, #tpu.memory_space<vmem_shared>>
        %dma_start3A_48 = arith.constant 0 : i32
        %dma_start3A_49 = arith.constant 0 : i32
        %dma_start3A_50 = tpu.memref_slice %arg8[%dma_start3A_48, %dma_start3A_49] : memref<125x128xf32, #tpu.memory_space<vmem>> -> memref<16x128xf32, #tpu.memory_space<vmem>>
        tpu.enqueue_dma source(%dma_start3A_50 : memref<16x128xf32, #tpu.memory_space<vmem>>) target(%dma_start3A_47 : memref<16x128xf32, #tpu.memory_space<vmem_shared>>) target_semaphore(%run_scoped3A : memref<!tpu.dma_semaphore, #tpu.memory_space<semaphore_mem>>)
        %dma_wait3A = arith.constant 0 : i32
        %dma_wait3A_51 = arith.constant 0 : i32
        %dma_wait3A_52 = tpu.memref_slice %arg8[%dma_wait3A, %dma_wait3A_51] : memref<125x128xf32, #tpu.memory_space<vmem>> -> memref<16x128xf32, #tpu.memory_space<vmem>>
        %dma_wait3A_53 = arith.constant 9984 : i32
        %dma_wait3A_54 = arith.constant 0 : i32
        %dma_wait3A_55 = tpu.memref_slice %arg9[%dma_wait3A_53, %dma_wait3A_54] : memref<10000x128xf32, #tpu.memory_space<vmem_shared>> -> memref<16x128xf32, #tpu.memory_space<vmem_shared>>
        %dma_wait3A_56 = arith.constant 9984 : i32
        %dma_wait3A_57 = arith.constant 0 : i32
        %dma_wait3A_58 = tpu.memref_slice %arg9[%dma_wait3A_56, %dma_wait3A_57] : memref<10000x128xf32, #tpu.memory_space<vmem_shared>> -> memref<16x128xf32, #tpu.memory_space<vmem_shared>>
        %dma_wait3A_59 = arith.constant 0 : i32
        %dma_wait3A_60 = arith.constant 0 : i32
        %dma_wait3A_61 = tpu.memref_slice %arg8[%dma_wait3A_59, %dma_wait3A_60] : memref<125x128xf32, #tpu.memory_space<vmem>> -> memref<16x128xf32, #tpu.memory_space<vmem>>
        tpu.wait_dma2 semaphore(%run_scoped3A : memref<!tpu.dma_semaphore, #tpu.memory_space<semaphore_mem>>) src(%dma_wait3A_61 : memref<16x128xf32, #tpu.memory_space<vmem>>) dst(%dma_wait3A_58 : memref<16x128xf32, #tpu.memory_space<vmem_shared>>)
        tpu.yield
      }) : () -> ()
    } else {
    }
    %mul3A_17 = arith.constant 16 : i32
    %mul3A_18 = arith.muli %arg0, %mul3A_17 : i32
    %add3A_19 = arith.addi %mul3A_18, %arg1 : i32
    "tpu.region"() ({
      %run_scoped3A = tpu.sem_alloc : memref<!tpu.dma_semaphore, #tpu.memory_space<semaphore_mem>>
      %dma_start3A = arith.constant 0 : i32
      %dma_start3A_40 = arith.constant 0 : i32
      %dma_start3A_41 = tpu.memref_slice %arg3[%add3A_19, %dma_start3A, %dma_start3A_40] : memref<32x80x125xi32, #tpu.memory_space<hbm>> -> memref<1x80x125xi32, #tpu.memory_space<hbm>>
      %dma_start3A_42 = tpu.memref_squeeze %dma_start3A_41 : memref<1x80x125xi32, #tpu.memory_space<hbm>> -> memref<80x125xi32, #tpu.memory_space<hbm>>
      %dma_start3A_43 = arith.constant 0 : i32
      %dma_start3A_44 = arith.constant 0 : i32
      %dma_start3A_45 = tpu.memref_slice %arg3[%add3A_19, %dma_start3A_43, %dma_start3A_44] : memref<32x80x125xi32, #tpu.memory_space<hbm>> -> memref<1x80x125xi32, #tpu.memory_space<hbm>>
      %dma_start3A_46 = tpu.memref_squeeze %dma_start3A_45 : memref<1x80x125xi32, #tpu.memory_space<hbm>> -> memref<80x125xi32, #tpu.memory_space<hbm>>
      tpu.enqueue_dma source(%dma_start3A_46 : memref<80x125xi32, #tpu.memory_space<hbm>>) target(%arg6 : memref<80x125xi32, #tpu.memory_space<vmem>>) target_semaphore(%run_scoped3A : memref<!tpu.dma_semaphore, #tpu.memory_space<semaphore_mem>>)
      %dma_wait3A = arith.constant 0 : i32
      %dma_wait3A_47 = arith.constant 0 : i32
      %dma_wait3A_48 = tpu.memref_slice %arg3[%add3A_19, %dma_wait3A, %dma_wait3A_47] : memref<32x80x125xi32, #tpu.memory_space<hbm>> -> memref<1x80x125xi32, #tpu.memory_space<hbm>>
      %dma_wait3A_49 = tpu.memref_squeeze %dma_wait3A_48 : memref<1x80x125xi32, #tpu.memory_space<hbm>> -> memref<80x125xi32, #tpu.memory_space<hbm>>
      %dma_wait3A_50 = arith.constant 0 : i32
      %dma_wait3A_51 = arith.constant 0 : i32
      %dma_wait3A_52 = tpu.memref_slice %arg3[%add3A_19, %dma_wait3A_50, %dma_wait3A_51] : memref<32x80x125xi32, #tpu.memory_space<hbm>> -> memref<1x80x125xi32, #tpu.memory_space<hbm>>
      %dma_wait3A_53 = tpu.memref_squeeze %dma_wait3A_52 : memref<1x80x125xi32, #tpu.memory_space<hbm>> -> memref<80x125xi32, #tpu.memory_space<hbm>>
      tpu.wait_dma2 semaphore(%run_scoped3A : memref<!tpu.dma_semaphore, #tpu.memory_space<semaphore_mem>>) src(%dma_wait3A_53 : memref<80x125xi32, #tpu.memory_space<hbm>>) dst(%arg6 : memref<80x125xi32, #tpu.memory_space<vmem>>)
      tpu.yield
    }) : () -> ()
    "tpu.region"() ({
      %run_scoped3A = tpu.sem_alloc : memref<!tpu.dma_semaphore, #tpu.memory_space<semaphore_mem>>
      %dma_start3A = arith.constant 0 : i32
      %dma_start3A_40 = arith.constant 0 : i32
      %dma_start3A_41 = tpu.memref_slice %arg4[%arg1, %dma_start3A, %dma_start3A_40] : memref<16x80x125xi32, #tpu.memory_space<hbm>> -> memref<1x80x125xi32, #tpu.memory_space<hbm>>
      %dma_start3A_42 = tpu.memref_squeeze %dma_start3A_41 : memref<1x80x125xi32, #tpu.memory_space<hbm>> -> memref<80x125xi32, #tpu.memory_space<hbm>>
      %dma_start3A_43 = arith.constant 0 : i32
      %dma_start3A_44 = arith.constant 0 : i32
      %dma_start3A_45 = tpu.memref_slice %arg4[%arg1, %dma_start3A_43, %dma_start3A_44] : memref<16x80x125xi32, #tpu.memory_space<hbm>> -> memref<1x80x125xi32, #tpu.memory_space<hbm>>
      %dma_start3A_46 = tpu.memref_squeeze %dma_start3A_45 : memref<1x80x125xi32, #tpu.memory_space<hbm>> -> memref<80x125xi32, #tpu.memory_space<hbm>>
      tpu.enqueue_dma source(%dma_start3A_46 : memref<80x125xi32, #tpu.memory_space<hbm>>) target(%arg7 : memref<80x125xi32, #tpu.memory_space<vmem>>) target_semaphore(%run_scoped3A : memref<!tpu.dma_semaphore, #tpu.memory_space<semaphore_mem>>)
      %dma_wait3A = arith.constant 0 : i32
      %dma_wait3A_47 = arith.constant 0 : i32
      %dma_wait3A_48 = tpu.memref_slice %arg4[%arg1, %dma_wait3A, %dma_wait3A_47] : memref<16x80x125xi32, #tpu.memory_space<hbm>> -> memref<1x80x125xi32, #tpu.memory_space<hbm>>
      %dma_wait3A_49 = tpu.memref_squeeze %dma_wait3A_48 : memref<1x80x125xi32, #tpu.memory_space<hbm>> -> memref<80x125xi32, #tpu.memory_space<hbm>>
      %dma_wait3A_50 = arith.constant 0 : i32
      %dma_wait3A_51 = arith.constant 0 : i32
      %dma_wait3A_52 = tpu.memref_slice %arg4[%arg1, %dma_wait3A_50, %dma_wait3A_51] : memref<16x80x125xi32, #tpu.memory_space<hbm>> -> memref<1x80x125xi32, #tpu.memory_space<hbm>>
      %dma_wait3A_53 = tpu.memref_squeeze %dma_wait3A_52 : memref<1x80x125xi32, #tpu.memory_space<hbm>> -> memref<80x125xi32, #tpu.memory_space<hbm>>
      tpu.wait_dma2 semaphore(%run_scoped3A : memref<!tpu.dma_semaphore, #tpu.memory_space<semaphore_mem>>) src(%dma_wait3A_53 : memref<80x125xi32, #tpu.memory_space<hbm>>) dst(%arg7 : memref<80x125xi32, #tpu.memory_space<vmem>>)
      tpu.yield
    }) : () -> ()
    %barrier3A = arith.constant 0 : index
    tpu.barrier barrier_id(%barrier3A)
    %scan3A_20 = arith.constant 0 : i32
    %scan3A_21 = arith.constant 0 : i32
    %scan3A_22 = arith.constant 80 : i32
    %scan3A_23 = arith.addi %scan3A_21, %scan3A_22 : i32
    %scan3A_24 = arith.constant 1 : i32
    %scan3A_25 = scf.for %scan3A_40 = %scan3A_21 to %scan3A_23 step %scan3A_24 iter_args(%scan3A_41 = %scan3A_20) -> (i32)  : i32 {
      %dma_start3A = arith.constant 0 : i32
      %dma_start3A_42 = tpu.memref_slice %arg6[%scan3A_40, %dma_start3A] : memref<80x125xi32, #tpu.memory_space<vmem>> -> memref<1x125xi32, #tpu.memory_space<vmem>>
      %dma_start3A_43 = tpu.memref_squeeze %dma_start3A_42 : memref<1x125xi32, #tpu.memory_space<vmem>> -> memref<125xi32, #tpu.memory_space<vmem>>
      %dma_start3A_44 = arith.constant 0 : i32
      %dma_start3A_45 = arith.constant 0 : i32
      %dma_start3A_46 = tpu.memref_slice %arg2[%dma_start3A_44, %dma_start3A_45] : memref<20000x128xf32, #tpu.memory_space<hbm>> -> memref<20000x128xf32, #tpu.memory_space<hbm>>
      tpu.enqueue_indirect_dma source(%dma_start3A_46 : memref<20000x128xf32, #tpu.memory_space<hbm>>) target(%arg8 : memref<125x128xf32, #tpu.memory_space<vmem>>) offsets(%dma_start3A_43 : memref<125xi32, #tpu.memory_space<vmem>>) semaphore(%arg10 : memref<!tpu.dma_semaphore, #tpu.memory_space<semaphore_mem>>)
      %dma_wait3A = arith.constant 0 : i32
      %dma_wait3A_47 = tpu.memref_slice %arg6[%scan3A_40, %dma_wait3A] : memref<80x125xi32, #tpu.memory_space<vmem>> -> memref<1x125xi32, #tpu.memory_space<vmem>>
      %dma_wait3A_48 = tpu.memref_squeeze %dma_wait3A_47 : memref<1x125xi32, #tpu.memory_space<vmem>> -> memref<125xi32, #tpu.memory_space<vmem>>
      %dma_wait3A_49 = arith.constant 0 : i32
      %dma_wait3A_50 = arith.constant 0 : i32
      %dma_wait3A_51 = tpu.memref_slice %arg2[%dma_wait3A_49, %dma_wait3A_50] : memref<20000x128xf32, #tpu.memory_space<hbm>> -> memref<20000x128xf32, #tpu.memory_space<hbm>>
      tpu.wait_indirect_dma semaphore(%arg10 : memref<!tpu.dma_semaphore, #tpu.memory_space<semaphore_mem>>) src(%dma_wait3A_51 : memref<20000x128xf32, #tpu.memory_space<hbm>>) dst(%arg8 : memref<125x128xf32, #tpu.memory_space<vmem>>)
      "tpu.region"() ({
        %run_scoped3A = tpu.sem_alloc : memref<!tpu.dma_semaphore, #tpu.memory_space<semaphore_mem>>
        %dma_start3A_53 = arith.constant 0 : i32
        %dma_start3A_54 = tpu.memref_slice %arg7[%scan3A_40, %dma_start3A_53] : memref<80x125xi32, #tpu.memory_space<vmem>> -> memref<1x125xi32, #tpu.memory_space<vmem>>
        %dma_start3A_55 = tpu.memref_squeeze %dma_start3A_54 : memref<1x125xi32, #tpu.memory_space<vmem>> -> memref<125xi32, #tpu.memory_space<vmem>>
        %dma_start3A_56 = arith.constant 0 : i32
        %dma_start3A_57 = arith.constant 0 : i32
        %dma_start3A_58 = tpu.memref_slice %arg9[%dma_start3A_56, %dma_start3A_57] : memref<10000x128xf32, #tpu.memory_space<vmem_shared>> -> memref<10000x128xf32, #tpu.memory_space<vmem_shared>>
        tpu.enqueue_indirect_dma source(%arg8 : memref<125x128xf32, #tpu.memory_space<vmem>>) target(%dma_start3A_58 : memref<10000x128xf32, #tpu.memory_space<vmem_shared>>) offsets(%dma_start3A_55 : memref<125xi32, #tpu.memory_space<vmem>>) semaphore(%run_scoped3A : memref<!tpu.dma_semaphore, #tpu.memory_space<semaphore_mem>>) {add = true}
        %dma_wait3A_59 = arith.constant 0 : i32
        %dma_wait3A_60 = tpu.memref_slice %arg7[%scan3A_40, %dma_wait3A_59] : memref<80x125xi32, #tpu.memory_space<vmem>> -> memref<1x125xi32, #tpu.memory_space<vmem>>
        %dma_wait3A_61 = tpu.memref_squeeze %dma_wait3A_60 : memref<1x125xi32, #tpu.memory_space<vmem>> -> memref<125xi32, #tpu.memory_space<vmem>>
        %dma_wait3A_62 = arith.constant 0 : i32
        %dma_wait3A_63 = arith.constant 0 : i32
        %dma_wait3A_64 = tpu.memref_slice %arg9[%dma_wait3A_62, %dma_wait3A_63] : memref<10000x128xf32, #tpu.memory_space<vmem_shared>> -> memref<10000x128xf32, #tpu.memory_space<vmem_shared>>
        tpu.wait_indirect_dma semaphore(%run_scoped3A : memref<!tpu.dma_semaphore, #tpu.memory_space<semaphore_mem>>) src(%arg8 : memref<125x128xf32, #tpu.memory_space<vmem>>) dst(%dma_wait3A_64 : memref<10000x128xf32, #tpu.memory_space<vmem_shared>>)
        tpu.yield
      }) : () -> ()
      %scan3A_52 = arith.constant 0 : i32
      scf.yield %scan3A_52 : i32
    }
    %scan3A_26 = arith.constant 80 : i32
    %barrier3A_27 = arith.constant 0 : index
    tpu.barrier barrier_id(%barrier3A_27)
    %mul3A_28 = arith.constant 624 : i32
    %mul3A_29 = arith.muli %arg1, %mul3A_28 : i32
    %mul3A_30 = arith.constant 10000 : i32
    %mul3A_31 = arith.muli %arg0, %mul3A_30 : i32
    %mul3A_32 = arith.constant 624 : i32
    %mul3A_33 = arith.muli %arg1, %mul3A_32 : i32
    %add3A_34 = arith.addi %mul3A_31, %mul3A_33 : i32
    "tpu.region"() ({
      %run_scoped3A = tpu.sem_alloc : memref<!tpu.dma_semaphore, #tpu.memory_space<semaphore_mem>>
      %dma_start3A = arith.constant 0 : i32
      %dma_start3A_40 = tpu.memref_slice %arg5[%add3A_34, %dma_start3A] : memref<20000x128xf32, #tpu.memory_space<hbm>> -> memref<624x128xf32, #tpu.memory_space<hbm>>
      %dma_start3A_41 = arith.constant 0 : i32
      %dma_start3A_42 = tpu.memref_slice %arg9[%mul3A_29, %dma_start3A_41] : memref<10000x128xf32, #tpu.memory_space<vmem_shared>> -> memref<624x128xf32, #tpu.memory_space<vmem_shared>>
      tpu.enqueue_dma source(%dma_start3A_42 : memref<624x128xf32, #tpu.memory_space<vmem_shared>>) target(%dma_start3A_40 : memref<624x128xf32, #tpu.memory_space<hbm>>) target_semaphore(%run_scoped3A : memref<!tpu.dma_semaphore, #tpu.memory_space<semaphore_mem>>)
      %dma_wait3A = arith.constant 0 : i32
      %dma_wait3A_43 = tpu.memref_slice %arg5[%add3A_34, %dma_wait3A] : memref<20000x128xf32, #tpu.memory_space<hbm>> -> memref<624x128xf32, #tpu.memory_space<hbm>>
      %dma_wait3A_44 = arith.constant 0 : i32
      %dma_wait3A_45 = tpu.memref_slice %arg9[%mul3A_29, %dma_wait3A_44] : memref<10000x128xf32, #tpu.memory_space<vmem_shared>> -> memref<624x128xf32, #tpu.memory_space<vmem_shared>>
      tpu.wait_dma2 semaphore(%run_scoped3A : memref<!tpu.dma_semaphore, #tpu.memory_space<semaphore_mem>>) src(%dma_wait3A_45 : memref<624x128xf32, #tpu.memory_space<vmem_shared>>) dst(%dma_wait3A_43 : memref<624x128xf32, #tpu.memory_space<hbm>>)
      tpu.yield
    }) : () -> ()
    %eq3A_35 = arith.constant 15 : i32
    %eq3A_36 = arith.cmpi eq, %arg1, %eq3A_35 : i32
    %convert_element_type3A_37 = arith.extui %eq3A_36 : i1 to i32
    %cond3A_38 = arith.constant 0 : i32
    %cond3A_39 = arith.cmpi ne, %convert_element_type3A_37, %cond3A_38 : i32
    scf.if %cond3A_39 {
      %mul3A_40 = arith.constant 10000 : i32
      %mul3A_41 = arith.muli %arg0, %mul3A_40 : i32
      %add3A_42 = arith.constant 9984 : i32
      %add3A_43 = arith.addi %mul3A_41, %add3A_42 : i32
      "tpu.region"() ({
        %run_scoped3A = tpu.sem_alloc : memref<!tpu.dma_semaphore, #tpu.memory_space<semaphore_mem>>
        %dma_start3A = arith.constant 0 : i32
        %dma_start3A_44 = tpu.memref_slice %arg5[%add3A_43, %dma_start3A] : memref<20000x128xf32, #tpu.memory_space<hbm>> -> memref<16x128xf32, #tpu.memory_space<hbm>>
        %dma_start3A_45 = arith.constant 9984 : i32
        %dma_start3A_46 = arith.constant 0 : i32
        %dma_start3A_47 = tpu.memref_slice %arg9[%dma_start3A_45, %dma_start3A_46] : memref<10000x128xf32, #tpu.memory_space<vmem_shared>> -> memref<16x128xf32, #tpu.memory_space<vmem_shared>>
        tpu.enqueue_dma source(%dma_start3A_47 : memref<16x128xf32, #tpu.memory_space<vmem_shared>>) target(%dma_start3A_44 : memref<16x128xf32, #tpu.memory_space<hbm>>) target_semaphore(%run_scoped3A : memref<!tpu.dma_semaphore, #tpu.memory_space<semaphore_mem>>)
        %dma_wait3A = arith.constant 0 : i32
        %dma_wait3A_48 = tpu.memref_slice %arg5[%add3A_43, %dma_wait3A] : memref<20000x128xf32, #tpu.memory_space<hbm>> -> memref<16x128xf32, #tpu.memory_space<hbm>>
        %dma_wait3A_49 = arith.constant 9984 : i32
        %dma_wait3A_50 = arith.constant 0 : i32
        %dma_wait3A_51 = tpu.memref_slice %arg9[%dma_wait3A_49, %dma_wait3A_50] : memref<10000x128xf32, #tpu.memory_space<vmem_shared>> -> memref<16x128xf32, #tpu.memory_space<vmem_shared>>
        tpu.wait_dma2 semaphore(%run_scoped3A : memref<!tpu.dma_semaphore, #tpu.memory_space<semaphore_mem>>) src(%dma_wait3A_51 : memref<16x128xf32, #tpu.memory_space<vmem_shared>>) dst(%dma_wait3A_48 : memref<16x128xf32, #tpu.memory_space<hbm>>)
        tpu.yield
      }) : () -> ()
    } else {
    }
    return
  }
}

#map = affine_map<(d0, d1) -> (0, 0, 0)>
#map1 = affine_map<(d0, d1) -> (0, 0)>
module attributes {stable_mosaic.version = 14 : i64} {
  func.func @k(%arg0: i32, %arg1: i32, %arg2: memref<32x40x125xi32, #tpu.memory_space<hbm>>, %arg3: memref<20000x128xf32, #tpu.memory_space<hbm>>, %arg4: memref<40x125xi32, #tpu.memory_space<vmem>>, %arg5: memref<125x128xf32, #tpu.memory_space<vmem>>, %arg6: memref<104x128xf32, #tpu.memory_space<vmem>>, %arg7: memref<10000x128xf32, #tpu.memory_space<vmem_shared>>) attributes {dimension_semantics = [#tpu.dimension_semantics<core_parallel>, #tpu.dimension_semantics<subcore_parallel>], iteration_bounds = array<i64: 2, 16>, scalar_prefetch = 0 : i64, scratch_operands = 4 : i64, tpu.core_type = #tpu.core_type<sc_vector_subcore>, window_params = [{transform_indices = #map}, {transform_indices = #map1}]} {
    %scan3A = arith.constant 0 : i32
    %scan3A_0 = arith.constant 0 : i32
    %scan3A_1 = arith.constant 1000 : i32
    %scan3A_2 = arith.addi %scan3A_0, %scan3A_1 : i32
    %scan3A_3 = arith.constant 1 : i32
    %scan3A_4 = scf.for %scan3A_47 = %scan3A_0 to %scan3A_2 step %scan3A_3 iter_args(%scan3A_48 = %scan3A) -> (i32)  : i32 {
      %jit3A = arith.constant 8 : i32
      %div3A = arith.divsi %scan3A_47, %jit3A : i32
      %sign3A = arith.constant 0 : i32
      %sign3A_49 = arith.cmpi sgt, %scan3A_47, %sign3A : i32
      %sign3A_50 = arith.extui %sign3A_49 : i1 to i32
      %sign3A_51 = arith.constant 0 : i32
      %sign3A_52 = arith.cmpi slt, %scan3A_47, %sign3A_51 : i32
      %sign3A_53 = arith.extui %sign3A_52 : i1 to i32
      %sign3A_54 = arith.subi %sign3A_50, %sign3A_53 : i32
      %sign3A_55 = arith.constant 0 : i32
      %sign3A_56 = arith.cmpi sgt, %jit3A, %sign3A_55 : i32
      %sign3A_57 = arith.extui %sign3A_56 : i1 to i32
      %sign3A_58 = arith.constant 0 : i32
      %sign3A_59 = arith.cmpi slt, %jit3A, %sign3A_58 : i32
      %sign3A_60 = arith.extui %sign3A_59 : i1 to i32
      %sign3A_61 = arith.subi %sign3A_57, %sign3A_60 : i32
      %ne3A = arith.cmpi ne, %sign3A_54, %sign3A_61 : i32
      %rem3A = arith.remsi %scan3A_47, %jit3A : i32
      %ne3A_62 = arith.constant 0 : i32
      %ne3A_63 = arith.cmpi ne, %rem3A, %ne3A_62 : i32
      %and3A = arith.andi %ne3A, %ne3A_63 : i1
      %sub3A = arith.constant 1 : i32
      %sub3A_64 = arith.subi %div3A, %sub3A : i32
      %select_n3A = arith.select %and3A, %sub3A_64, %div3A : i32
      %jit3A_65 = arith.constant 8 : i32
      %eq3A_66 = arith.constant 0 : i32
      %eq3A_67 = arith.cmpi eq, %jit3A_65, %eq3A_66 : i32
      %jit3A_68 = arith.constant 1 : i32
      %select_n3A_69 = arith.select %eq3A_67, %jit3A_68, %jit3A_65 : i32
      %rem3A_70 = arith.remsi %scan3A_47, %select_n3A_69 : i32
      %ne3A_71 = arith.constant 0 : i32
      %ne3A_72 = arith.cmpi ne, %rem3A_70, %ne3A_71 : i32
      %lt3A = arith.constant 0 : i32
      %lt3A_73 = arith.cmpi slt, %rem3A_70, %lt3A : i32
      %lt3A_74 = arith.constant 0 : i32
      %lt3A_75 = arith.cmpi slt, %select_n3A_69, %lt3A_74 : i32
      %ne3A_76 = arith.xori %lt3A_73, %lt3A_75 : i1
      %and3A_77 = arith.andi %ne3A_76, %ne3A_72 : i1
      %add3A_78 = arith.addi %rem3A_70, %select_n3A_69 : i32
      %select_n3A_79 = arith.select %and3A_77, %add3A_78, %rem3A_70 : i32
      %mul3A_80 = arith.constant 16 : i32
      %mul3A_81 = arith.muli %select_n3A_79, %mul3A_80 : i32
      %broadcast_in_dim3A = arith.constant 1.000000e+00 : f32
      %broadcast_in_dim3A_82 = vector.broadcast %broadcast_in_dim3A : f32 to vector<16xf32>
      %swap3A = arith.index_cast %select_n3A : i32 to index
      %swap3A_83 = arith.index_cast %mul3A_81 : i32 to index
      %swap3A_84 = tpu.vector_load %arg5[%swap3A, %swap3A_83] {strides = array<i32>} : memref<125x128xf32, #tpu.memory_space<vmem>>, vector<1x16xf32>,
      %swap3A_85 = vector.shape_cast %swap3A_84 : vector<1x16xf32> to vector<16xf32>
      %swap3A_86 = vector.shape_cast %broadcast_in_dim3A_82 : vector<16xf32> to vector<1x16xf32>
      tpu.vector_store %arg5[%swap3A, %swap3A_83], %swap3A_86 {strides = array<i32>} : memref<125x128xf32, #tpu.memory_space<vmem>>, vector<1x16xf32>,
      %scan3A_87 = arith.constant 0 : i32
      scf.yield %scan3A_87 : i32
    }
    %scan3A_5 = arith.constant 1000 : i32
    %scan3A_6 = arith.constant 0 : i32
    %scan3A_7 = arith.constant 0 : i32
    %scan3A_8 = arith.constant 832 : i32
    %scan3A_9 = arith.addi %scan3A_7, %scan3A_8 : i32
    %scan3A_10 = arith.constant 1 : i32
    %scan3A_11 = scf.for %scan3A_47 = %scan3A_7 to %scan3A_9 step %scan3A_10 iter_args(%scan3A_48 = %scan3A_6) -> (i32)  : i32 {
      %jit3A = arith.constant 8 : i32
      %div3A = arith.divsi %scan3A_47, %jit3A : i32
      %sign3A = arith.constant 0 : i32
      %sign3A_49 = arith.cmpi sgt, %scan3A_47, %sign3A : i32
      %sign3A_50 = arith.extui %sign3A_49 : i1 to i32
      %sign3A_51 = arith.constant 0 : i32
      %sign3A_52 = arith.cmpi slt, %scan3A_47, %sign3A_51 : i32
      %sign3A_53 = arith.extui %sign3A_52 : i1 to i32
      %sign3A_54 = arith.subi %sign3A_50, %sign3A_53 : i32
      %sign3A_55 = arith.constant 0 : i32
      %sign3A_56 = arith.cmpi sgt, %jit3A, %sign3A_55 : i32
      %sign3A_57 = arith.extui %sign3A_56 : i1 to i32
      %sign3A_58 = arith.constant 0 : i32
      %sign3A_59 = arith.cmpi slt, %jit3A, %sign3A_58 : i32
      %sign3A_60 = arith.extui %sign3A_59 : i1 to i32
      %sign3A_61 = arith.subi %sign3A_57, %sign3A_60 : i32
      %ne3A = arith.cmpi ne, %sign3A_54, %sign3A_61 : i32
      %rem3A = arith.remsi %scan3A_47, %jit3A : i32
      %ne3A_62 = arith.constant 0 : i32
      %ne3A_63 = arith.cmpi ne, %rem3A, %ne3A_62 : i32
      %and3A = arith.andi %ne3A, %ne3A_63 : i1
      %sub3A = arith.constant 1 : i32
      %sub3A_64 = arith.subi %div3A, %sub3A : i32
      %select_n3A = arith.select %and3A, %sub3A_64, %div3A : i32
      %jit3A_65 = arith.constant 8 : i32
      %eq3A_66 = arith.constant 0 : i32
      %eq3A_67 = arith.cmpi eq, %jit3A_65, %eq3A_66 : i32
      %jit3A_68 = arith.constant 1 : i32
      %select_n3A_69 = arith.select %eq3A_67, %jit3A_68, %jit3A_65 : i32
      %rem3A_70 = arith.remsi %scan3A_47, %select_n3A_69 : i32
      %ne3A_71 = arith.constant 0 : i32
      %ne3A_72 = arith.cmpi ne, %rem3A_70, %ne3A_71 : i32
      %lt3A = arith.constant 0 : i32
      %lt3A_73 = arith.cmpi slt, %rem3A_70, %lt3A : i32
      %lt3A_74 = arith.constant 0 : i32
      %lt3A_75 = arith.cmpi slt, %select_n3A_69, %lt3A_74 : i32
      %ne3A_76 = arith.xori %lt3A_73, %lt3A_75 : i1
      %and3A_77 = arith.andi %ne3A_76, %ne3A_72 : i1
      %add3A_78 = arith.addi %rem3A_70, %select_n3A_69 : i32
      %select_n3A_79 = arith.select %and3A_77, %add3A_78, %rem3A_70 : i32
      %mul3A_80 = arith.constant 16 : i32
      %mul3A_81 = arith.muli %select_n3A_79, %mul3A_80 : i32
      %broadcast_in_dim3A = arith.constant 0.000000e+00 : f32
      %broadcast_in_dim3A_82 = vector.broadcast %broadcast_in_dim3A : f32 to vector<16xf32>
      %swap3A = arith.index_cast %select_n3A : i32 to index
      %swap3A_83 = arith.index_cast %mul3A_81 : i32 to index
      %swap3A_84 = tpu.vector_load %arg6[%swap3A, %swap3A_83] {strides = array<i32>} : memref<104x128xf32, #tpu.memory_space<vmem>>, vector<1x16xf32>,
      %swap3A_85 = vector.shape_cast %swap3A_84 : vector<1x16xf32> to vector<16xf32>
      %swap3A_86 = vector.shape_cast %broadcast_in_dim3A_82 : vector<16xf32> to vector<1x16xf32>
      tpu.vector_store %arg6[%swap3A, %swap3A_83], %swap3A_86 {strides = array<i32>} : memref<104x128xf32, #tpu.memory_space<vmem>>, vector<1x16xf32>,
      %scan3A_87 = arith.constant 0 : i32
      scf.yield %scan3A_87 : i32
    }
    %scan3A_12 = arith.constant 832 : i32
    %scan3A_13 = arith.constant 0 : i32
    %scan3A_14 = arith.constant 0 : i32
    %scan3A_15 = arith.constant 6 : i32
    %scan3A_16 = arith.addi %scan3A_14, %scan3A_15 : i32
    %scan3A_17 = arith.constant 1 : i32
    %scan3A_18 = scf.for %scan3A_47 = %scan3A_14 to %scan3A_16 step %scan3A_17 iter_args(%scan3A_48 = %scan3A_13) -> (i32)  : i32 {
      %mul3A_49 = arith.constant 624 : i32
      %mul3A_50 = arith.muli %arg1, %mul3A_49 : i32
      %mul3A_51 = arith.constant 96 : i32
      %mul3A_52 = arith.muli %scan3A_47, %mul3A_51 : i32
      %add3A_53 = arith.addi %mul3A_50, %mul3A_52 : i32
      "tpu.region"() ({
        %run_scoped3A = tpu.sem_alloc : memref<!tpu.dma_semaphore, #tpu.memory_space<semaphore_mem>>
        %dma_start3A = arith.constant 0 : i32
        %dma_start3A_55 = arith.constant 0 : i32
        %dma_start3A_56 = tpu.memref_slice %arg6[%dma_start3A, %dma_start3A_55] : memref<104x128xf32, #tpu.memory_space<vmem>> -> memref<96x128xf32, #tpu.memory_space<vmem>>
        %dma_start3A_57 = arith.constant 0 : i32
        %dma_start3A_58 = tpu.memref_slice %arg7[%add3A_53, %dma_start3A_57] : memref<10000x128xf32, #tpu.memory_space<vmem_shared>> -> memref<96x128xf32, #tpu.memory_space<vmem_shared>>
        %dma_start3A_59 = arith.constant 0 : i32
        %dma_start3A_60 = tpu.memref_slice %arg7[%add3A_53, %dma_start3A_59] : memref<10000x128xf32, #tpu.memory_space<vmem_shared>> -> memref<96x128xf32, #tpu.memory_space<vmem_shared>>
        %dma_start3A_61 = arith.constant 0 : i32
        %dma_start3A_62 = arith.constant 0 : i32
        %dma_start3A_63 = tpu.memref_slice %arg6[%dma_start3A_61, %dma_start3A_62] : memref<104x128xf32, #tpu.memory_space<vmem>> -> memref<96x128xf32, #tpu.memory_space<vmem>>
        tpu.enqueue_dma source(%dma_start3A_63 : memref<96x128xf32, #tpu.memory_space<vmem>>) target(%dma_start3A_60 : memref<96x128xf32, #tpu.memory_space<vmem_shared>>) target_semaphore(%run_scoped3A : memref<!tpu.dma_semaphore, #tpu.memory_space<semaphore_mem>>)
        %dma_wait3A = arith.constant 0 : i32
        %dma_wait3A_64 = arith.constant 0 : i32
        %dma_wait3A_65 = tpu.memref_slice %arg6[%dma_wait3A, %dma_wait3A_64] : memref<104x128xf32, #tpu.memory_space<vmem>> -> memref<96x128xf32, #tpu.memory_space<vmem>>
        %dma_wait3A_66 = arith.constant 0 : i32
        %dma_wait3A_67 = tpu.memref_slice %arg7[%add3A_53, %dma_wait3A_66] : memref<10000x128xf32, #tpu.memory_space<vmem_shared>> -> memref<96x128xf32, #tpu.memory_space<vmem_shared>>
        %dma_wait3A_68 = arith.constant 0 : i32
        %dma_wait3A_69 = tpu.memref_slice %arg7[%add3A_53, %dma_wait3A_68] : memref<10000x128xf32, #tpu.memory_space<vmem_shared>> -> memref<96x128xf32, #tpu.memory_space<vmem_shared>>
        %dma_wait3A_70 = arith.constant 0 : i32
        %dma_wait3A_71 = arith.constant 0 : i32
        %dma_wait3A_72 = tpu.memref_slice %arg6[%dma_wait3A_70, %dma_wait3A_71] : memref<104x128xf32, #tpu.memory_space<vmem>> -> memref<96x128xf32, #tpu.memory_space<vmem>>
        tpu.wait_dma2 semaphore(%run_scoped3A : memref<!tpu.dma_semaphore, #tpu.memory_space<semaphore_mem>>) src(%dma_wait3A_72 : memref<96x128xf32, #tpu.memory_space<vmem>>) dst(%dma_wait3A_69 : memref<96x128xf32, #tpu.memory_space<vmem_shared>>)
        tpu.yield
      }) : () -> ()
      %scan3A_54 = arith.constant 0 : i32
      scf.yield %scan3A_54 : i32
    }
    %scan3A_19 = arith.constant 6 : i32
    %mul3A = arith.constant 624 : i32
    %mul3A_20 = arith.muli %arg1, %mul3A : i32
    %add3A = arith.constant 576 : i32
    %add3A_21 = arith.addi %mul3A_20, %add3A : i32
    "tpu.region"() ({
      %run_scoped3A = tpu.sem_alloc : memref<!tpu.dma_semaphore, #tpu.memory_space<semaphore_mem>>
      %dma_start3A = arith.constant 0 : i32
      %dma_start3A_47 = arith.constant 0 : i32
      %dma_start3A_48 = tpu.memref_slice %arg6[%dma_start3A, %dma_start3A_47] : memref<104x128xf32, #tpu.memory_space<vmem>> -> memref<48x128xf32, #tpu.memory_space<vmem>>
      %dma_start3A_49 = arith.constant 0 : i32
      %dma_start3A_50 = tpu.memref_slice %arg7[%add3A_21, %dma_start3A_49] : memref<10000x128xf32, #tpu.memory_space<vmem_shared>> -> memref<48x128xf32, #tpu.memory_space<vmem_shared>>
      %dma_start3A_51 = arith.constant 0 : i32
      %dma_start3A_52 = tpu.memref_slice %arg7[%add3A_21, %dma_start3A_51] : memref<10000x128xf32, #tpu.memory_space<vmem_shared>> -> memref<48x128xf32, #tpu.memory_space<vmem_shared>>
      %dma_start3A_53 = arith.constant 0 : i32
      %dma_start3A_54 = arith.constant 0 : i32
      %dma_start3A_55 = tpu.memref_slice %arg6[%dma_start3A_53, %dma_start3A_54] : memref<104x128xf32, #tpu.memory_space<vmem>> -> memref<48x128xf32, #tpu.memory_space<vmem>>
      tpu.enqueue_dma source(%dma_start3A_55 : memref<48x128xf32, #tpu.memory_space<vmem>>) target(%dma_start3A_52 : memref<48x128xf32, #tpu.memory_space<vmem_shared>>) target_semaphore(%run_scoped3A : memref<!tpu.dma_semaphore, #tpu.memory_space<semaphore_mem>>)
      %dma_wait3A = arith.constant 0 : i32
      %dma_wait3A_56 = arith.constant 0 : i32
      %dma_wait3A_57 = tpu.memref_slice %arg6[%dma_wait3A, %dma_wait3A_56] : memref<104x128xf32, #tpu.memory_space<vmem>> -> memref<48x128xf32, #tpu.memory_space<vmem>>
      %dma_wait3A_58 = arith.constant 0 : i32
      %dma_wait3A_59 = tpu.memref_slice %arg7[%add3A_21, %dma_wait3A_58] : memref<10000x128xf32, #tpu.memory_space<vmem_shared>> -> memref<48x128xf32, #tpu.memory_space<vmem_shared>>
      %dma_wait3A_60 = arith.constant 0 : i32
      %dma_wait3A_61 = tpu.memref_slice %arg7[%add3A_21, %dma_wait3A_60] : memref<10000x128xf32, #tpu.memory_space<vmem_shared>> -> memref<48x128xf32, #tpu.memory_space<vmem_shared>>
      %dma_wait3A_62 = arith.constant 0 : i32
      %dma_wait3A_63 = arith.constant 0 : i32
      %dma_wait3A_64 = tpu.memref_slice %arg6[%dma_wait3A_62, %dma_wait3A_63] : memref<104x128xf32, #tpu.memory_space<vmem>> -> memref<48x128xf32, #tpu.memory_space<vmem>>
      tpu.wait_dma2 semaphore(%run_scoped3A : memref<!tpu.dma_semaphore, #tpu.memory_space<semaphore_mem>>) src(%dma_wait3A_64 : memref<48x128xf32, #tpu.memory_space<vmem>>) dst(%dma_wait3A_61 : memref<48x128xf32, #tpu.memory_space<vmem_shared>>)
      tpu.yield
    }) : () -> ()
    %eq3A = arith.constant 15 : i32
    %eq3A_22 = arith.cmpi eq, %arg1, %eq3A : i32
    %convert_element_type3A = arith.extui %eq3A_22 : i1 to i32
    %cond3A = arith.constant 0 : i32
    %cond3A_23 = arith.cmpi ne, %convert_element_type3A, %cond3A : i32
    scf.if %cond3A_23 {
      "tpu.region"() ({
        %run_scoped3A = tpu.sem_alloc : memref<!tpu.dma_semaphore, #tpu.memory_space<semaphore_mem>>
        %dma_start3A = arith.constant 0 : i32
        %dma_start3A_47 = arith.constant 0 : i32
        %dma_start3A_48 = tpu.memref_slice %arg6[%dma_start3A, %dma_start3A_47] : memref<104x128xf32, #tpu.memory_space<vmem>> -> memref<16x128xf32, #tpu.memory_space<vmem>>
        %dma_start3A_49 = arith.constant 9984 : i32
        %dma_start3A_50 = arith.constant 0 : i32
        %dma_start3A_51 = tpu.memref_slice %arg7[%dma_start3A_49, %dma_start3A_50] : memref<10000x128xf32, #tpu.memory_space<vmem_shared>> -> memref<16x128xf32, #tpu.memory_space<vmem_shared>>
        %dma_start3A_52 = arith.constant 9984 : i32
        %dma_start3A_53 = arith.constant 0 : i32
        %dma_start3A_54 = tpu.memref_slice %arg7[%dma_start3A_52, %dma_start3A_53] : memref<10000x128xf32, #tpu.memory_space<vmem_shared>> -> memref<16x128xf32, #tpu.memory_space<vmem_shared>>
        %dma_start3A_55 = arith.constant 0 : i32
        %dma_start3A_56 = arith.constant 0 : i32
        %dma_start3A_57 = tpu.memref_slice %arg6[%dma_start3A_55, %dma_start3A_56] : memref<104x128xf32, #tpu.memory_space<vmem>> -> memref<16x128xf32, #tpu.memory_space<vmem>>
        tpu.enqueue_dma source(%dma_start3A_57 : memref<16x128xf32, #tpu.memory_space<vmem>>) target(%dma_start3A_54 : memref<16x128xf32, #tpu.memory_space<vmem_shared>>) target_semaphore(%run_scoped3A : memref<!tpu.dma_semaphore, #tpu.memory_space<semaphore_mem>>)
        %dma_wait3A = arith.constant 0 : i32
        %dma_wait3A_58 = arith.constant 0 : i32
        %dma_wait3A_59 = tpu.memref_slice %arg6[%dma_wait3A, %dma_wait3A_58] : memref<104x128xf32, #tpu.memory_space<vmem>> -> memref<16x128xf32, #tpu.memory_space<vmem>>
        %dma_wait3A_60 = arith.constant 9984 : i32
        %dma_wait3A_61 = arith.constant 0 : i32
        %dma_wait3A_62 = tpu.memref_slice %arg7[%dma_wait3A_60, %dma_wait3A_61] : memref<10000x128xf32, #tpu.memory_space<vmem_shared>> -> memref<16x128xf32, #tpu.memory_space<vmem_shared>>
        %dma_wait3A_63 = arith.constant 9984 : i32
        %dma_wait3A_64 = arith.constant 0 : i32
        %dma_wait3A_65 = tpu.memref_slice %arg7[%dma_wait3A_63, %dma_wait3A_64] : memref<10000x128xf32, #tpu.memory_space<vmem_shared>> -> memref<16x128xf32, #tpu.memory_space<vmem_shared>>
        %dma_wait3A_66 = arith.constant 0 : i32
        %dma_wait3A_67 = arith.constant 0 : i32
        %dma_wait3A_68 = tpu.memref_slice %arg6[%dma_wait3A_66, %dma_wait3A_67] : memref<104x128xf32, #tpu.memory_space<vmem>> -> memref<16x128xf32, #tpu.memory_space<vmem>>
        tpu.wait_dma2 semaphore(%run_scoped3A : memref<!tpu.dma_semaphore, #tpu.memory_space<semaphore_mem>>) src(%dma_wait3A_68 : memref<16x128xf32, #tpu.memory_space<vmem>>) dst(%dma_wait3A_65 : memref<16x128xf32, #tpu.memory_space<vmem_shared>>)
        tpu.yield
      }) : () -> ()
    } else {
    }
    %mul3A_24 = arith.constant 16 : i32
    %mul3A_25 = arith.muli %arg0, %mul3A_24 : i32
    %add3A_26 = arith.addi %mul3A_25, %arg1 : i32
    "tpu.region"() ({
      %run_scoped3A = tpu.sem_alloc : memref<!tpu.dma_semaphore, #tpu.memory_space<semaphore_mem>>
      %dma_start3A = arith.constant 0 : i32
      %dma_start3A_47 = arith.constant 0 : i32
      %dma_start3A_48 = tpu.memref_slice %arg2[%add3A_26, %dma_start3A, %dma_start3A_47] : memref<32x40x125xi32, #tpu.memory_space<hbm>> -> memref<1x40x125xi32, #tpu.memory_space<hbm>>
      %dma_start3A_49 = tpu.memref_squeeze %dma_start3A_48 : memref<1x40x125xi32, #tpu.memory_space<hbm>> -> memref<40x125xi32, #tpu.memory_space<hbm>>
      %dma_start3A_50 = arith.constant 0 : i32
      %dma_start3A_51 = arith.constant 0 : i32
      %dma_start3A_52 = tpu.memref_slice %arg2[%add3A_26, %dma_start3A_50, %dma_start3A_51] : memref<32x40x125xi32, #tpu.memory_space<hbm>> -> memref<1x40x125xi32, #tpu.memory_space<hbm>>
      %dma_start3A_53 = tpu.memref_squeeze %dma_start3A_52 : memref<1x40x125xi32, #tpu.memory_space<hbm>> -> memref<40x125xi32, #tpu.memory_space<hbm>>
      tpu.enqueue_dma source(%dma_start3A_53 : memref<40x125xi32, #tpu.memory_space<hbm>>) target(%arg4 : memref<40x125xi32, #tpu.memory_space<vmem>>) target_semaphore(%run_scoped3A : memref<!tpu.dma_semaphore, #tpu.memory_space<semaphore_mem>>)
      %dma_wait3A = arith.constant 0 : i32
      %dma_wait3A_54 = arith.constant 0 : i32
      %dma_wait3A_55 = tpu.memref_slice %arg2[%add3A_26, %dma_wait3A, %dma_wait3A_54] : memref<32x40x125xi32, #tpu.memory_space<hbm>> -> memref<1x40x125xi32, #tpu.memory_space<hbm>>
      %dma_wait3A_56 = tpu.memref_squeeze %dma_wait3A_55 : memref<1x40x125xi32, #tpu.memory_space<hbm>> -> memref<40x125xi32, #tpu.memory_space<hbm>>
      %dma_wait3A_57 = arith.constant 0 : i32
      %dma_wait3A_58 = arith.constant 0 : i32
      %dma_wait3A_59 = tpu.memref_slice %arg2[%add3A_26, %dma_wait3A_57, %dma_wait3A_58] : memref<32x40x125xi32, #tpu.memory_space<hbm>> -> memref<1x40x125xi32, #tpu.memory_space<hbm>>
      %dma_wait3A_60 = tpu.memref_squeeze %dma_wait3A_59 : memref<1x40x125xi32, #tpu.memory_space<hbm>> -> memref<40x125xi32, #tpu.memory_space<hbm>>
      tpu.wait_dma2 semaphore(%run_scoped3A : memref<!tpu.dma_semaphore, #tpu.memory_space<semaphore_mem>>) src(%dma_wait3A_60 : memref<40x125xi32, #tpu.memory_space<hbm>>) dst(%arg4 : memref<40x125xi32, #tpu.memory_space<vmem>>)
      tpu.yield
    }) : () -> ()
    %barrier3A = arith.constant 0 : index
    tpu.barrier barrier_id(%barrier3A)
    %scan3A_27 = arith.constant 0 : i32
    %scan3A_28 = arith.constant 0 : i32
    %scan3A_29 = arith.constant 40 : i32
    %scan3A_30 = arith.addi %scan3A_28, %scan3A_29 : i32
    %scan3A_31 = arith.constant 1 : i32
    %scan3A_32 = scf.for %scan3A_47 = %scan3A_28 to %scan3A_30 step %scan3A_31 iter_args(%scan3A_48 = %scan3A_27) -> (i32)  : i32 {
      "tpu.region"() ({
        %run_scoped3A = tpu.sem_alloc : memref<!tpu.dma_semaphore, #tpu.memory_space<semaphore_mem>>
        %dma_start3A = arith.constant 0 : i32
        %dma_start3A_50 = tpu.memref_slice %arg4[%scan3A_47, %dma_start3A] : memref<40x125xi32, #tpu.memory_space<vmem>> -> memref<1x125xi32, #tpu.memory_space<vmem>>
        %dma_start3A_51 = tpu.memref_squeeze %dma_start3A_50 : memref<1x125xi32, #tpu.memory_space<vmem>> -> memref<125xi32, #tpu.memory_space<vmem>>
        %dma_start3A_52 = arith.constant 0 : i32
        %dma_start3A_53 = arith.constant 0 : i32
        %dma_start3A_54 = tpu.memref_slice %arg7[%dma_start3A_52, %dma_start3A_53] : memref<10000x128xf32, #tpu.memory_space<vmem_shared>> -> memref<10000x128xf32, #tpu.memory_space<vmem_shared>>
        tpu.enqueue_indirect_dma source(%arg5 : memref<125x128xf32, #tpu.memory_space<vmem>>) target(%dma_start3A_54 : memref<10000x128xf32, #tpu.memory_space<vmem_shared>>) offsets(%dma_start3A_51 : memref<125xi32, #tpu.memory_space<vmem>>) semaphore(%run_scoped3A : memref<!tpu.dma_semaphore, #tpu.memory_space<semaphore_mem>>) {add = true}
        %dma_wait3A = arith.constant 0 : i32
        %dma_wait3A_55 = tpu.memref_slice %arg4[%scan3A_47, %dma_wait3A] : memref<40x125xi32, #tpu.memory_space<vmem>> -> memref<1x125xi32, #tpu.memory_space<vmem>>
        %dma_wait3A_56 = tpu.memref_squeeze %dma_wait3A_55 : memref<1x125xi32, #tpu.memory_space<vmem>> -> memref<125xi32, #tpu.memory_space<vmem>>
        %dma_wait3A_57 = arith.constant 0 : i32
        %dma_wait3A_58 = arith.constant 0 : i32
        %dma_wait3A_59 = tpu.memref_slice %arg7[%dma_wait3A_57, %dma_wait3A_58] : memref<10000x128xf32, #tpu.memory_space<vmem_shared>> -> memref<10000x128xf32, #tpu.memory_space<vmem_shared>>
        tpu.wait_indirect_dma semaphore(%run_scoped3A : memref<!tpu.dma_semaphore, #tpu.memory_space<semaphore_mem>>) src(%arg5 : memref<125x128xf32, #tpu.memory_space<vmem>>) dst(%dma_wait3A_59 : memref<10000x128xf32, #tpu.memory_space<vmem_shared>>)
        tpu.yield
      }) : () -> ()
      %scan3A_49 = arith.constant 0 : i32
      scf.yield %scan3A_49 : i32
    }
    %scan3A_33 = arith.constant 40 : i32
    %barrier3A_34 = arith.constant 0 : index
    tpu.barrier barrier_id(%barrier3A_34)
    %mul3A_35 = arith.constant 624 : i32
    %mul3A_36 = arith.muli %arg1, %mul3A_35 : i32
    %mul3A_37 = arith.constant 10000 : i32
    %mul3A_38 = arith.muli %arg0, %mul3A_37 : i32
    %mul3A_39 = arith.constant 624 : i32
    %mul3A_40 = arith.muli %arg1, %mul3A_39 : i32
    %add3A_41 = arith.addi %mul3A_38, %mul3A_40 : i32
    "tpu.region"() ({
      %run_scoped3A = tpu.sem_alloc : memref<!tpu.dma_semaphore, #tpu.memory_space<semaphore_mem>>
      %dma_start3A = arith.constant 0 : i32
      %dma_start3A_47 = tpu.memref_slice %arg3[%add3A_41, %dma_start3A] : memref<20000x128xf32, #tpu.memory_space<hbm>> -> memref<624x128xf32, #tpu.memory_space<hbm>>
      %dma_start3A_48 = arith.constant 0 : i32
      %dma_start3A_49 = tpu.memref_slice %arg7[%mul3A_36, %dma_start3A_48] : memref<10000x128xf32, #tpu.memory_space<vmem_shared>> -> memref<624x128xf32, #tpu.memory_space<vmem_shared>>
      tpu.enqueue_dma source(%dma_start3A_49 : memref<624x128xf32, #tpu.memory_space<vmem_shared>>) target(%dma_start3A_47 : memref<624x128xf32, #tpu.memory_space<hbm>>) target_semaphore(%run_scoped3A : memref<!tpu.dma_semaphore, #tpu.memory_space<semaphore_mem>>)
      %dma_wait3A = arith.constant 0 : i32
      %dma_wait3A_50 = tpu.memref_slice %arg3[%add3A_41, %dma_wait3A] : memref<20000x128xf32, #tpu.memory_space<hbm>> -> memref<624x128xf32, #tpu.memory_space<hbm>>
      %dma_wait3A_51 = arith.constant 0 : i32
      %dma_wait3A_52 = tpu.memref_slice %arg7[%mul3A_36, %dma_wait3A_51] : memref<10000x128xf32, #tpu.memory_space<vmem_shared>> -> memref<624x128xf32, #tpu.memory_space<vmem_shared>>
      tpu.wait_dma2 semaphore(%run_scoped3A : memref<!tpu.dma_semaphore, #tpu.memory_space<semaphore_mem>>) src(%dma_wait3A_52 : memref<624x128xf32, #tpu.memory_space<vmem_shared>>) dst(%dma_wait3A_50 : memref<624x128xf32, #tpu.memory_space<hbm>>)
      tpu.yield
    }) : () -> ()
    %eq3A_42 = arith.constant 15 : i32
    %eq3A_43 = arith.cmpi eq, %arg1, %eq3A_42 : i32
    %convert_element_type3A_44 = arith.extui %eq3A_43 : i1 to i32
    %cond3A_45 = arith.constant 0 : i32
    %cond3A_46 = arith.cmpi ne, %convert_element_type3A_44, %cond3A_45 : i32
    scf.if %cond3A_46 {
      %mul3A_47 = arith.constant 10000 : i32
      %mul3A_48 = arith.muli %arg0, %mul3A_47 : i32
      %add3A_49 = arith.constant 9984 : i32
      %add3A_50 = arith.addi %mul3A_48, %add3A_49 : i32
      "tpu.region"() ({
        %run_scoped3A = tpu.sem_alloc : memref<!tpu.dma_semaphore, #tpu.memory_space<semaphore_mem>>
        %dma_start3A = arith.constant 0 : i32
        %dma_start3A_51 = tpu.memref_slice %arg3[%add3A_50, %dma_start3A] : memref<20000x128xf32, #tpu.memory_space<hbm>> -> memref<16x128xf32, #tpu.memory_space<hbm>>
        %dma_start3A_52 = arith.constant 9984 : i32
        %dma_start3A_53 = arith.constant 0 : i32
        %dma_start3A_54 = tpu.memref_slice %arg7[%dma_start3A_52, %dma_start3A_53] : memref<10000x128xf32, #tpu.memory_space<vmem_shared>> -> memref<16x128xf32, #tpu.memory_space<vmem_shared>>
        tpu.enqueue_dma source(%dma_start3A_54 : memref<16x128xf32, #tpu.memory_space<vmem_shared>>) target(%dma_start3A_51 : memref<16x128xf32, #tpu.memory_space<hbm>>) target_semaphore(%run_scoped3A : memref<!tpu.dma_semaphore, #tpu.memory_space<semaphore_mem>>)
        %dma_wait3A = arith.constant 0 : i32
        %dma_wait3A_55 = tpu.memref_slice %arg3[%add3A_50, %dma_wait3A] : memref<20000x128xf32, #tpu.memory_space<hbm>> -> memref<16x128xf32, #tpu.memory_space<hbm>>
        %dma_wait3A_56 = arith.constant 9984 : i32
        %dma_wait3A_57 = arith.constant 0 : i32
        %dma_wait3A_58 = tpu.memref_slice %arg7[%dma_wait3A_56, %dma_wait3A_57] : memref<10000x128xf32, #tpu.memory_space<vmem_shared>> -> memref<16x128xf32, #tpu.memory_space<vmem_shared>>
        tpu.wait_dma2 semaphore(%run_scoped3A : memref<!tpu.dma_semaphore, #tpu.memory_space<semaphore_mem>>) src(%dma_wait3A_58 : memref<16x128xf32, #tpu.memory_space<vmem_shared>>) dst(%dma_wait3A_55 : memref<16x128xf32, #tpu.memory_space<hbm>>)
        tpu.yield
      }) : () -> ()
    } else {
    }
    return
  }
}

#map = affine_map<(d0, d1) -> (0, 0)>
#map1 = affine_map<(d0, d1) -> (0, 0, 0)>
module attributes {stable_mosaic.version = 14 : i64} {
  func.func @k(%arg0: i32, %arg1: i32, %arg2: memref<20000x128xf32, #tpu.memory_space<hbm>>, %arg3: memref<32x80x125xi32, #tpu.memory_space<hbm>>, %arg4: memref<16x80x125xi32, #tpu.memory_space<hbm>>, %arg5: memref<20000x128xf32, #tpu.memory_space<hbm>>, %arg6: memref<80x125xi32, #tpu.memory_space<vmem>>, %arg7: memref<80x125xi32, #tpu.memory_space<vmem>>, %arg8: memref<125x128xf32, #tpu.memory_space<vmem>>, %arg9: memref<10000x128xf32, #tpu.memory_space<vmem_shared>>, %arg10: memref<!tpu.dma_semaphore, #tpu.memory_space<semaphore_mem>>) attributes {dimension_semantics = [#tpu.dimension_semantics<core_parallel>, #tpu.dimension_semantics<subcore_parallel>], iteration_bounds = array<i64: 2, 16>, scalar_prefetch = 0 : i64, scratch_operands = 5 : i64, tpu.core_type = #tpu.core_type<sc_vector_subcore>, window_params = [{transform_indices = #map}, {transform_indices = #map1}, {transform_indices = #map1}, {transform_indices = #map}]} {
    %scan3A = arith.constant 0 : i32
    %scan3A_0 = arith.constant 0 : i32
    %scan3A_1 = arith.constant 1000 : i32
    %scan3A_2 = arith.addi %scan3A_0, %scan3A_1 : i32
    %scan3A_3 = arith.constant 1 : i32
    %scan3A_4 = scf.for %scan3A_40 = %scan3A_0 to %scan3A_2 step %scan3A_3 iter_args(%scan3A_41 = %scan3A) -> (i32)  : i32 {
      %jit3A = arith.constant 8 : i32
      %div3A = arith.divsi %scan3A_40, %jit3A : i32
      %sign3A = arith.constant 0 : i32
      %sign3A_42 = arith.cmpi sgt, %scan3A_40, %sign3A : i32
      %sign3A_43 = arith.extui %sign3A_42 : i1 to i32
      %sign3A_44 = arith.constant 0 : i32
      %sign3A_45 = arith.cmpi slt, %scan3A_40, %sign3A_44 : i32
      %sign3A_46 = arith.extui %sign3A_45 : i1 to i32
      %sign3A_47 = arith.subi %sign3A_43, %sign3A_46 : i32
      %sign3A_48 = arith.constant 0 : i32
      %sign3A_49 = arith.cmpi sgt, %jit3A, %sign3A_48 : i32
      %sign3A_50 = arith.extui %sign3A_49 : i1 to i32
      %sign3A_51 = arith.constant 0 : i32
      %sign3A_52 = arith.cmpi slt, %jit3A, %sign3A_51 : i32
      %sign3A_53 = arith.extui %sign3A_52 : i1 to i32
      %sign3A_54 = arith.subi %sign3A_50, %sign3A_53 : i32
      %ne3A = arith.cmpi ne, %sign3A_47, %sign3A_54 : i32
      %rem3A = arith.remsi %scan3A_40, %jit3A : i32
      %ne3A_55 = arith.constant 0 : i32
      %ne3A_56 = arith.cmpi ne, %rem3A, %ne3A_55 : i32
      %and3A = arith.andi %ne3A, %ne3A_56 : i1
      %sub3A = arith.constant 1 : i32
      %sub3A_57 = arith.subi %div3A, %sub3A : i32
      %select_n3A = arith.select %and3A, %sub3A_57, %div3A : i32
      %jit3A_58 = arith.constant 8 : i32
      %eq3A_59 = arith.constant 0 : i32
      %eq3A_60 = arith.cmpi eq, %jit3A_58, %eq3A_59 : i32
      %jit3A_61 = arith.constant 1 : i32
      %select_n3A_62 = arith.select %eq3A_60, %jit3A_61, %jit3A_58 : i32
      %rem3A_63 = arith.remsi %scan3A_40, %select_n3A_62 : i32
      %ne3A_64 = arith.constant 0 : i32
      %ne3A_65 = arith.cmpi ne, %rem3A_63, %ne3A_64 : i32
      %lt3A = arith.constant 0 : i32
      %lt3A_66 = arith.cmpi slt, %rem3A_63, %lt3A : i32
      %lt3A_67 = arith.constant 0 : i32
      %lt3A_68 = arith.cmpi slt, %select_n3A_62, %lt3A_67 : i32
      %ne3A_69 = arith.xori %lt3A_66, %lt3A_68 : i1
      %and3A_70 = arith.andi %ne3A_69, %ne3A_65 : i1
      %add3A_71 = arith.addi %rem3A_63, %select_n3A_62 : i32
      %select_n3A_72 = arith.select %and3A_70, %add3A_71, %rem3A_63 : i32
      %mul3A_73 = arith.constant 16 : i32
      %mul3A_74 = arith.muli %select_n3A_72, %mul3A_73 : i32
      %broadcast_in_dim3A = arith.constant 0.000000e+00 : f32
      %broadcast_in_dim3A_75 = vector.broadcast %broadcast_in_dim3A : f32 to vector<16xf32>
      %swap3A = arith.index_cast %select_n3A : i32 to index
      %swap3A_76 = arith.index_cast %mul3A_74 : i32 to index
      %swap3A_77 = tpu.vector_load %arg8[%swap3A, %swap3A_76] {strides = array<i32>} : memref<125x128xf32, #tpu.memory_space<vmem>>, vector<1x16xf32>,
      %swap3A_78 = vector.shape_cast %swap3A_77 : vector<1x16xf32> to vector<16xf32>
      %swap3A_79 = vector.shape_cast %broadcast_in_dim3A_75 : vector<16xf32> to vector<1x16xf32>
      tpu.vector_store %arg8[%swap3A, %swap3A_76], %swap3A_79 {strides = array<i32>} : memref<125x128xf32, #tpu.memory_space<vmem>>, vector<1x16xf32>,
      %scan3A_80 = arith.constant 0 : i32
      scf.yield %scan3A_80 : i32
    }
    %scan3A_5 = arith.constant 1000 : i32
    %scan3A_6 = arith.constant 0 : i32
    %scan3A_7 = arith.constant 0 : i32
    %scan3A_8 = arith.constant 6 : i32
    %scan3A_9 = arith.addi %scan3A_7, %scan3A_8 : i32
    %scan3A_10 = arith.constant 1 : i32
    %scan3A_11 = scf.for %scan3A_40 = %scan3A_7 to %scan3A_9 step %scan3A_10 iter_args(%scan3A_41 = %scan3A_6) -> (i32)  : i32 {
      %mul3A_42 = arith.constant 624 : i32
      %mul3A_43 = arith.muli %arg1, %mul3A_42 : i32
      %mul3A_44 = arith.constant 96 : i32
      %mul3A_45 = arith.muli %scan3A_40, %mul3A_44 : i32
      %add3A_46 = arith.addi %mul3A_43, %mul3A_45 : i32
      "tpu.region"() ({
        %run_scoped3A = tpu.sem_alloc : memref<!tpu.dma_semaphore, #tpu.memory_space<semaphore_mem>>
        %dma_start3A = arith.constant 0 : i32
        %dma_start3A_48 = arith.constant 0 : i32
        %dma_start3A_49 = tpu.memref_slice %arg8[%dma_start3A, %dma_start3A_48] : memref<125x128xf32, #tpu.memory_space<vmem>> -> memref<96x128xf32, #tpu.memory_space<vmem>>
        %dma_start3A_50 = arith.constant 0 : i32
        %dma_start3A_51 = tpu.memref_slice %arg9[%add3A_46, %dma_start3A_50] : memref<10000x128xf32, #tpu.memory_space<vmem_shared>> -> memref<96x128xf32, #tpu.memory_space<vmem_shared>>
        %dma_start3A_52 = arith.constant 0 : i32
        %dma_start3A_53 = tpu.memref_slice %arg9[%add3A_46, %dma_start3A_52] : memref<10000x128xf32, #tpu.memory_space<vmem_shared>> -> memref<96x128xf32, #tpu.memory_space<vmem_shared>>
        %dma_start3A_54 = arith.constant 0 : i32
        %dma_start3A_55 = arith.constant 0 : i32
        %dma_start3A_56 = tpu.memref_slice %arg8[%dma_start3A_54, %dma_start3A_55] : memref<125x128xf32, #tpu.memory_space<vmem>> -> memref<96x128xf32, #tpu.memory_space<vmem>>
        tpu.enqueue_dma source(%dma_start3A_56 : memref<96x128xf32, #tpu.memory_space<vmem>>) target(%dma_start3A_53 : memref<96x128xf32, #tpu.memory_space<vmem_shared>>) target_semaphore(%run_scoped3A : memref<!tpu.dma_semaphore, #tpu.memory_space<semaphore_mem>>)
        %dma_wait3A = arith.constant 0 : i32
        %dma_wait3A_57 = arith.constant 0 : i32
        %dma_wait3A_58 = tpu.memref_slice %arg8[%dma_wait3A, %dma_wait3A_57] : memref<125x128xf32, #tpu.memory_space<vmem>> -> memref<96x128xf32, #tpu.memory_space<vmem>>
        %dma_wait3A_59 = arith.constant 0 : i32
        %dma_wait3A_60 = tpu.memref_slice %arg9[%add3A_46, %dma_wait3A_59] : memref<10000x128xf32, #tpu.memory_space<vmem_shared>> -> memref<96x128xf32, #tpu.memory_space<vmem_shared>>
        %dma_wait3A_61 = arith.constant 0 : i32
        %dma_wait3A_62 = tpu.memref_slice %arg9[%add3A_46, %dma_wait3A_61] : memref<10000x128xf32, #tpu.memory_space<vmem_shared>> -> memref<96x128xf32, #tpu.memory_space<vmem_shared>>
        %dma_wait3A_63 = arith.constant 0 : i32
        %dma_wait3A_64 = arith.constant 0 : i32
        %dma_wait3A_65 = tpu.memref_slice %arg8[%dma_wait3A_63, %dma_wait3A_64] : memref<125x128xf32, #tpu.memory_space<vmem>> -> memref<96x128xf32, #tpu.memory_space<vmem>>
        tpu.wait_dma2 semaphore(%run_scoped3A : memref<!tpu.dma_semaphore, #tpu.memory_space<semaphore_mem>>) src(%dma_wait3A_65 : memref<96x128xf32, #tpu.memory_space<vmem>>) dst(%dma_wait3A_62 : memref<96x128xf32, #tpu.memory_space<vmem_shared>>)
        tpu.yield
      }) : () -> ()
      %scan3A_47 = arith.constant 0 : i32
      scf.yield %scan3A_47 : i32
    }
    %scan3A_12 = arith.constant 6 : i32
    %mul3A = arith.constant 624 : i32
    %mul3A_13 = arith.muli %arg1, %mul3A : i32
    %add3A = arith.constant 576 : i32
    %add3A_14 = arith.addi %mul3A_13, %add3A : i32
    "tpu.region"() ({
      %run_scoped3A = tpu.sem_alloc : memref<!tpu.dma_semaphore, #tpu.memory_space<semaphore_mem>>
      %dma_start3A = arith.constant 0 : i32
      %dma_start3A_40 = arith.constant 0 : i32
      %dma_start3A_41 = tpu.memref_slice %arg8[%dma_start3A, %dma_start3A_40] : memref<125x128xf32, #tpu.memory_space<vmem>> -> memref<48x128xf32, #tpu.memory_space<vmem>>
      %dma_start3A_42 = arith.constant 0 : i32
      %dma_start3A_43 = tpu.memref_slice %arg9[%add3A_14, %dma_start3A_42] : memref<10000x128xf32, #tpu.memory_space<vmem_shared>> -> memref<48x128xf32, #tpu.memory_space<vmem_shared>>
      %dma_start3A_44 = arith.constant 0 : i32
      %dma_start3A_45 = tpu.memref_slice %arg9[%add3A_14, %dma_start3A_44] : memref<10000x128xf32, #tpu.memory_space<vmem_shared>> -> memref<48x128xf32, #tpu.memory_space<vmem_shared>>
      %dma_start3A_46 = arith.constant 0 : i32
      %dma_start3A_47 = arith.constant 0 : i32
      %dma_start3A_48 = tpu.memref_slice %arg8[%dma_start3A_46, %dma_start3A_47] : memref<125x128xf32, #tpu.memory_space<vmem>> -> memref<48x128xf32, #tpu.memory_space<vmem>>
      tpu.enqueue_dma source(%dma_start3A_48 : memref<48x128xf32, #tpu.memory_space<vmem>>) target(%dma_start3A_45 : memref<48x128xf32, #tpu.memory_space<vmem_shared>>) target_semaphore(%run_scoped3A : memref<!tpu.dma_semaphore, #tpu.memory_space<semaphore_mem>>)
      %dma_wait3A = arith.constant 0 : i32
      %dma_wait3A_49 = arith.constant 0 : i32
      %dma_wait3A_50 = tpu.memref_slice %arg8[%dma_wait3A, %dma_wait3A_49] : memref<125x128xf32, #tpu.memory_space<vmem>> -> memref<48x128xf32, #tpu.memory_space<vmem>>
      %dma_wait3A_51 = arith.constant 0 : i32
      %dma_wait3A_52 = tpu.memref_slice %arg9[%add3A_14, %dma_wait3A_51] : memref<10000x128xf32, #tpu.memory_space<vmem_shared>> -> memref<48x128xf32, #tpu.memory_space<vmem_shared>>
      %dma_wait3A_53 = arith.constant 0 : i32
      %dma_wait3A_54 = tpu.memref_slice %arg9[%add3A_14, %dma_wait3A_53] : memref<10000x128xf32, #tpu.memory_space<vmem_shared>> -> memref<48x128xf32, #tpu.memory_space<vmem_shared>>
      %dma_wait3A_55 = arith.constant 0 : i32
      %dma_wait3A_56 = arith.constant 0 : i32
      %dma_wait3A_57 = tpu.memref_slice %arg8[%dma_wait3A_55, %dma_wait3A_56] : memref<125x128xf32, #tpu.memory_space<vmem>> -> memref<48x128xf32, #tpu.memory_space<vmem>>
      tpu.wait_dma2 semaphore(%run_scoped3A : memref<!tpu.dma_semaphore, #tpu.memory_space<semaphore_mem>>) src(%dma_wait3A_57 : memref<48x128xf32, #tpu.memory_space<vmem>>) dst(%dma_wait3A_54 : memref<48x128xf32, #tpu.memory_space<vmem_shared>>)
      tpu.yield
    }) : () -> ()
    %eq3A = arith.constant 15 : i32
    %eq3A_15 = arith.cmpi eq, %arg1, %eq3A : i32
    %convert_element_type3A = arith.extui %eq3A_15 : i1 to i32
    %cond3A = arith.constant 0 : i32
    %cond3A_16 = arith.cmpi ne, %convert_element_type3A, %cond3A : i32
    scf.if %cond3A_16 {
      "tpu.region"() ({
        %run_scoped3A = tpu.sem_alloc : memref<!tpu.dma_semaphore, #tpu.memory_space<semaphore_mem>>
        %dma_start3A = arith.constant 0 : i32
        %dma_start3A_40 = arith.constant 0 : i32
        %dma_start3A_41 = tpu.memref_slice %arg8[%dma_start3A, %dma_start3A_40] : memref<125x128xf32, #tpu.memory_space<vmem>> -> memref<16x128xf32, #tpu.memory_space<vmem>>
        %dma_start3A_42 = arith.constant 9984 : i32
        %dma_start3A_43 = arith.constant 0 : i32
        %dma_start3A_44 = tpu.memref_slice %arg9[%dma_start3A_42, %dma_start3A_43] : memref<10000x128xf32, #tpu.memory_space<vmem_shared>> -> memref<16x128xf32, #tpu.memory_space<vmem_shared>>
        %dma_start3A_45 = arith.constant 9984 : i32
        %dma_start3A_46 = arith.constant 0 : i32
        %dma_start3A_47 = tpu.memref_slice %arg9[%dma_start3A_45, %dma_start3A_46] : memref<10000x128xf32, #tpu.memory_space<vmem_shared>> -> memref<16x128xf32, #tpu.memory_space<vmem_shared>>
        %dma_start3A_48 = arith.constant 0 : i32
        %dma_start3A_49 = arith.constant 0 : i32
        %dma_start3A_50 = tpu.memref_slice %arg8[%dma_start3A_48, %dma_start3A_49] : memref<125x128xf32, #tpu.memory_space<vmem>> -> memref<16x128xf32, #tpu.memory_space<vmem>>
        tpu.enqueue_dma source(%dma_start3A_50 : memref<16x128xf32, #tpu.memory_space<vmem>>) target(%dma_start3A_47 : memref<16x128xf32, #tpu.memory_space<vmem_shared>>) target_semaphore(%run_scoped3A : memref<!tpu.dma_semaphore, #tpu.memory_space<semaphore_mem>>)
        %dma_wait3A = arith.constant 0 : i32
        %dma_wait3A_51 = arith.constant 0 : i32
        %dma_wait3A_52 = tpu.memref_slice %arg8[%dma_wait3A, %dma_wait3A_51] : memref<125x128xf32, #tpu.memory_space<vmem>> -> memref<16x128xf32, #tpu.memory_space<vmem>>
        %dma_wait3A_53 = arith.constant 9984 : i32
        %dma_wait3A_54 = arith.constant 0 : i32
        %dma_wait3A_55 = tpu.memref_slice %arg9[%dma_wait3A_53, %dma_wait3A_54] : memref<10000x128xf32, #tpu.memory_space<vmem_shared>> -> memref<16x128xf32, #tpu.memory_space<vmem_shared>>
        %dma_wait3A_56 = arith.constant 9984 : i32
        %dma_wait3A_57 = arith.constant 0 : i32
        %dma_wait3A_58 = tpu.memref_slice %arg9[%dma_wait3A_56, %dma_wait3A_57] : memref<10000x128xf32, #tpu.memory_space<vmem_shared>> -> memref<16x128xf32, #tpu.memory_space<vmem_shared>>
        %dma_wait3A_59 = arith.constant 0 : i32
        %dma_wait3A_60 = arith.constant 0 : i32
        %dma_wait3A_61 = tpu.memref_slice %arg8[%dma_wait3A_59, %dma_wait3A_60] : memref<125x128xf32, #tpu.memory_space<vmem>> -> memref<16x128xf32, #tpu.memory_space<vmem>>
        tpu.wait_dma2 semaphore(%run_scoped3A : memref<!tpu.dma_semaphore, #tpu.memory_space<semaphore_mem>>) src(%dma_wait3A_61 : memref<16x128xf32, #tpu.memory_space<vmem>>) dst(%dma_wait3A_58 : memref<16x128xf32, #tpu.memory_space<vmem_shared>>)
        tpu.yield
      }) : () -> ()
    } else {
    }
    %mul3A_17 = arith.constant 16 : i32
    %mul3A_18 = arith.muli %arg0, %mul3A_17 : i32
    %add3A_19 = arith.addi %mul3A_18, %arg1 : i32
    "tpu.region"() ({
      %run_scoped3A = tpu.sem_alloc : memref<!tpu.dma_semaphore, #tpu.memory_space<semaphore_mem>>
      %dma_start3A = arith.constant 0 : i32
      %dma_start3A_40 = arith.constant 0 : i32
      %dma_start3A_41 = tpu.memref_slice %arg3[%add3A_19, %dma_start3A, %dma_start3A_40] : memref<32x80x125xi32, #tpu.memory_space<hbm>> -> memref<1x80x125xi32, #tpu.memory_space<hbm>>
      %dma_start3A_42 = tpu.memref_squeeze %dma_start3A_41 : memref<1x80x125xi32, #tpu.memory_space<hbm>> -> memref<80x125xi32, #tpu.memory_space<hbm>>
      %dma_start3A_43 = arith.constant 0 : i32
      %dma_start3A_44 = arith.constant 0 : i32
      %dma_start3A_45 = tpu.memref_slice %arg3[%add3A_19, %dma_start3A_43, %dma_start3A_44] : memref<32x80x125xi32, #tpu.memory_space<hbm>> -> memref<1x80x125xi32, #tpu.memory_space<hbm>>
      %dma_start3A_46 = tpu.memref_squeeze %dma_start3A_45 : memref<1x80x125xi32, #tpu.memory_space<hbm>> -> memref<80x125xi32, #tpu.memory_space<hbm>>
      tpu.enqueue_dma source(%dma_start3A_46 : memref<80x125xi32, #tpu.memory_space<hbm>>) target(%arg6 : memref<80x125xi32, #tpu.memory_space<vmem>>) target_semaphore(%run_scoped3A : memref<!tpu.dma_semaphore, #tpu.memory_space<semaphore_mem>>)
      %dma_wait3A = arith.constant 0 : i32
      %dma_wait3A_47 = arith.constant 0 : i32
      %dma_wait3A_48 = tpu.memref_slice %arg3[%add3A_19, %dma_wait3A, %dma_wait3A_47] : memref<32x80x125xi32, #tpu.memory_space<hbm>> -> memref<1x80x125xi32, #tpu.memory_space<hbm>>
      %dma_wait3A_49 = tpu.memref_squeeze %dma_wait3A_48 : memref<1x80x125xi32, #tpu.memory_space<hbm>> -> memref<80x125xi32, #tpu.memory_space<hbm>>
      %dma_wait3A_50 = arith.constant 0 : i32
      %dma_wait3A_51 = arith.constant 0 : i32
      %dma_wait3A_52 = tpu.memref_slice %arg3[%add3A_19, %dma_wait3A_50, %dma_wait3A_51] : memref<32x80x125xi32, #tpu.memory_space<hbm>> -> memref<1x80x125xi32, #tpu.memory_space<hbm>>
      %dma_wait3A_53 = tpu.memref_squeeze %dma_wait3A_52 : memref<1x80x125xi32, #tpu.memory_space<hbm>> -> memref<80x125xi32, #tpu.memory_space<hbm>>
      tpu.wait_dma2 semaphore(%run_scoped3A : memref<!tpu.dma_semaphore, #tpu.memory_space<semaphore_mem>>) src(%dma_wait3A_53 : memref<80x125xi32, #tpu.memory_space<hbm>>) dst(%arg6 : memref<80x125xi32, #tpu.memory_space<vmem>>)
      tpu.yield
    }) : () -> ()
    "tpu.region"() ({
      %run_scoped3A = tpu.sem_alloc : memref<!tpu.dma_semaphore, #tpu.memory_space<semaphore_mem>>
      %dma_start3A = arith.constant 0 : i32
      %dma_start3A_40 = arith.constant 0 : i32
      %dma_start3A_41 = tpu.memref_slice %arg4[%arg1, %dma_start3A, %dma_start3A_40] : memref<16x80x125xi32, #tpu.memory_space<hbm>> -> memref<1x80x125xi32, #tpu.memory_space<hbm>>
      %dma_start3A_42 = tpu.memref_squeeze %dma_start3A_41 : memref<1x80x125xi32, #tpu.memory_space<hbm>> -> memref<80x125xi32, #tpu.memory_space<hbm>>
      %dma_start3A_43 = arith.constant 0 : i32
      %dma_start3A_44 = arith.constant 0 : i32
      %dma_start3A_45 = tpu.memref_slice %arg4[%arg1, %dma_start3A_43, %dma_start3A_44] : memref<16x80x125xi32, #tpu.memory_space<hbm>> -> memref<1x80x125xi32, #tpu.memory_space<hbm>>
      %dma_start3A_46 = tpu.memref_squeeze %dma_start3A_45 : memref<1x80x125xi32, #tpu.memory_space<hbm>> -> memref<80x125xi32, #tpu.memory_space<hbm>>
      tpu.enqueue_dma source(%dma_start3A_46 : memref<80x125xi32, #tpu.memory_space<hbm>>) target(%arg7 : memref<80x125xi32, #tpu.memory_space<vmem>>) target_semaphore(%run_scoped3A : memref<!tpu.dma_semaphore, #tpu.memory_space<semaphore_mem>>)
      %dma_wait3A = arith.constant 0 : i32
      %dma_wait3A_47 = arith.constant 0 : i32
      %dma_wait3A_48 = tpu.memref_slice %arg4[%arg1, %dma_wait3A, %dma_wait3A_47] : memref<16x80x125xi32, #tpu.memory_space<hbm>> -> memref<1x80x125xi32, #tpu.memory_space<hbm>>
      %dma_wait3A_49 = tpu.memref_squeeze %dma_wait3A_48 : memref<1x80x125xi32, #tpu.memory_space<hbm>> -> memref<80x125xi32, #tpu.memory_space<hbm>>
      %dma_wait3A_50 = arith.constant 0 : i32
      %dma_wait3A_51 = arith.constant 0 : i32
      %dma_wait3A_52 = tpu.memref_slice %arg4[%arg1, %dma_wait3A_50, %dma_wait3A_51] : memref<16x80x125xi32, #tpu.memory_space<hbm>> -> memref<1x80x125xi32, #tpu.memory_space<hbm>>
      %dma_wait3A_53 = tpu.memref_squeeze %dma_wait3A_52 : memref<1x80x125xi32, #tpu.memory_space<hbm>> -> memref<80x125xi32, #tpu.memory_space<hbm>>
      tpu.wait_dma2 semaphore(%run_scoped3A : memref<!tpu.dma_semaphore, #tpu.memory_space<semaphore_mem>>) src(%dma_wait3A_53 : memref<80x125xi32, #tpu.memory_space<hbm>>) dst(%arg7 : memref<80x125xi32, #tpu.memory_space<vmem>>)
      tpu.yield
    }) : () -> ()
    %barrier3A = arith.constant 0 : index
    tpu.barrier barrier_id(%barrier3A)
    %scan3A_20 = arith.constant 0 : i32
    %scan3A_21 = arith.constant 0 : i32
    %scan3A_22 = arith.constant 80 : i32
    %scan3A_23 = arith.addi %scan3A_21, %scan3A_22 : i32
    %scan3A_24 = arith.constant 1 : i32
    %scan3A_25 = scf.for %scan3A_40 = %scan3A_21 to %scan3A_23 step %scan3A_24 iter_args(%scan3A_41 = %scan3A_20) -> (i32)  : i32 {
      %dma_start3A = arith.constant 0 : i32
      %dma_start3A_42 = tpu.memref_slice %arg6[%scan3A_40, %dma_start3A] : memref<80x125xi32, #tpu.memory_space<vmem>> -> memref<1x125xi32, #tpu.memory_space<vmem>>
      %dma_start3A_43 = tpu.memref_squeeze %dma_start3A_42 : memref<1x125xi32, #tpu.memory_space<vmem>> -> memref<125xi32, #tpu.memory_space<vmem>>
      %dma_start3A_44 = arith.constant 0 : i32
      %dma_start3A_45 = arith.constant 0 : i32
      %dma_start3A_46 = tpu.memref_slice %arg2[%dma_start3A_44, %dma_start3A_45] : memref<20000x128xf32, #tpu.memory_space<hbm>> -> memref<20000x128xf32, #tpu.memory_space<hbm>>
      tpu.enqueue_indirect_dma source(%dma_start3A_46 : memref<20000x128xf32, #tpu.memory_space<hbm>>) target(%arg8 : memref<125x128xf32, #tpu.memory_space<vmem>>) offsets(%dma_start3A_43 : memref<125xi32, #tpu.memory_space<vmem>>) semaphore(%arg10 : memref<!tpu.dma_semaphore, #tpu.memory_space<semaphore_mem>>)
      %dma_wait3A = arith.constant 0 : i32
      %dma_wait3A_47 = tpu.memref_slice %arg6[%scan3A_40, %dma_wait3A] : memref<80x125xi32, #tpu.memory_space<vmem>> -> memref<1x125xi32, #tpu.memory_space<vmem>>
      %dma_wait3A_48 = tpu.memref_squeeze %dma_wait3A_47 : memref<1x125xi32, #tpu.memory_space<vmem>> -> memref<125xi32, #tpu.memory_space<vmem>>
      %dma_wait3A_49 = arith.constant 0 : i32
      %dma_wait3A_50 = arith.constant 0 : i32
      %dma_wait3A_51 = tpu.memref_slice %arg2[%dma_wait3A_49, %dma_wait3A_50] : memref<20000x128xf32, #tpu.memory_space<hbm>> -> memref<20000x128xf32, #tpu.memory_space<hbm>>
      tpu.wait_indirect_dma semaphore(%arg10 : memref<!tpu.dma_semaphore, #tpu.memory_space<semaphore_mem>>) src(%dma_wait3A_51 : memref<20000x128xf32, #tpu.memory_space<hbm>>) dst(%arg8 : memref<125x128xf32, #tpu.memory_space<vmem>>)
      "tpu.region"() ({
        %run_scoped3A = tpu.sem_alloc : memref<!tpu.dma_semaphore, #tpu.memory_space<semaphore_mem>>
        %dma_start3A_53 = arith.constant 0 : i32
        %dma_start3A_54 = tpu.memref_slice %arg7[%scan3A_40, %dma_start3A_53] : memref<80x125xi32, #tpu.memory_space<vmem>> -> memref<1x125xi32, #tpu.memory_space<vmem>>
        %dma_start3A_55 = tpu.memref_squeeze %dma_start3A_54 : memref<1x125xi32, #tpu.memory_space<vmem>> -> memref<125xi32, #tpu.memory_space<vmem>>
        %dma_start3A_56 = arith.constant 0 : i32
        %dma_start3A_57 = arith.constant 0 : i32
        %dma_start3A_58 = tpu.memref_slice %arg9[%dma_start3A_56, %dma_start3A_57] : memref<10000x128xf32, #tpu.memory_space<vmem_shared>> -> memref<10000x128xf32, #tpu.memory_space<vmem_shared>>
        tpu.enqueue_indirect_dma source(%arg8 : memref<125x128xf32, #tpu.memory_space<vmem>>) target(%dma_start3A_58 : memref<10000x128xf32, #tpu.memory_space<vmem_shared>>) offsets(%dma_start3A_55 : memref<125xi32, #tpu.memory_space<vmem>>) semaphore(%run_scoped3A : memref<!tpu.dma_semaphore, #tpu.memory_space<semaphore_mem>>) {add = true}
        %dma_wait3A_59 = arith.constant 0 : i32
        %dma_wait3A_60 = tpu.memref_slice %arg7[%scan3A_40, %dma_wait3A_59] : memref<80x125xi32, #tpu.memory_space<vmem>> -> memref<1x125xi32, #tpu.memory_space<vmem>>
        %dma_wait3A_61 = tpu.memref_squeeze %dma_wait3A_60 : memref<1x125xi32, #tpu.memory_space<vmem>> -> memref<125xi32, #tpu.memory_space<vmem>>
        %dma_wait3A_62 = arith.constant 0 : i32
        %dma_wait3A_63 = arith.constant 0 : i32
        %dma_wait3A_64 = tpu.memref_slice %arg9[%dma_wait3A_62, %dma_wait3A_63] : memref<10000x128xf32, #tpu.memory_space<vmem_shared>> -> memref<10000x128xf32, #tpu.memory_space<vmem_shared>>
        tpu.wait_indirect_dma semaphore(%run_scoped3A : memref<!tpu.dma_semaphore, #tpu.memory_space<semaphore_mem>>) src(%arg8 : memref<125x128xf32, #tpu.memory_space<vmem>>) dst(%dma_wait3A_64 : memref<10000x128xf32, #tpu.memory_space<vmem_shared>>)
        tpu.yield
      }) : () -> ()
      %scan3A_52 = arith.constant 0 : i32
      scf.yield %scan3A_52 : i32
    }
    %scan3A_26 = arith.constant 80 : i32
    %barrier3A_27 = arith.constant 0 : index
    tpu.barrier barrier_id(%barrier3A_27)
    %mul3A_28 = arith.constant 624 : i32
    %mul3A_29 = arith.muli %arg1, %mul3A_28 : i32
    %mul3A_30 = arith.constant 10000 : i32
    %mul3A_31 = arith.muli %arg0, %mul3A_30 : i32
    %mul3A_32 = arith.constant 624 : i32
    %mul3A_33 = arith.muli %arg1, %mul3A_32 : i32
    %add3A_34 = arith.addi %mul3A_31, %mul3A_33 : i32
    "tpu.region"() ({
      %run_scoped3A = tpu.sem_alloc : memref<!tpu.dma_semaphore, #tpu.memory_space<semaphore_mem>>
      %dma_start3A = arith.constant 0 : i32
      %dma_start3A_40 = tpu.memref_slice %arg5[%add3A_34, %dma_start3A] : memref<20000x128xf32, #tpu.memory_space<hbm>> -> memref<624x128xf32, #tpu.memory_space<hbm>>
      %dma_start3A_41 = arith.constant 0 : i32
      %dma_start3A_42 = tpu.memref_slice %arg9[%mul3A_29, %dma_start3A_41] : memref<10000x128xf32, #tpu.memory_space<vmem_shared>> -> memref<624x128xf32, #tpu.memory_space<vmem_shared>>
      tpu.enqueue_dma source(%dma_start3A_42 : memref<624x128xf32, #tpu.memory_space<vmem_shared>>) target(%dma_start3A_40 : memref<624x128xf32, #tpu.memory_space<hbm>>) target_semaphore(%run_scoped3A : memref<!tpu.dma_semaphore, #tpu.memory_space<semaphore_mem>>)
      %dma_wait3A = arith.constant 0 : i32
      %dma_wait3A_43 = tpu.memref_slice %arg5[%add3A_34, %dma_wait3A] : memref<20000x128xf32, #tpu.memory_space<hbm>> -> memref<624x128xf32, #tpu.memory_space<hbm>>
      %dma_wait3A_44 = arith.constant 0 : i32
      %dma_wait3A_45 = tpu.memref_slice %arg9[%mul3A_29, %dma_wait3A_44] : memref<10000x128xf32, #tpu.memory_space<vmem_shared>> -> memref<624x128xf32, #tpu.memory_space<vmem_shared>>
      tpu.wait_dma2 semaphore(%run_scoped3A : memref<!tpu.dma_semaphore, #tpu.memory_space<semaphore_mem>>) src(%dma_wait3A_45 : memref<624x128xf32, #tpu.memory_space<vmem_shared>>) dst(%dma_wait3A_43 : memref<624x128xf32, #tpu.memory_space<hbm>>)
      tpu.yield
    }) : () -> ()
    %eq3A_35 = arith.constant 15 : i32
    %eq3A_36 = arith.cmpi eq, %arg1, %eq3A_35 : i32
    %convert_element_type3A_37 = arith.extui %eq3A_36 : i1 to i32
    %cond3A_38 = arith.constant 0 : i32
    %cond3A_39 = arith.cmpi ne, %convert_element_type3A_37, %cond3A_38 : i32
    scf.if %cond3A_39 {
      %mul3A_40 = arith.constant 10000 : i32
      %mul3A_41 = arith.muli %arg0, %mul3A_40 : i32
      %add3A_42 = arith.constant 9984 : i32
      %add3A_43 = arith.addi %mul3A_41, %add3A_42 : i32
      "tpu.region"() ({
        %run_scoped3A = tpu.sem_alloc : memref<!tpu.dma_semaphore, #tpu.memory_space<semaphore_mem>>
        %dma_start3A = arith.constant 0 : i32
        %dma_start3A_44 = tpu.memref_slice %arg5[%add3A_43, %dma_start3A] : memref<20000x128xf32, #tpu.memory_space<hbm>> -> memref<16x128xf32, #tpu.memory_space<hbm>>
        %dma_start3A_45 = arith.constant 9984 : i32
        %dma_start3A_46 = arith.constant 0 : i32
        %dma_start3A_47 = tpu.memref_slice %arg9[%dma_start3A_45, %dma_start3A_46] : memref<10000x128xf32, #tpu.memory_space<vmem_shared>> -> memref<16x128xf32, #tpu.memory_space<vmem_shared>>
        tpu.enqueue_dma source(%dma_start3A_47 : memref<16x128xf32, #tpu.memory_space<vmem_shared>>) target(%dma_start3A_44 : memref<16x128xf32, #tpu.memory_space<hbm>>) target_semaphore(%run_scoped3A : memref<!tpu.dma_semaphore, #tpu.memory_space<semaphore_mem>>)
        %dma_wait3A = arith.constant 0 : i32
        %dma_wait3A_48 = tpu.memref_slice %arg5[%add3A_43, %dma_wait3A] : memref<20000x128xf32, #tpu.memory_space<hbm>> -> memref<16x128xf32, #tpu.memory_space<hbm>>
        %dma_wait3A_49 = arith.constant 9984 : i32
        %dma_wait3A_50 = arith.constant 0 : i32
        %dma_wait3A_51 = tpu.memref_slice %arg9[%dma_wait3A_49, %dma_wait3A_50] : memref<10000x128xf32, #tpu.memory_space<vmem_shared>> -> memref<16x128xf32, #tpu.memory_space<vmem_shared>>
        tpu.wait_dma2 semaphore(%run_scoped3A : memref<!tpu.dma_semaphore, #tpu.memory_space<semaphore_mem>>) src(%dma_wait3A_51 : memref<16x128xf32, #tpu.memory_space<vmem_shared>>) dst(%dma_wait3A_48 : memref<16x128xf32, #tpu.memory_space<hbm>>)
        tpu.yield
      }) : () -> ()
    } else {
    }
    return
  }
}

#map = affine_map<(d0, d1) -> (0, 0)>
#map1 = affine_map<(d0, d1) -> (0, 0, 0)>
module attributes {stable_mosaic.version = 14 : i64} {
  func.func @k(%arg0: i32, %arg1: i32, %arg2: memref<20000x128xf32, #tpu.memory_space<hbm>>, %arg3: memref<32x80x125xi32, #tpu.memory_space<hbm>>, %arg4: memref<16x80x125xi32, #tpu.memory_space<hbm>>, %arg5: memref<20000x128xf32, #tpu.memory_space<hbm>>, %arg6: memref<80x125xi32, #tpu.memory_space<vmem>>, %arg7: memref<80x125xi32, #tpu.memory_space<vmem>>, %arg8: memref<125x128xf32, #tpu.memory_space<vmem>>, %arg9: memref<10000x128xf32, #tpu.memory_space<vmem_shared>>, %arg10: memref<!tpu.dma_semaphore, #tpu.memory_space<semaphore_mem>>) attributes {dimension_semantics = [#tpu.dimension_semantics<core_parallel>, #tpu.dimension_semantics<subcore_parallel>], iteration_bounds = array<i64: 2, 16>, scalar_prefetch = 0 : i64, scratch_operands = 5 : i64, tpu.core_type = #tpu.core_type<sc_vector_subcore>, window_params = [{transform_indices = #map}, {transform_indices = #map1}, {transform_indices = #map1}, {transform_indices = #map}]} {
    %scan3A = arith.constant 0 : i32
    %scan3A_0 = arith.constant 0 : i32
    %scan3A_1 = arith.constant 1000 : i32
    %scan3A_2 = arith.addi %scan3A_0, %scan3A_1 : i32
    %scan3A_3 = arith.constant 1 : i32
    %scan3A_4 = scf.for %scan3A_40 = %scan3A_0 to %scan3A_2 step %scan3A_3 iter_args(%scan3A_41 = %scan3A) -> (i32)  : i32 {
      %jit3A = arith.constant 8 : i32
      %div3A = arith.divsi %scan3A_40, %jit3A : i32
      %sign3A = arith.constant 0 : i32
      %sign3A_42 = arith.cmpi sgt, %scan3A_40, %sign3A : i32
      %sign3A_43 = arith.extui %sign3A_42 : i1 to i32
      %sign3A_44 = arith.constant 0 : i32
      %sign3A_45 = arith.cmpi slt, %scan3A_40, %sign3A_44 : i32
      %sign3A_46 = arith.extui %sign3A_45 : i1 to i32
      %sign3A_47 = arith.subi %sign3A_43, %sign3A_46 : i32
      %sign3A_48 = arith.constant 0 : i32
      %sign3A_49 = arith.cmpi sgt, %jit3A, %sign3A_48 : i32
      %sign3A_50 = arith.extui %sign3A_49 : i1 to i32
      %sign3A_51 = arith.constant 0 : i32
      %sign3A_52 = arith.cmpi slt, %jit3A, %sign3A_51 : i32
      %sign3A_53 = arith.extui %sign3A_52 : i1 to i32
      %sign3A_54 = arith.subi %sign3A_50, %sign3A_53 : i32
      %ne3A = arith.cmpi ne, %sign3A_47, %sign3A_54 : i32
      %rem3A = arith.remsi %scan3A_40, %jit3A : i32
      %ne3A_55 = arith.constant 0 : i32
      %ne3A_56 = arith.cmpi ne, %rem3A, %ne3A_55 : i32
      %and3A = arith.andi %ne3A, %ne3A_56 : i1
      %sub3A = arith.constant 1 : i32
      %sub3A_57 = arith.subi %div3A, %sub3A : i32
      %select_n3A = arith.select %and3A, %sub3A_57, %div3A : i32
      %jit3A_58 = arith.constant 8 : i32
      %eq3A_59 = arith.constant 0 : i32
      %eq3A_60 = arith.cmpi eq, %jit3A_58, %eq3A_59 : i32
      %jit3A_61 = arith.constant 1 : i32
      %select_n3A_62 = arith.select %eq3A_60, %jit3A_61, %jit3A_58 : i32
      %rem3A_63 = arith.remsi %scan3A_40, %select_n3A_62 : i32
      %ne3A_64 = arith.constant 0 : i32
      %ne3A_65 = arith.cmpi ne, %rem3A_63, %ne3A_64 : i32
      %lt3A = arith.constant 0 : i32
      %lt3A_66 = arith.cmpi slt, %rem3A_63, %lt3A : i32
      %lt3A_67 = arith.constant 0 : i32
      %lt3A_68 = arith.cmpi slt, %select_n3A_62, %lt3A_67 : i32
      %ne3A_69 = arith.xori %lt3A_66, %lt3A_68 : i1
      %and3A_70 = arith.andi %ne3A_69, %ne3A_65 : i1
      %add3A_71 = arith.addi %rem3A_63, %select_n3A_62 : i32
      %select_n3A_72 = arith.select %and3A_70, %add3A_71, %rem3A_63 : i32
      %mul3A_73 = arith.constant 16 : i32
      %mul3A_74 = arith.muli %select_n3A_72, %mul3A_73 : i32
      %broadcast_in_dim3A = arith.constant 0.000000e+00 : f32
      %broadcast_in_dim3A_75 = vector.broadcast %broadcast_in_dim3A : f32 to vector<16xf32>
      %swap3A = arith.index_cast %select_n3A : i32 to index
      %swap3A_76 = arith.index_cast %mul3A_74 : i32 to index
      %swap3A_77 = tpu.vector_load %arg8[%swap3A, %swap3A_76] {strides = array<i32>} : memref<125x128xf32, #tpu.memory_space<vmem>>, vector<1x16xf32>,
      %swap3A_78 = vector.shape_cast %swap3A_77 : vector<1x16xf32> to vector<16xf32>
      %swap3A_79 = vector.shape_cast %broadcast_in_dim3A_75 : vector<16xf32> to vector<1x16xf32>
      tpu.vector_store %arg8[%swap3A, %swap3A_76], %swap3A_79 {strides = array<i32>} : memref<125x128xf32, #tpu.memory_space<vmem>>, vector<1x16xf32>,
      %scan3A_80 = arith.constant 0 : i32
      scf.yield %scan3A_80 : i32
    }
    %scan3A_5 = arith.constant 1000 : i32
    %scan3A_6 = arith.constant 0 : i32
    %scan3A_7 = arith.constant 0 : i32
    %scan3A_8 = arith.constant 6 : i32
    %scan3A_9 = arith.addi %scan3A_7, %scan3A_8 : i32
    %scan3A_10 = arith.constant 1 : i32
    %scan3A_11 = scf.for %scan3A_40 = %scan3A_7 to %scan3A_9 step %scan3A_10 iter_args(%scan3A_41 = %scan3A_6) -> (i32)  : i32 {
      %mul3A_42 = arith.constant 624 : i32
      %mul3A_43 = arith.muli %arg1, %mul3A_42 : i32
      %mul3A_44 = arith.constant 96 : i32
      %mul3A_45 = arith.muli %scan3A_40, %mul3A_44 : i32
      %add3A_46 = arith.addi %mul3A_43, %mul3A_45 : i32
      "tpu.region"() ({
        %run_scoped3A = tpu.sem_alloc : memref<!tpu.dma_semaphore, #tpu.memory_space<semaphore_mem>>
        %dma_start3A = arith.constant 0 : i32
        %dma_start3A_48 = arith.constant 0 : i32
        %dma_start3A_49 = tpu.memref_slice %arg8[%dma_start3A, %dma_start3A_48] : memref<125x128xf32, #tpu.memory_space<vmem>> -> memref<96x128xf32, #tpu.memory_space<vmem>>
        %dma_start3A_50 = arith.constant 0 : i32
        %dma_start3A_51 = tpu.memref_slice %arg9[%add3A_46, %dma_start3A_50] : memref<10000x128xf32, #tpu.memory_space<vmem_shared>> -> memref<96x128xf32, #tpu.memory_space<vmem_shared>>
        %dma_start3A_52 = arith.constant 0 : i32
        %dma_start3A_53 = tpu.memref_slice %arg9[%add3A_46, %dma_start3A_52] : memref<10000x128xf32, #tpu.memory_space<vmem_shared>> -> memref<96x128xf32, #tpu.memory_space<vmem_shared>>
        %dma_start3A_54 = arith.constant 0 : i32
        %dma_start3A_55 = arith.constant 0 : i32
        %dma_start3A_56 = tpu.memref_slice %arg8[%dma_start3A_54, %dma_start3A_55] : memref<125x128xf32, #tpu.memory_space<vmem>> -> memref<96x128xf32, #tpu.memory_space<vmem>>
        tpu.enqueue_dma source(%dma_start3A_56 : memref<96x128xf32, #tpu.memory_space<vmem>>) target(%dma_start3A_53 : memref<96x128xf32, #tpu.memory_space<vmem_shared>>) target_semaphore(%run_scoped3A : memref<!tpu.dma_semaphore, #tpu.memory_space<semaphore_mem>>)
        %dma_wait3A = arith.constant 0 : i32
        %dma_wait3A_57 = arith.constant 0 : i32
        %dma_wait3A_58 = tpu.memref_slice %arg8[%dma_wait3A, %dma_wait3A_57] : memref<125x128xf32, #tpu.memory_space<vmem>> -> memref<96x128xf32, #tpu.memory_space<vmem>>
        %dma_wait3A_59 = arith.constant 0 : i32
        %dma_wait3A_60 = tpu.memref_slice %arg9[%add3A_46, %dma_wait3A_59] : memref<10000x128xf32, #tpu.memory_space<vmem_shared>> -> memref<96x128xf32, #tpu.memory_space<vmem_shared>>
        %dma_wait3A_61 = arith.constant 0 : i32
        %dma_wait3A_62 = tpu.memref_slice %arg9[%add3A_46, %dma_wait3A_61] : memref<10000x128xf32, #tpu.memory_space<vmem_shared>> -> memref<96x128xf32, #tpu.memory_space<vmem_shared>>
        %dma_wait3A_63 = arith.constant 0 : i32
        %dma_wait3A_64 = arith.constant 0 : i32
        %dma_wait3A_65 = tpu.memref_slice %arg8[%dma_wait3A_63, %dma_wait3A_64] : memref<125x128xf32, #tpu.memory_space<vmem>> -> memref<96x128xf32, #tpu.memory_space<vmem>>
        tpu.wait_dma2 semaphore(%run_scoped3A : memref<!tpu.dma_semaphore, #tpu.memory_space<semaphore_mem>>) src(%dma_wait3A_65 : memref<96x128xf32, #tpu.memory_space<vmem>>) dst(%dma_wait3A_62 : memref<96x128xf32, #tpu.memory_space<vmem_shared>>)
        tpu.yield
      }) : () -> ()
      %scan3A_47 = arith.constant 0 : i32
      scf.yield %scan3A_47 : i32
    }
    %scan3A_12 = arith.constant 6 : i32
    %mul3A = arith.constant 624 : i32
    %mul3A_13 = arith.muli %arg1, %mul3A : i32
    %add3A = arith.constant 576 : i32
    %add3A_14 = arith.addi %mul3A_13, %add3A : i32
    "tpu.region"() ({
      %run_scoped3A = tpu.sem_alloc : memref<!tpu.dma_semaphore, #tpu.memory_space<semaphore_mem>>
      %dma_start3A = arith.constant 0 : i32
      %dma_start3A_40 = arith.constant 0 : i32
      %dma_start3A_41 = tpu.memref_slice %arg8[%dma_start3A, %dma_start3A_40] : memref<125x128xf32, #tpu.memory_space<vmem>> -> memref<48x128xf32, #tpu.memory_space<vmem>>
      %dma_start3A_42 = arith.constant 0 : i32
      %dma_start3A_43 = tpu.memref_slice %arg9[%add3A_14, %dma_start3A_42] : memref<10000x128xf32, #tpu.memory_space<vmem_shared>> -> memref<48x128xf32, #tpu.memory_space<vmem_shared>>
      %dma_start3A_44 = arith.constant 0 : i32
      %dma_start3A_45 = tpu.memref_slice %arg9[%add3A_14, %dma_start3A_44] : memref<10000x128xf32, #tpu.memory_space<vmem_shared>> -> memref<48x128xf32, #tpu.memory_space<vmem_shared>>
      %dma_start3A_46 = arith.constant 0 : i32
      %dma_start3A_47 = arith.constant 0 : i32
      %dma_start3A_48 = tpu.memref_slice %arg8[%dma_start3A_46, %dma_start3A_47] : memref<125x128xf32, #tpu.memory_space<vmem>> -> memref<48x128xf32, #tpu.memory_space<vmem>>
      tpu.enqueue_dma source(%dma_start3A_48 : memref<48x128xf32, #tpu.memory_space<vmem>>) target(%dma_start3A_45 : memref<48x128xf32, #tpu.memory_space<vmem_shared>>) target_semaphore(%run_scoped3A : memref<!tpu.dma_semaphore, #tpu.memory_space<semaphore_mem>>)
      %dma_wait3A = arith.constant 0 : i32
      %dma_wait3A_49 = arith.constant 0 : i32
      %dma_wait3A_50 = tpu.memref_slice %arg8[%dma_wait3A, %dma_wait3A_49] : memref<125x128xf32, #tpu.memory_space<vmem>> -> memref<48x128xf32, #tpu.memory_space<vmem>>
      %dma_wait3A_51 = arith.constant 0 : i32
      %dma_wait3A_52 = tpu.memref_slice %arg9[%add3A_14, %dma_wait3A_51] : memref<10000x128xf32, #tpu.memory_space<vmem_shared>> -> memref<48x128xf32, #tpu.memory_space<vmem_shared>>
      %dma_wait3A_53 = arith.constant 0 : i32
      %dma_wait3A_54 = tpu.memref_slice %arg9[%add3A_14, %dma_wait3A_53] : memref<10000x128xf32, #tpu.memory_space<vmem_shared>> -> memref<48x128xf32, #tpu.memory_space<vmem_shared>>
      %dma_wait3A_55 = arith.constant 0 : i32
      %dma_wait3A_56 = arith.constant 0 : i32
      %dma_wait3A_57 = tpu.memref_slice %arg8[%dma_wait3A_55, %dma_wait3A_56] : memref<125x128xf32, #tpu.memory_space<vmem>> -> memref<48x128xf32, #tpu.memory_space<vmem>>
      tpu.wait_dma2 semaphore(%run_scoped3A : memref<!tpu.dma_semaphore, #tpu.memory_space<semaphore_mem>>) src(%dma_wait3A_57 : memref<48x128xf32, #tpu.memory_space<vmem>>) dst(%dma_wait3A_54 : memref<48x128xf32, #tpu.memory_space<vmem_shared>>)
      tpu.yield
    }) : () -> ()
    %eq3A = arith.constant 15 : i32
    %eq3A_15 = arith.cmpi eq, %arg1, %eq3A : i32
    %convert_element_type3A = arith.extui %eq3A_15 : i1 to i32
    %cond3A = arith.constant 0 : i32
    %cond3A_16 = arith.cmpi ne, %convert_element_type3A, %cond3A : i32
    scf.if %cond3A_16 {
      "tpu.region"() ({
        %run_scoped3A = tpu.sem_alloc : memref<!tpu.dma_semaphore, #tpu.memory_space<semaphore_mem>>
        %dma_start3A = arith.constant 0 : i32
        %dma_start3A_40 = arith.constant 0 : i32
        %dma_start3A_41 = tpu.memref_slice %arg8[%dma_start3A, %dma_start3A_40] : memref<125x128xf32, #tpu.memory_space<vmem>> -> memref<16x128xf32, #tpu.memory_space<vmem>>
        %dma_start3A_42 = arith.constant 9984 : i32
        %dma_start3A_43 = arith.constant 0 : i32
        %dma_start3A_44 = tpu.memref_slice %arg9[%dma_start3A_42, %dma_start3A_43] : memref<10000x128xf32, #tpu.memory_space<vmem_shared>> -> memref<16x128xf32, #tpu.memory_space<vmem_shared>>
        %dma_start3A_45 = arith.constant 9984 : i32
        %dma_start3A_46 = arith.constant 0 : i32
        %dma_start3A_47 = tpu.memref_slice %arg9[%dma_start3A_45, %dma_start3A_46] : memref<10000x128xf32, #tpu.memory_space<vmem_shared>> -> memref<16x128xf32, #tpu.memory_space<vmem_shared>>
        %dma_start3A_48 = arith.constant 0 : i32
        %dma_start3A_49 = arith.constant 0 : i32
        %dma_start3A_50 = tpu.memref_slice %arg8[%dma_start3A_48, %dma_start3A_49] : memref<125x128xf32, #tpu.memory_space<vmem>> -> memref<16x128xf32, #tpu.memory_space<vmem>>
        tpu.enqueue_dma source(%dma_start3A_50 : memref<16x128xf32, #tpu.memory_space<vmem>>) target(%dma_start3A_47 : memref<16x128xf32, #tpu.memory_space<vmem_shared>>) target_semaphore(%run_scoped3A : memref<!tpu.dma_semaphore, #tpu.memory_space<semaphore_mem>>)
        %dma_wait3A = arith.constant 0 : i32
        %dma_wait3A_51 = arith.constant 0 : i32
        %dma_wait3A_52 = tpu.memref_slice %arg8[%dma_wait3A, %dma_wait3A_51] : memref<125x128xf32, #tpu.memory_space<vmem>> -> memref<16x128xf32, #tpu.memory_space<vmem>>
        %dma_wait3A_53 = arith.constant 9984 : i32
        %dma_wait3A_54 = arith.constant 0 : i32
        %dma_wait3A_55 = tpu.memref_slice %arg9[%dma_wait3A_53, %dma_wait3A_54] : memref<10000x128xf32, #tpu.memory_space<vmem_shared>> -> memref<16x128xf32, #tpu.memory_space<vmem_shared>>
        %dma_wait3A_56 = arith.constant 9984 : i32
        %dma_wait3A_57 = arith.constant 0 : i32
        %dma_wait3A_58 = tpu.memref_slice %arg9[%dma_wait3A_56, %dma_wait3A_57] : memref<10000x128xf32, #tpu.memory_space<vmem_shared>> -> memref<16x128xf32, #tpu.memory_space<vmem_shared>>
        %dma_wait3A_59 = arith.constant 0 : i32
        %dma_wait3A_60 = arith.constant 0 : i32
        %dma_wait3A_61 = tpu.memref_slice %arg8[%dma_wait3A_59, %dma_wait3A_60] : memref<125x128xf32, #tpu.memory_space<vmem>> -> memref<16x128xf32, #tpu.memory_space<vmem>>
        tpu.wait_dma2 semaphore(%run_scoped3A : memref<!tpu.dma_semaphore, #tpu.memory_space<semaphore_mem>>) src(%dma_wait3A_61 : memref<16x128xf32, #tpu.memory_space<vmem>>) dst(%dma_wait3A_58 : memref<16x128xf32, #tpu.memory_space<vmem_shared>>)
        tpu.yield
      }) : () -> ()
    } else {
    }
    %mul3A_17 = arith.constant 16 : i32
    %mul3A_18 = arith.muli %arg0, %mul3A_17 : i32
    %add3A_19 = arith.addi %mul3A_18, %arg1 : i32
    "tpu.region"() ({
      %run_scoped3A = tpu.sem_alloc : memref<!tpu.dma_semaphore, #tpu.memory_space<semaphore_mem>>
      %dma_start3A = arith.constant 0 : i32
      %dma_start3A_40 = arith.constant 0 : i32
      %dma_start3A_41 = tpu.memref_slice %arg3[%add3A_19, %dma_start3A, %dma_start3A_40] : memref<32x80x125xi32, #tpu.memory_space<hbm>> -> memref<1x80x125xi32, #tpu.memory_space<hbm>>
      %dma_start3A_42 = tpu.memref_squeeze %dma_start3A_41 : memref<1x80x125xi32, #tpu.memory_space<hbm>> -> memref<80x125xi32, #tpu.memory_space<hbm>>
      %dma_start3A_43 = arith.constant 0 : i32
      %dma_start3A_44 = arith.constant 0 : i32
      %dma_start3A_45 = tpu.memref_slice %arg3[%add3A_19, %dma_start3A_43, %dma_start3A_44] : memref<32x80x125xi32, #tpu.memory_space<hbm>> -> memref<1x80x125xi32, #tpu.memory_space<hbm>>
      %dma_start3A_46 = tpu.memref_squeeze %dma_start3A_45 : memref<1x80x125xi32, #tpu.memory_space<hbm>> -> memref<80x125xi32, #tpu.memory_space<hbm>>
      tpu.enqueue_dma source(%dma_start3A_46 : memref<80x125xi32, #tpu.memory_space<hbm>>) target(%arg6 : memref<80x125xi32, #tpu.memory_space<vmem>>) target_semaphore(%run_scoped3A : memref<!tpu.dma_semaphore, #tpu.memory_space<semaphore_mem>>)
      %dma_wait3A = arith.constant 0 : i32
      %dma_wait3A_47 = arith.constant 0 : i32
      %dma_wait3A_48 = tpu.memref_slice %arg3[%add3A_19, %dma_wait3A, %dma_wait3A_47] : memref<32x80x125xi32, #tpu.memory_space<hbm>> -> memref<1x80x125xi32, #tpu.memory_space<hbm>>
      %dma_wait3A_49 = tpu.memref_squeeze %dma_wait3A_48 : memref<1x80x125xi32, #tpu.memory_space<hbm>> -> memref<80x125xi32, #tpu.memory_space<hbm>>
      %dma_wait3A_50 = arith.constant 0 : i32
      %dma_wait3A_51 = arith.constant 0 : i32
      %dma_wait3A_52 = tpu.memref_slice %arg3[%add3A_19, %dma_wait3A_50, %dma_wait3A_51] : memref<32x80x125xi32, #tpu.memory_space<hbm>> -> memref<1x80x125xi32, #tpu.memory_space<hbm>>
      %dma_wait3A_53 = tpu.memref_squeeze %dma_wait3A_52 : memref<1x80x125xi32, #tpu.memory_space<hbm>> -> memref<80x125xi32, #tpu.memory_space<hbm>>
      tpu.wait_dma2 semaphore(%run_scoped3A : memref<!tpu.dma_semaphore, #tpu.memory_space<semaphore_mem>>) src(%dma_wait3A_53 : memref<80x125xi32, #tpu.memory_space<hbm>>) dst(%arg6 : memref<80x125xi32, #tpu.memory_space<vmem>>)
      tpu.yield
    }) : () -> ()
    "tpu.region"() ({
      %run_scoped3A = tpu.sem_alloc : memref<!tpu.dma_semaphore, #tpu.memory_space<semaphore_mem>>
      %dma_start3A = arith.constant 0 : i32
      %dma_start3A_40 = arith.constant 0 : i32
      %dma_start3A_41 = tpu.memref_slice %arg4[%arg1, %dma_start3A, %dma_start3A_40] : memref<16x80x125xi32, #tpu.memory_space<hbm>> -> memref<1x80x125xi32, #tpu.memory_space<hbm>>
      %dma_start3A_42 = tpu.memref_squeeze %dma_start3A_41 : memref<1x80x125xi32, #tpu.memory_space<hbm>> -> memref<80x125xi32, #tpu.memory_space<hbm>>
      %dma_start3A_43 = arith.constant 0 : i32
      %dma_start3A_44 = arith.constant 0 : i32
      %dma_start3A_45 = tpu.memref_slice %arg4[%arg1, %dma_start3A_43, %dma_start3A_44] : memref<16x80x125xi32, #tpu.memory_space<hbm>> -> memref<1x80x125xi32, #tpu.memory_space<hbm>>
      %dma_start3A_46 = tpu.memref_squeeze %dma_start3A_45 : memref<1x80x125xi32, #tpu.memory_space<hbm>> -> memref<80x125xi32, #tpu.memory_space<hbm>>
      tpu.enqueue_dma source(%dma_start3A_46 : memref<80x125xi32, #tpu.memory_space<hbm>>) target(%arg7 : memref<80x125xi32, #tpu.memory_space<vmem>>) target_semaphore(%run_scoped3A : memref<!tpu.dma_semaphore, #tpu.memory_space<semaphore_mem>>)
      %dma_wait3A = arith.constant 0 : i32
      %dma_wait3A_47 = arith.constant 0 : i32
      %dma_wait3A_48 = tpu.memref_slice %arg4[%arg1, %dma_wait3A, %dma_wait3A_47] : memref<16x80x125xi32, #tpu.memory_space<hbm>> -> memref<1x80x125xi32, #tpu.memory_space<hbm>>
      %dma_wait3A_49 = tpu.memref_squeeze %dma_wait3A_48 : memref<1x80x125xi32, #tpu.memory_space<hbm>> -> memref<80x125xi32, #tpu.memory_space<hbm>>
      %dma_wait3A_50 = arith.constant 0 : i32
      %dma_wait3A_51 = arith.constant 0 : i32
      %dma_wait3A_52 = tpu.memref_slice %arg4[%arg1, %dma_wait3A_50, %dma_wait3A_51] : memref<16x80x125xi32, #tpu.memory_space<hbm>> -> memref<1x80x125xi32, #tpu.memory_space<hbm>>
      %dma_wait3A_53 = tpu.memref_squeeze %dma_wait3A_52 : memref<1x80x125xi32, #tpu.memory_space<hbm>> -> memref<80x125xi32, #tpu.memory_space<hbm>>
      tpu.wait_dma2 semaphore(%run_scoped3A : memref<!tpu.dma_semaphore, #tpu.memory_space<semaphore_mem>>) src(%dma_wait3A_53 : memref<80x125xi32, #tpu.memory_space<hbm>>) dst(%arg7 : memref<80x125xi32, #tpu.memory_space<vmem>>)
      tpu.yield
    }) : () -> ()
    %barrier3A = arith.constant 0 : index
    tpu.barrier barrier_id(%barrier3A)
    %scan3A_20 = arith.constant 0 : i32
    %scan3A_21 = arith.constant 0 : i32
    %scan3A_22 = arith.constant 80 : i32
    %scan3A_23 = arith.addi %scan3A_21, %scan3A_22 : i32
    %scan3A_24 = arith.constant 1 : i32
    %scan3A_25 = scf.for %scan3A_40 = %scan3A_21 to %scan3A_23 step %scan3A_24 iter_args(%scan3A_41 = %scan3A_20) -> (i32)  : i32 {
      %dma_start3A = arith.constant 0 : i32
      %dma_start3A_42 = tpu.memref_slice %arg6[%scan3A_40, %dma_start3A] : memref<80x125xi32, #tpu.memory_space<vmem>> -> memref<1x125xi32, #tpu.memory_space<vmem>>
      %dma_start3A_43 = tpu.memref_squeeze %dma_start3A_42 : memref<1x125xi32, #tpu.memory_space<vmem>> -> memref<125xi32, #tpu.memory_space<vmem>>
      %dma_start3A_44 = arith.constant 0 : i32
      %dma_start3A_45 = arith.constant 0 : i32
      %dma_start3A_46 = tpu.memref_slice %arg2[%dma_start3A_44, %dma_start3A_45] : memref<20000x128xf32, #tpu.memory_space<hbm>> -> memref<20000x128xf32, #tpu.memory_space<hbm>>
      tpu.enqueue_indirect_dma source(%dma_start3A_46 : memref<20000x128xf32, #tpu.memory_space<hbm>>) target(%arg8 : memref<125x128xf32, #tpu.memory_space<vmem>>) offsets(%dma_start3A_43 : memref<125xi32, #tpu.memory_space<vmem>>) semaphore(%arg10 : memref<!tpu.dma_semaphore, #tpu.memory_space<semaphore_mem>>)
      %dma_wait3A = arith.constant 0 : i32
      %dma_wait3A_47 = tpu.memref_slice %arg6[%scan3A_40, %dma_wait3A] : memref<80x125xi32, #tpu.memory_space<vmem>> -> memref<1x125xi32, #tpu.memory_space<vmem>>
      %dma_wait3A_48 = tpu.memref_squeeze %dma_wait3A_47 : memref<1x125xi32, #tpu.memory_space<vmem>> -> memref<125xi32, #tpu.memory_space<vmem>>
      %dma_wait3A_49 = arith.constant 0 : i32
      %dma_wait3A_50 = arith.constant 0 : i32
      %dma_wait3A_51 = tpu.memref_slice %arg2[%dma_wait3A_49, %dma_wait3A_50] : memref<20000x128xf32, #tpu.memory_space<hbm>> -> memref<20000x128xf32, #tpu.memory_space<hbm>>
      tpu.wait_indirect_dma semaphore(%arg10 : memref<!tpu.dma_semaphore, #tpu.memory_space<semaphore_mem>>) src(%dma_wait3A_51 : memref<20000x128xf32, #tpu.memory_space<hbm>>) dst(%arg8 : memref<125x128xf32, #tpu.memory_space<vmem>>)
      "tpu.region"() ({
        %run_scoped3A = tpu.sem_alloc : memref<!tpu.dma_semaphore, #tpu.memory_space<semaphore_mem>>
        %dma_start3A_53 = arith.constant 0 : i32
        %dma_start3A_54 = tpu.memref_slice %arg7[%scan3A_40, %dma_start3A_53] : memref<80x125xi32, #tpu.memory_space<vmem>> -> memref<1x125xi32, #tpu.memory_space<vmem>>
        %dma_start3A_55 = tpu.memref_squeeze %dma_start3A_54 : memref<1x125xi32, #tpu.memory_space<vmem>> -> memref<125xi32, #tpu.memory_space<vmem>>
        %dma_start3A_56 = arith.constant 0 : i32
        %dma_start3A_57 = arith.constant 0 : i32
        %dma_start3A_58 = tpu.memref_slice %arg9[%dma_start3A_56, %dma_start3A_57] : memref<10000x128xf32, #tpu.memory_space<vmem_shared>> -> memref<10000x128xf32, #tpu.memory_space<vmem_shared>>
        tpu.enqueue_indirect_dma source(%arg8 : memref<125x128xf32, #tpu.memory_space<vmem>>) target(%dma_start3A_58 : memref<10000x128xf32, #tpu.memory_space<vmem_shared>>) offsets(%dma_start3A_55 : memref<125xi32, #tpu.memory_space<vmem>>) semaphore(%run_scoped3A : memref<!tpu.dma_semaphore, #tpu.memory_space<semaphore_mem>>) {add = true}
        %dma_wait3A_59 = arith.constant 0 : i32
        %dma_wait3A_60 = tpu.memref_slice %arg7[%scan3A_40, %dma_wait3A_59] : memref<80x125xi32, #tpu.memory_space<vmem>> -> memref<1x125xi32, #tpu.memory_space<vmem>>
        %dma_wait3A_61 = tpu.memref_squeeze %dma_wait3A_60 : memref<1x125xi32, #tpu.memory_space<vmem>> -> memref<125xi32, #tpu.memory_space<vmem>>
        %dma_wait3A_62 = arith.constant 0 : i32
        %dma_wait3A_63 = arith.constant 0 : i32
        %dma_wait3A_64 = tpu.memref_slice %arg9[%dma_wait3A_62, %dma_wait3A_63] : memref<10000x128xf32, #tpu.memory_space<vmem_shared>> -> memref<10000x128xf32, #tpu.memory_space<vmem_shared>>
        tpu.wait_indirect_dma semaphore(%run_scoped3A : memref<!tpu.dma_semaphore, #tpu.memory_space<semaphore_mem>>) src(%arg8 : memref<125x128xf32, #tpu.memory_space<vmem>>) dst(%dma_wait3A_64 : memref<10000x128xf32, #tpu.memory_space<vmem_shared>>)
        tpu.yield
      }) : () -> ()
      %scan3A_52 = arith.constant 0 : i32
      scf.yield %scan3A_52 : i32
    }
    %scan3A_26 = arith.constant 80 : i32
    %barrier3A_27 = arith.constant 0 : index
    tpu.barrier barrier_id(%barrier3A_27)
    %mul3A_28 = arith.constant 624 : i32
    %mul3A_29 = arith.muli %arg1, %mul3A_28 : i32
    %mul3A_30 = arith.constant 10000 : i32
    %mul3A_31 = arith.muli %arg0, %mul3A_30 : i32
    %mul3A_32 = arith.constant 624 : i32
    %mul3A_33 = arith.muli %arg1, %mul3A_32 : i32
    %add3A_34 = arith.addi %mul3A_31, %mul3A_33 : i32
    "tpu.region"() ({
      %run_scoped3A = tpu.sem_alloc : memref<!tpu.dma_semaphore, #tpu.memory_space<semaphore_mem>>
      %dma_start3A = arith.constant 0 : i32
      %dma_start3A_40 = tpu.memref_slice %arg5[%add3A_34, %dma_start3A] : memref<20000x128xf32, #tpu.memory_space<hbm>> -> memref<624x128xf32, #tpu.memory_space<hbm>>
      %dma_start3A_41 = arith.constant 0 : i32
      %dma_start3A_42 = tpu.memref_slice %arg9[%mul3A_29, %dma_start3A_41] : memref<10000x128xf32, #tpu.memory_space<vmem_shared>> -> memref<624x128xf32, #tpu.memory_space<vmem_shared>>
      tpu.enqueue_dma source(%dma_start3A_42 : memref<624x128xf32, #tpu.memory_space<vmem_shared>>) target(%dma_start3A_40 : memref<624x128xf32, #tpu.memory_space<hbm>>) target_semaphore(%run_scoped3A : memref<!tpu.dma_semaphore, #tpu.memory_space<semaphore_mem>>)
      %dma_wait3A = arith.constant 0 : i32
      %dma_wait3A_43 = tpu.memref_slice %arg5[%add3A_34, %dma_wait3A] : memref<20000x128xf32, #tpu.memory_space<hbm>> -> memref<624x128xf32, #tpu.memory_space<hbm>>
      %dma_wait3A_44 = arith.constant 0 : i32
      %dma_wait3A_45 = tpu.memref_slice %arg9[%mul3A_29, %dma_wait3A_44] : memref<10000x128xf32, #tpu.memory_space<vmem_shared>> -> memref<624x128xf32, #tpu.memory_space<vmem_shared>>
      tpu.wait_dma2 semaphore(%run_scoped3A : memref<!tpu.dma_semaphore, #tpu.memory_space<semaphore_mem>>) src(%dma_wait3A_45 : memref<624x128xf32, #tpu.memory_space<vmem_shared>>) dst(%dma_wait3A_43 : memref<624x128xf32, #tpu.memory_space<hbm>>)
      tpu.yield
    }) : () -> ()
    %eq3A_35 = arith.constant 15 : i32
    %eq3A_36 = arith.cmpi eq, %arg1, %eq3A_35 : i32
    %convert_element_type3A_37 = arith.extui %eq3A_36 : i1 to i32
    %cond3A_38 = arith.constant 0 : i32
    %cond3A_39 = arith.cmpi ne, %convert_element_type3A_37, %cond3A_38 : i32
    scf.if %cond3A_39 {
      %mul3A_40 = arith.constant 10000 : i32
      %mul3A_41 = arith.muli %arg0, %mul3A_40 : i32
      %add3A_42 = arith.constant 9984 : i32
      %add3A_43 = arith.addi %mul3A_41, %add3A_42 : i32
      "tpu.region"() ({
        %run_scoped3A = tpu.sem_alloc : memref<!tpu.dma_semaphore, #tpu.memory_space<semaphore_mem>>
        %dma_start3A = arith.constant 0 : i32
        %dma_start3A_44 = tpu.memref_slice %arg5[%add3A_43, %dma_start3A] : memref<20000x128xf32, #tpu.memory_space<hbm>> -> memref<16x128xf32, #tpu.memory_space<hbm>>
        %dma_start3A_45 = arith.constant 9984 : i32
        %dma_start3A_46 = arith.constant 0 : i32
        %dma_start3A_47 = tpu.memref_slice %arg9[%dma_start3A_45, %dma_start3A_46] : memref<10000x128xf32, #tpu.memory_space<vmem_shared>> -> memref<16x128xf32, #tpu.memory_space<vmem_shared>>
        tpu.enqueue_dma source(%dma_start3A_47 : memref<16x128xf32, #tpu.memory_space<vmem_shared>>) target(%dma_start3A_44 : memref<16x128xf32, #tpu.memory_space<hbm>>) target_semaphore(%run_scoped3A : memref<!tpu.dma_semaphore, #tpu.memory_space<semaphore_mem>>)
        %dma_wait3A = arith.constant 0 : i32
        %dma_wait3A_48 = tpu.memref_slice %arg5[%add3A_43, %dma_wait3A] : memref<20000x128xf32, #tpu.memory_space<hbm>> -> memref<16x128xf32, #tpu.memory_space<hbm>>
        %dma_wait3A_49 = arith.constant 9984 : i32
        %dma_wait3A_50 = arith.constant 0 : i32
        %dma_wait3A_51 = tpu.memref_slice %arg9[%dma_wait3A_49, %dma_wait3A_50] : memref<10000x128xf32, #tpu.memory_space<vmem_shared>> -> memref<16x128xf32, #tpu.memory_space<vmem_shared>>
        tpu.wait_dma2 semaphore(%run_scoped3A : memref<!tpu.dma_semaphore, #tpu.memory_space<semaphore_mem>>) src(%dma_wait3A_51 : memref<16x128xf32, #tpu.memory_space<vmem_shared>>) dst(%dma_wait3A_48 : memref<16x128xf32, #tpu.memory_space<hbm>>)
        tpu.yield
      }) : () -> ()
    } else {
    }
    return
  }
}

module attributes {stable_mosaic.version = 14 : i64} {
  func.func @body(%arg0: i32, %arg1: memref<1000x256xf32, #tpu.memory_space<vmem>>, %arg2: memref<256x256xf32, #tpu.memory_space<vmem>>, %arg3: memref<2x1000x128xf32, #tpu.memory_space<vmem>>, %arg4: memref<2x1000x128xf32, #tpu.memory_space<vmem>>, %arg5: memref<1000x1xf32, #tpu.memory_space<vmem>>) attributes {dimension_semantics = [#tpu.dimension_semantics<arbitrary>], iteration_bounds = array<i64: 10>, scalar_prefetch = 0 : i64, scratch_operands = 0 : i64, tpu.core_type = #tpu.core_type<tc>, window_params = [{transform_indices = @transform_0, window_bounds = array<i64: 1000, 256>}, {pipeline_mode = #tpu.pipeline_mode<synchronous>, transform_indices = @transform_1, window_bounds = array<i64: 256, 256>}, {transform_indices = @transform_2, window_bounds = array<i64: 2, 1000, 128>}, {transform_indices = @transform_3, window_bounds = array<i64: 2, 1000, 128>}, {transform_indices = @transform_4, window_bounds = array<i64: 1000, 1>}]} {
    %get3A = arith.constant 0 : index
    %get3A_0 = arith.constant 0 : index
    %get3A_1 = arith.constant 0 : index
    %get3A_2 = vector.load %arg3[%get3A, %get3A_0, %get3A_1] : memref<2x1000x128xf32, #tpu.memory_space<vmem>>, vector<1x1000x1xf32>
    %get3A_3 = vector.shape_cast %get3A_2 : vector<1x1000x1xf32> to vector<1000x1xf32>
    %get3A_4 = arith.constant 1 : index
    %get3A_5 = arith.constant 0 : index
    %get3A_6 = arith.constant 0 : index
    %get3A_7 = vector.load %arg3[%get3A_4, %get3A_5, %get3A_6] : memref<2x1000x128xf32, #tpu.memory_space<vmem>>, vector<1x1000x1xf32>
    %get3A_8 = vector.shape_cast %get3A_7 : vector<1x1000x1xf32> to vector<1000x1xf32>
    %add3A = arith.addf %get3A_3, %get3A_8 : vector<1000x1xf32>
    %gt3A = arith.constant 0.000000e+00 : f32
    %gt3A_9 = vector.broadcast %gt3A : f32 to vector<1000x1xf32>
    %gt3A_10 = arith.cmpf ogt, %add3A, %gt3A_9 : vector<1000x1xf32>
    %jit3A = arith.constant 1.000000e+00 : f32
    %broadcast_in_dim3A = vector.broadcast %jit3A : f32 to vector<1000x1xf32>
    %select_n3A = arith.select %gt3A_10, %add3A, %broadcast_in_dim3A : vector<1000x1xi1>, vector<1000x1xf32>
    %sqrt3A = math.sqrt %select_n3A : vector<1000x1xf32>
    %div3A = arith.constant 1.000000e+00 : f32
    %div3A_11 = vector.broadcast %div3A : f32 to vector<1000x1xf32>
    %div3A_12 = arith.divf %div3A_11, %sqrt3A : vector<1000x1xf32>
    %jit3A_13 = arith.constant 0.000000e+00 : f32
    %broadcast_in_dim3A_14 = vector.broadcast %jit3A_13 : f32 to vector<1000x1xf32>
    %select_n3A_15 = arith.select %gt3A_10, %div3A_12, %broadcast_in_dim3A_14 : vector<1000x1xi1>, vector<1000x1xf32>
    %get3A_16 = arith.constant 0 : index
    %get3A_17 = arith.constant 0 : index
    %get3A_18 = vector.load %arg1[%get3A_16, %get3A_17] : memref<1000x256xf32, #tpu.memory_space<vmem>>, vector<1000x256xf32>
    %get3A_19 = arith.constant 0 : index
    %get3A_20 = arith.constant 0 : index
    %get3A_21 = vector.load %arg2[%get3A_19, %get3A_20] : memref<256x256xf32, #tpu.memory_space<vmem>>, vector<256x256xf32>
    %dot_general3A = arith.constant dense<0.000000e+00> : vector<1000x256xf32>
    %dot_general3A_22 = tpu.matmul %get3A_18, %get3A_21, %dot_general3A {dimension_numbers = #tpu.dot_dimension_numbers<[1], [1], [0], [0], [0, 0, 1, 0], [], []>, transpose_lhs_hint = false} : vector<1000x256xf32>, vector<256x256xf32>, vector<1000x256xf32> -> vector<1000x256xf32>
    %mul3A = vector.broadcast %select_n3A_15 : vector<1000x1xf32> to vector<1000x256xf32>
    %mul3A_23 = arith.mulf %mul3A, %dot_general3A_22 : vector<1000x256xf32>
    %slice3A = vector.extract_strided_slice %mul3A_23 {offsets = [0, 0], sizes = [1000, 128], strides = [1, 1]} : vector<1000x256xf32> to vector<1000x128xf32>
    %swap3A = arith.constant 0 : index
    %swap3A_24 = arith.constant 0 : index
    %swap3A_25 = arith.constant 0 : index
    %swap3A_26 = vector.load %arg4[%swap3A, %swap3A_24, %swap3A_25] : memref<2x1000x128xf32, #tpu.memory_space<vmem>>, vector<1x1000x128xf32>
    %swap3A_27 = vector.shape_cast %swap3A_26 : vector<1x1000x128xf32> to vector<1000x128xf32>
    %swap3A_28 = vector.shape_cast %slice3A : vector<1000x128xf32> to vector<1x1000x128xf32>
    tpu.vector_store %arg4[%swap3A, %swap3A_24, %swap3A_25], %swap3A_28 {strides = array<i32>} : memref<2x1000x128xf32, #tpu.memory_space<vmem>>, vector<1x1000x128xf32>,
    %slice3A_29 = vector.extract_strided_slice %mul3A_23 {offsets = [0, 128], sizes = [1000, 128], strides = [1, 1]} : vector<1000x256xf32> to vector<1000x128xf32>
    %swap3A_30 = arith.constant 1 : index
    %swap3A_31 = arith.constant 0 : index
    %swap3A_32 = arith.constant 0 : index
    %swap3A_33 = vector.load %arg4[%swap3A_30, %swap3A_31, %swap3A_32] : memref<2x1000x128xf32, #tpu.memory_space<vmem>>, vector<1x1000x128xf32>
    %swap3A_34 = vector.shape_cast %swap3A_33 : vector<1x1000x128xf32> to vector<1000x128xf32>
    %swap3A_35 = vector.shape_cast %slice3A_29 : vector<1000x128xf32> to vector<1x1000x128xf32>
    tpu.vector_store %arg4[%swap3A_30, %swap3A_31, %swap3A_32], %swap3A_35 {strides = array<i32>} : memref<2x1000x128xf32, #tpu.memory_space<vmem>>, vector<1x1000x128xf32>,
    %swap3A_36 = arith.constant 0 : index
    %swap3A_37 = arith.constant 0 : index
    %swap3A_38 = vector.load %arg5[%swap3A_36, %swap3A_37] : memref<1000x1xf32, #tpu.memory_space<vmem>>, vector<1000x1xf32>
    tpu.vector_store %arg5[%swap3A_36, %swap3A_37], %select_n3A_15 {strides = array<i32>} : memref<1000x1xf32, #tpu.memory_space<vmem>>, vector<1000x1xf32>,
    return
  }
  func.func @transform_0(%arg0: i32) -> (i32, i32) {
    %c0_i32 = arith.constant 0 : i32
    %c0_i32_0 = arith.constant 0 : i32
    return %arg0, %c0_i32 : i32, i32
  }
  func.func @transform_1(%arg0: i32) -> (i32, i32) {
    %c0_i32 = arith.constant 0 : i32
    %c0_i32_0 = arith.constant 0 : i32
    %c0_i32_1 = arith.constant 0 : i32
    return %c0_i32, %c0_i32_0 : i32, i32
  }
  func.func @transform_2(%arg0: i32) -> (i32, i32, i32) {
    %c0_i32 = arith.constant 0 : i32
    %c0_i32_0 = arith.constant 0 : i32
    %c0_i32_1 = arith.constant 0 : i32
    return %c0_i32, %arg0, %c0_i32_0 : i32, i32, i32
  }
  func.func @transform_3(%arg0: i32) -> (i32, i32, i32) {
    %c0_i32 = arith.constant 0 : i32
    %c0_i32_0 = arith.constant 0 : i32
    %c0_i32_1 = arith.constant 0 : i32
    return %c0_i32, %arg0, %c0_i32_0 : i32, i32, i32
  }
  func.func @transform_4(%arg0: i32) -> (i32, i32) {
    %c0_i32 = arith.constant 0 : i32
    %c0_i32_0 = arith.constant 0 : i32
    return %arg0, %c0_i32 : i32, i32
  }
}

module attributes {stable_mosaic.version = 14 : i64} {
  func.func @body(%arg0: i32, %arg1: memref<2x1000x128xf32, #tpu.memory_space<vmem>>, %arg2: memref<1000x1xf32, #tpu.memory_space<vmem>>, %arg3: memref<1x256xf32, #tpu.memory_space<vmem>>, %arg4: memref<256x256xf32, #tpu.memory_space<vmem>>, %arg5: memref<1000x256xf32, #tpu.memory_space<vmem>>, %arg6: memref<2x1000x128xf32, #tpu.memory_space<vmem>>) attributes {dimension_semantics = [#tpu.dimension_semantics<arbitrary>], iteration_bounds = array<i64: 10>, scalar_prefetch = 0 : i64, scratch_operands = 0 : i64, tpu.core_type = #tpu.core_type<tc>, window_params = [{transform_indices = @transform_0, window_bounds = array<i64: 2, 1000, 128>}, {transform_indices = @transform_1, window_bounds = array<i64: 1000, 1>}, {pipeline_mode = #tpu.pipeline_mode<synchronous>, transform_indices = @transform_2, window_bounds = array<i64: 1, 256>}, {pipeline_mode = #tpu.pipeline_mode<synchronous>, transform_indices = @transform_3, window_bounds = array<i64: 256, 256>}, {transform_indices = @transform_4, window_bounds = array<i64: 1000, 256>}, {transform_indices = @transform_5, window_bounds = array<i64: 2, 1000, 128>}]} {
    %get3A = arith.constant 0 : index
    %get3A_0 = arith.constant 0 : index
    %get3A_1 = vector.load %arg2[%get3A, %get3A_0] : memref<1000x1xf32, #tpu.memory_space<vmem>>, vector<1000x1xf32>
    %get3A_2 = arith.constant 0 : index
    %get3A_3 = arith.constant 0 : index
    %get3A_4 = arith.constant 0 : index
    %get3A_5 = vector.load %arg1[%get3A_2, %get3A_3, %get3A_4] : memref<2x1000x128xf32, #tpu.memory_space<vmem>>, vector<1x1000x128xf32>
    %get3A_6 = vector.shape_cast %get3A_5 : vector<1x1000x128xf32> to vector<1000x128xf32>
    %get3A_7 = arith.constant 1 : index
    %get3A_8 = arith.constant 0 : index
    %get3A_9 = arith.constant 0 : index
    %get3A_10 = vector.load %arg1[%get3A_7, %get3A_8, %get3A_9] : memref<2x1000x128xf32, #tpu.memory_space<vmem>>, vector<1x1000x128xf32>
    %get3A_11 = vector.shape_cast %get3A_10 : vector<1x1000x128xf32> to vector<1000x128xf32>
    %concatenate3A = tpu.concatenate %get3A_6, %get3A_11 in 1 : vector<1000x128xf32>, vector<1000x128xf32> -> vector<1000x256xf32>
    %mul3A = vector.broadcast %get3A_1 : vector<1000x1xf32> to vector<1000x256xf32>
    %mul3A_12 = arith.mulf %mul3A, %concatenate3A : vector<1000x256xf32>
    %get3A_13 = arith.constant 0 : index
    %get3A_14 = arith.constant 0 : index
    %get3A_15 = vector.load %arg3[%get3A_13, %get3A_14] : memref<1x256xf32, #tpu.memory_space<vmem>>, vector<1x256xf32>
    %add3A = vector.broadcast %get3A_15 : vector<1x256xf32> to vector<1000x256xf32>
    %add3A_16 = arith.addf %mul3A_12, %add3A : vector<1000x256xf32>
    %swap3A = arith.constant 0 : index
    %swap3A_17 = arith.constant 0 : index
    %swap3A_18 = vector.load %arg5[%swap3A, %swap3A_17] : memref<1000x256xf32, #tpu.memory_space<vmem>>, vector<1000x256xf32>
    tpu.vector_store %arg5[%swap3A, %swap3A_17], %add3A_16 {strides = array<i32>} : memref<1000x256xf32, #tpu.memory_space<vmem>>, vector<1000x256xf32>,
    %get3A_19 = arith.constant 0 : index
    %get3A_20 = arith.constant 0 : index
    %get3A_21 = vector.load %arg4[%get3A_19, %get3A_20] : memref<256x256xf32, #tpu.memory_space<vmem>>, vector<256x256xf32>
    %dot_general3A = arith.constant dense<0.000000e+00> : vector<1000x256xf32>
    %dot_general3A_22 = tpu.matmul %add3A_16, %get3A_21, %dot_general3A {dimension_numbers = #tpu.dot_dimension_numbers<[1], [1], [0], [0], [0, 0, 1, 0], [], []>, transpose_lhs_hint = false} : vector<1000x256xf32>, vector<256x256xf32>, vector<1000x256xf32> -> vector<1000x256xf32>
    %mul3A_23 = vector.broadcast %get3A_1 : vector<1000x1xf32> to vector<1000x256xf32>
    %mul3A_24 = arith.mulf %mul3A_23, %dot_general3A_22 : vector<1000x256xf32>
    %slice3A = vector.extract_strided_slice %mul3A_24 {offsets = [0, 0], sizes = [1000, 128], strides = [1, 1]} : vector<1000x256xf32> to vector<1000x128xf32>
    %swap3A_25 = arith.constant 0 : index
    %swap3A_26 = arith.constant 0 : index
    %swap3A_27 = arith.constant 0 : index
    %swap3A_28 = vector.load %arg6[%swap3A_25, %swap3A_26, %swap3A_27] : memref<2x1000x128xf32, #tpu.memory_space<vmem>>, vector<1x1000x128xf32>
    %swap3A_29 = vector.shape_cast %swap3A_28 : vector<1x1000x128xf32> to vector<1000x128xf32>
    %swap3A_30 = vector.shape_cast %slice3A : vector<1000x128xf32> to vector<1x1000x128xf32>
    tpu.vector_store %arg6[%swap3A_25, %swap3A_26, %swap3A_27], %swap3A_30 {strides = array<i32>} : memref<2x1000x128xf32, #tpu.memory_space<vmem>>, vector<1x1000x128xf32>,
    %slice3A_31 = vector.extract_strided_slice %mul3A_24 {offsets = [0, 128], sizes = [1000, 128], strides = [1, 1]} : vector<1000x256xf32> to vector<1000x128xf32>
    %swap3A_32 = arith.constant 1 : index
    %swap3A_33 = arith.constant 0 : index
    %swap3A_34 = arith.constant 0 : index
    %swap3A_35 = vector.load %arg6[%swap3A_32, %swap3A_33, %swap3A_34] : memref<2x1000x128xf32, #tpu.memory_space<vmem>>, vector<1x1000x128xf32>
    %swap3A_36 = vector.shape_cast %swap3A_35 : vector<1x1000x128xf32> to vector<1000x128xf32>
    %swap3A_37 = vector.shape_cast %slice3A_31 : vector<1000x128xf32> to vector<1x1000x128xf32>
    tpu.vector_store %arg6[%swap3A_32, %swap3A_33, %swap3A_34], %swap3A_37 {strides = array<i32>} : memref<2x1000x128xf32, #tpu.memory_space<vmem>>, vector<1x1000x128xf32>,
    return
  }
  func.func @transform_0(%arg0: i32) -> (i32, i32, i32) {
    %c0_i32 = arith.constant 0 : i32
    %c0_i32_0 = arith.constant 0 : i32
    %c0_i32_1 = arith.constant 0 : i32
    return %c0_i32, %arg0, %c0_i32_0 : i32, i32, i32
  }
  func.func @transform_1(%arg0: i32) -> (i32, i32) {
    %c0_i32 = arith.constant 0 : i32
    %c0_i32_0 = arith.constant 0 : i32
    return %arg0, %c0_i32 : i32, i32
  }
  func.func @transform_2(%arg0: i32) -> (i32, i32) {
    %c0_i32 = arith.constant 0 : i32
    %c0_i32_0 = arith.constant 0 : i32
    %c0_i32_1 = arith.constant 0 : i32
    return %c0_i32, %c0_i32_0 : i32, i32
  }
  func.func @transform_3(%arg0: i32) -> (i32, i32) {
    %c0_i32 = arith.constant 0 : i32
    %c0_i32_0 = arith.constant 0 : i32
    %c0_i32_1 = arith.constant 0 : i32
    return %c0_i32, %c0_i32_0 : i32, i32
  }
  func.func @transform_4(%arg0: i32) -> (i32, i32) {
    %c0_i32 = arith.constant 0 : i32
    %c0_i32_0 = arith.constant 0 : i32
    return %arg0, %c0_i32 : i32, i32
  }
  func.func @transform_5(%arg0: i32) -> (i32, i32, i32) {
    %c0_i32 = arith.constant 0 : i32
    %c0_i32_0 = arith.constant 0 : i32
    %c0_i32_1 = arith.constant 0 : i32
    return %c0_i32, %arg0, %c0_i32_0 : i32, i32, i32
  }
}

module attributes {stable_mosaic.version = 14 : i64} {
  func.func @body(%arg0: i32, %arg1: memref<2x1000x128xf32, #tpu.memory_space<vmem>>, %arg2: memref<1000x1xf32, #tpu.memory_space<vmem>>, %arg3: memref<1x256xf32, #tpu.memory_space<vmem>>, %arg4: memref<256x256xf32, #tpu.memory_space<vmem>>, %arg5: memref<1000x256xf32, #tpu.memory_space<vmem>>, %arg6: memref<1000x256xf32, #tpu.memory_space<vmem>>, %arg7: memref<2x1000x128xf32, #tpu.memory_space<vmem>>) attributes {dimension_semantics = [#tpu.dimension_semantics<arbitrary>], iteration_bounds = array<i64: 10>, scalar_prefetch = 0 : i64, scratch_operands = 0 : i64, tpu.core_type = #tpu.core_type<tc>, window_params = [{transform_indices = @transform_0, window_bounds = array<i64: 2, 1000, 128>}, {transform_indices = @transform_1, window_bounds = array<i64: 1000, 1>}, {pipeline_mode = #tpu.pipeline_mode<synchronous>, transform_indices = @transform_2, window_bounds = array<i64: 1, 256>}, {pipeline_mode = #tpu.pipeline_mode<synchronous>, transform_indices = @transform_3, window_bounds = array<i64: 256, 256>}, {transform_indices = @transform_4, window_bounds = array<i64: 1000, 256>}, {transform_indices = @transform_5, window_bounds = array<i64: 1000, 256>}, {transform_indices = @transform_6, window_bounds = array<i64: 2, 1000, 128>}]} {
    %get3A = arith.constant 0 : index
    %get3A_0 = arith.constant 0 : index
    %get3A_1 = vector.load %arg2[%get3A, %get3A_0] : memref<1000x1xf32, #tpu.memory_space<vmem>>, vector<1000x1xf32>
    %get3A_2 = arith.constant 0 : index
    %get3A_3 = arith.constant 0 : index
    %get3A_4 = arith.constant 0 : index
    %get3A_5 = vector.load %arg1[%get3A_2, %get3A_3, %get3A_4] : memref<2x1000x128xf32, #tpu.memory_space<vmem>>, vector<1x1000x128xf32>
    %get3A_6 = vector.shape_cast %get3A_5 : vector<1x1000x128xf32> to vector<1000x128xf32>
    %get3A_7 = arith.constant 1 : index
    %get3A_8 = arith.constant 0 : index
    %get3A_9 = arith.constant 0 : index
    %get3A_10 = vector.load %arg1[%get3A_7, %get3A_8, %get3A_9] : memref<2x1000x128xf32, #tpu.memory_space<vmem>>, vector<1x1000x128xf32>
    %get3A_11 = vector.shape_cast %get3A_10 : vector<1x1000x128xf32> to vector<1000x128xf32>
    %concatenate3A = tpu.concatenate %get3A_6, %get3A_11 in 1 : vector<1000x128xf32>, vector<1000x128xf32> -> vector<1000x256xf32>
    %mul3A = vector.broadcast %get3A_1 : vector<1000x1xf32> to vector<1000x256xf32>
    %mul3A_12 = arith.mulf %mul3A, %concatenate3A : vector<1000x256xf32>
    %get3A_13 = arith.constant 0 : index
    %get3A_14 = arith.constant 0 : index
    %get3A_15 = vector.load %arg3[%get3A_13, %get3A_14] : memref<1x256xf32, #tpu.memory_space<vmem>>, vector<1x256xf32>
    %add3A = vector.broadcast %get3A_15 : vector<1x256xf32> to vector<1000x256xf32>
    %add3A_16 = arith.addf %mul3A_12, %add3A : vector<1000x256xf32>
    %get3A_17 = arith.constant 0 : index
    %get3A_18 = arith.constant 0 : index
    %get3A_19 = vector.load %arg5[%get3A_17, %get3A_18] : memref<1000x256xf32, #tpu.memory_space<vmem>>, vector<1000x256xf32>
    %add3A_20 = arith.addf %get3A_19, %add3A_16 : vector<1000x256xf32>
    %swap3A = arith.constant 0 : index
    %swap3A_21 = arith.constant 0 : index
    %swap3A_22 = vector.load %arg6[%swap3A, %swap3A_21] : memref<1000x256xf32, #tpu.memory_space<vmem>>, vector<1000x256xf32>
    tpu.vector_store %arg6[%swap3A, %swap3A_21], %add3A_20 {strides = array<i32>} : memref<1000x256xf32, #tpu.memory_space<vmem>>, vector<1000x256xf32>,
    %get3A_23 = arith.constant 0 : index
    %get3A_24 = arith.constant 0 : index
    %get3A_25 = vector.load %arg4[%get3A_23, %get3A_24] : memref<256x256xf32, #tpu.memory_space<vmem>>, vector<256x256xf32>
    %dot_general3A = arith.constant dense<0.000000e+00> : vector<1000x256xf32>
    %dot_general3A_26 = tpu.matmul %add3A_16, %get3A_25, %dot_general3A {dimension_numbers = #tpu.dot_dimension_numbers<[1], [1], [0], [0], [0, 0, 1, 0], [], []>, transpose_lhs_hint = false} : vector<1000x256xf32>, vector<256x256xf32>, vector<1000x256xf32> -> vector<1000x256xf32>
    %mul3A_27 = vector.broadcast %get3A_1 : vector<1000x1xf32> to vector<1000x256xf32>
    %mul3A_28 = arith.mulf %mul3A_27, %dot_general3A_26 : vector<1000x256xf32>
    %slice3A = vector.extract_strided_slice %mul3A_28 {offsets = [0, 0], sizes = [1000, 128], strides = [1, 1]} : vector<1000x256xf32> to vector<1000x128xf32>
    %swap3A_29 = arith.constant 0 : index
    %swap3A_30 = arith.constant 0 : index
    %swap3A_31 = arith.constant 0 : index
    %swap3A_32 = vector.load %arg7[%swap3A_29, %swap3A_30, %swap3A_31] : memref<2x1000x128xf32, #tpu.memory_space<vmem>>, vector<1x1000x128xf32>
    %swap3A_33 = vector.shape_cast %swap3A_32 : vector<1x1000x128xf32> to vector<1000x128xf32>
    %swap3A_34 = vector.shape_cast %slice3A : vector<1000x128xf32> to vector<1x1000x128xf32>
    tpu.vector_store %arg7[%swap3A_29, %swap3A_30, %swap3A_31], %swap3A_34 {strides = array<i32>} : memref<2x1000x128xf32, #tpu.memory_space<vmem>>, vector<1x1000x128xf32>,
    %slice3A_35 = vector.extract_strided_slice %mul3A_28 {offsets = [0, 128], sizes = [1000, 128], strides = [1, 1]} : vector<1000x256xf32> to vector<1000x128xf32>
    %swap3A_36 = arith.constant 1 : index
    %swap3A_37 = arith.constant 0 : index
    %swap3A_38 = arith.constant 0 : index
    %swap3A_39 = vector.load %arg7[%swap3A_36, %swap3A_37, %swap3A_38] : memref<2x1000x128xf32, #tpu.memory_space<vmem>>, vector<1x1000x128xf32>
    %swap3A_40 = vector.shape_cast %swap3A_39 : vector<1x1000x128xf32> to vector<1000x128xf32>
    %swap3A_41 = vector.shape_cast %slice3A_35 : vector<1000x128xf32> to vector<1x1000x128xf32>
    tpu.vector_store %arg7[%swap3A_36, %swap3A_37, %swap3A_38], %swap3A_41 {strides = array<i32>} : memref<2x1000x128xf32, #tpu.memory_space<vmem>>, vector<1x1000x128xf32>,
    return
  }
  func.func @transform_0(%arg0: i32) -> (i32, i32, i32) {
    %c0_i32 = arith.constant 0 : i32
    %c0_i32_0 = arith.constant 0 : i32
    %c0_i32_1 = arith.constant 0 : i32
    return %c0_i32, %arg0, %c0_i32_0 : i32, i32, i32
  }
  func.func @transform_1(%arg0: i32) -> (i32, i32) {
    %c0_i32 = arith.constant 0 : i32
    %c0_i32_0 = arith.constant 0 : i32
    return %arg0, %c0_i32 : i32, i32
  }
  func.func @transform_2(%arg0: i32) -> (i32, i32) {
    %c0_i32 = arith.constant 0 : i32
    %c0_i32_0 = arith.constant 0 : i32
    %c0_i32_1 = arith.constant 0 : i32
    return %c0_i32, %c0_i32_0 : i32, i32
  }
  func.func @transform_3(%arg0: i32) -> (i32, i32) {
    %c0_i32 = arith.constant 0 : i32
    %c0_i32_0 = arith.constant 0 : i32
    %c0_i32_1 = arith.constant 0 : i32
    return %c0_i32, %c0_i32_0 : i32, i32
  }
  func.func @transform_4(%arg0: i32) -> (i32, i32) {
    %c0_i32 = arith.constant 0 : i32
    %c0_i32_0 = arith.constant 0 : i32
    return %arg0, %c0_i32 : i32, i32
  }
  func.func @transform_5(%arg0: i32) -> (i32, i32) {
    %c0_i32 = arith.constant 0 : i32
    %c0_i32_0 = arith.constant 0 : i32
    return %arg0, %c0_i32 : i32, i32
  }
  func.func @transform_6(%arg0: i32) -> (i32, i32, i32) {
    %c0_i32 = arith.constant 0 : i32
    %c0_i32_0 = arith.constant 0 : i32
    %c0_i32_1 = arith.constant 0 : i32
    return %c0_i32, %arg0, %c0_i32_0 : i32, i32, i32
  }
}

module attributes {stable_mosaic.version = 14 : i64} {
  func.func @body(%arg0: i32, %arg1: memref<2x1000x128xf32, #tpu.memory_space<vmem>>, %arg2: memref<1000x1xf32, #tpu.memory_space<vmem>>, %arg3: memref<1x256xf32, #tpu.memory_space<vmem>>, %arg4: memref<1000x256xf32, #tpu.memory_space<vmem>>, %arg5: memref<128x256xf32, #tpu.memory_space<vmem>>, %arg6: memref<1x128xf32, #tpu.memory_space<vmem>>, %arg7: memref<1000x128xf32, #tpu.memory_space<vmem>>) attributes {dimension_semantics = [#tpu.dimension_semantics<arbitrary>], iteration_bounds = array<i64: 10>, scalar_prefetch = 0 : i64, scratch_operands = 0 : i64, tpu.core_type = #tpu.core_type<tc>, window_params = [{transform_indices = @transform_0, window_bounds = array<i64: 2, 1000, 128>}, {transform_indices = @transform_1, window_bounds = array<i64: 1000, 1>}, {pipeline_mode = #tpu.pipeline_mode<synchronous>, transform_indices = @transform_2, window_bounds = array<i64: 1, 256>}, {transform_indices = @transform_3, window_bounds = array<i64: 1000, 256>}, {pipeline_mode = #tpu.pipeline_mode<synchronous>, transform_indices = @transform_4, window_bounds = array<i64: 128, 256>}, {pipeline_mode = #tpu.pipeline_mode<synchronous>, transform_indices = @transform_5, window_bounds = array<i64: 1, 128>}, {transform_indices = @transform_6, window_bounds = array<i64: 1000, 128>}]} {
    %get3A = arith.constant 0 : index
    %get3A_0 = arith.constant 0 : index
    %get3A_1 = vector.load %arg2[%get3A, %get3A_0] : memref<1000x1xf32, #tpu.memory_space<vmem>>, vector<1000x1xf32>
    %get3A_2 = arith.constant 0 : index
    %get3A_3 = arith.constant 0 : index
    %get3A_4 = arith.constant 0 : index
    %get3A_5 = vector.load %arg1[%get3A_2, %get3A_3, %get3A_4] : memref<2x1000x128xf32, #tpu.memory_space<vmem>>, vector<1x1000x128xf32>
    %get3A_6 = vector.shape_cast %get3A_5 : vector<1x1000x128xf32> to vector<1000x128xf32>
    %get3A_7 = arith.constant 1 : index
    %get3A_8 = arith.constant 0 : index
    %get3A_9 = arith.constant 0 : index
    %get3A_10 = vector.load %arg1[%get3A_7, %get3A_8, %get3A_9] : memref<2x1000x128xf32, #tpu.memory_space<vmem>>, vector<1x1000x128xf32>
    %get3A_11 = vector.shape_cast %get3A_10 : vector<1x1000x128xf32> to vector<1000x128xf32>
    %concatenate3A = tpu.concatenate %get3A_6, %get3A_11 in 1 : vector<1000x128xf32>, vector<1000x128xf32> -> vector<1000x256xf32>
    %mul3A = vector.broadcast %get3A_1 : vector<1000x1xf32> to vector<1000x256xf32>
    %mul3A_12 = arith.mulf %mul3A, %concatenate3A : vector<1000x256xf32>
    %get3A_13 = arith.constant 0 : index
    %get3A_14 = arith.constant 0 : index
    %get3A_15 = vector.load %arg3[%get3A_13, %get3A_14] : memref<1x256xf32, #tpu.memory_space<vmem>>, vector<1x256xf32>
    %add3A = vector.broadcast %get3A_15 : vector<1x256xf32> to vector<1000x256xf32>
    %add3A_16 = arith.addf %mul3A_12, %add3A : vector<1000x256xf32>
    %get3A_17 = arith.constant 0 : index
    %get3A_18 = arith.constant 0 : index
    %get3A_19 = vector.load %arg4[%get3A_17, %get3A_18] : memref<1000x256xf32, #tpu.memory_space<vmem>>, vector<1000x256xf32>
    %add3A_20 = arith.addf %get3A_19, %add3A_16 : vector<1000x256xf32>
    %mul3A_21 = arith.constant 0.333333343 : f32
    %mul3A_22 = vector.broadcast %mul3A_21 : f32 to vector<1000x256xf32>
    %mul3A_23 = arith.mulf %add3A_20, %mul3A_22 : vector<1000x256xf32>
    %get3A_24 = arith.constant 0 : index
    %get3A_25 = arith.constant 0 : index
    %get3A_26 = vector.load %arg5[%get3A_24, %get3A_25] : memref<128x256xf32, #tpu.memory_space<vmem>>, vector<128x256xf32>
    %dot_general3A = arith.constant dense<0.000000e+00> : vector<1000x128xf32>
    %dot_general3A_27 = tpu.matmul %mul3A_23, %get3A_26, %dot_general3A {dimension_numbers = #tpu.dot_dimension_numbers<[1], [1], [0], [0], [0, 0, 1, 0], [], []>, transpose_lhs_hint = false} : vector<1000x256xf32>, vector<128x256xf32>, vector<1000x128xf32> -> vector<1000x128xf32>
    %get3A_28 = arith.constant 0 : index
    %get3A_29 = arith.constant 0 : index
    %get3A_30 = vector.load %arg6[%get3A_28, %get3A_29] : memref<1x128xf32, #tpu.memory_space<vmem>>, vector<1x128xf32>
    %add3A_31 = vector.broadcast %get3A_30 : vector<1x128xf32> to vector<1000x128xf32>
    %add3A_32 = arith.addf %dot_general3A_27, %add3A_31 : vector<1000x128xf32>
    %swap3A = arith.constant 0 : index
    %swap3A_33 = arith.constant 0 : index
    %swap3A_34 = vector.load %arg7[%swap3A, %swap3A_33] : memref<1000x128xf32, #tpu.memory_space<vmem>>, vector<1000x128xf32>
    tpu.vector_store %arg7[%swap3A, %swap3A_33], %add3A_32 {strides = array<i32>} : memref<1000x128xf32, #tpu.memory_space<vmem>>, vector<1000x128xf32>,
    return
  }
  func.func @transform_0(%arg0: i32) -> (i32, i32, i32) {
    %c0_i32 = arith.constant 0 : i32
    %c0_i32_0 = arith.constant 0 : i32
    %c0_i32_1 = arith.constant 0 : i32
    return %c0_i32, %arg0, %c0_i32_0 : i32, i32, i32
  }
  func.func @transform_1(%arg0: i32) -> (i32, i32) {
    %c0_i32 = arith.constant 0 : i32
    %c0_i32_0 = arith.constant 0 : i32
    return %arg0, %c0_i32 : i32, i32
  }
  func.func @transform_2(%arg0: i32) -> (i32, i32) {
    %c0_i32 = arith.constant 0 : i32
    %c0_i32_0 = arith.constant 0 : i32
    %c0_i32_1 = arith.constant 0 : i32
    return %c0_i32, %c0_i32_0 : i32, i32
  }
  func.func @transform_3(%arg0: i32) -> (i32, i32) {
    %c0_i32 = arith.constant 0 : i32
    %c0_i32_0 = arith.constant 0 : i32
    return %arg0, %c0_i32 : i32, i32
  }
  func.func @transform_4(%arg0: i32) -> (i32, i32) {
    %c0_i32 = arith.constant 0 : i32
    %c0_i32_0 = arith.constant 0 : i32
    %c0_i32_1 = arith.constant 0 : i32
    return %c0_i32, %c0_i32_0 : i32, i32
  }
  func.func @transform_5(%arg0: i32) -> (i32, i32) {
    %c0_i32 = arith.constant 0 : i32
    %c0_i32_0 = arith.constant 0 : i32
    %c0_i32_1 = arith.constant 0 : i32
    return %c0_i32, %c0_i32_0 : i32, i32
  }
  func.func @transform_6(%arg0: i32) -> (i32, i32) {
    %c0_i32 = arith.constant 0 : i32
    %c0_i32_0 = arith.constant 0 : i32
    return %arg0, %c0_i32 : i32, i32
  }
}

</mosaic_0001>

<sc_bundles>
// kernel: kernel.10.cloned.1.call-start
scs
__scs_entry_jumppad:
0x0: {  	(pc) =	sbr.rel $0x88, $3  }
0x1: {  	(tag) =	ssettag $0x0;
	lr =	simm.s32 $0x1  }
0x2: {  	[smem:$0x3F97] =	sst lr;
	_ =	strace $0xD0000000  }
0x3: {  	_ = 	snop  }
0x4: {  	_ = 	snop  }
0x5: {  	_ = 	snop  }
0x6: {  	_ = 	snop  }
0x7: {  	_ = 	snop  }
__scs_overlays_trampoline_lowered:
0x8: {  	[smem:$0x3FA6] =	sst s0  }
0x9: {  	[smem:$0x3FA7] =	sst s1  }
0xa: {  	[smem:$0x3FA8] =	sst s2  }
0xb: {  	[smem:$0x3FA9] =	sst s3  }
0xc: {  	[smem:$0x3FAA] =	sst s4  }
0xd: {  	[smem:$0x3FAB] =	sst s5  }
0xe: {  	[smem:$0x3FAC] =	sst s6  }
0xf: {  	[smem:$0x3FAD] =	sst s7  }
0x10: {  	[smem:$0x3FAE] =	sst s8  }
0x11: {  	[smem:$0x3FAF] =	sst s9;
	s0 =	simm.s32 @!p0 $0x0  }
0x12: {  	s1 =	sld [smem:$0x3F95];
	s0 =	simm.s32 @p0 $0x1  }
0x13: {  	[smem:$0x3FB0] =	sst s0;
	s0 =	simm.s32 @!p1 $0x0  }
0x14: {  	s2 =	sld [smem:$0x3F94];
	s0 =	simm.s32 @p1 $0x1  }
0x15: {  	[smem:$0x3FB1] =	sst s0;
	s0 =	simm.s32 @!p2 $0x0  }
0x16: {  	s3 =	sld [smem:$0x3FDB];
	s0 =	simm.s32 @p2 $0x1  }
0x17: {  	s4 =	simm.s32 $0x1BF5;
	[smem:$0x3FB3] =	sst s0  }
0x18: {  	s0 =	sld [smem:$0x3F96];
	_ =	swait.ge [sflag:s4], $0x0  }
0x19: {  	s7 =	sld [smem:$0x3F97]  }
0x1a: {  	s8 =	sadd.s32 $0xFFFFE003, lr  }
0x1b: {  	s9 =	sadd.s32 $0xFFFFFEF7, lr;
	s5 =	simm.s32 $0xFFFFFFFF;
	p2 =	slt.u32 s8, $0xFFFFF086  }
0x1c: {  	p1 =	slt.u32 s9, $0xF7A;
	s5 =	simm.s32 @!p2 $0x0  }
0x1d: {  	s5 =	simm.s32 @p1 $0x1;
	p0 =	seq.s32 s7, s2  }
0x1e: {  	s7 =	smul.u32 @!p0 $0xF7A, s2;
	p2 =	seq.s32 @!p0 s5, $0x0  }
0x1f: {  	s9 =	smul.u32 $0xF7A, s1;
	s8 =	simm.s32 @!p0 $0x1BF5;
	p2 =	por !p2, p0  }
0x20: {  	[sflag:s8] =	ssyncset.s32 @!p0 $0xFFFFF086;
	s6 =	sadd.s32 @!p0 s3, s7;
	s7 =	simm.s32 @!p0 $0x108  }
0x21: {  	s3 =	sadd.s32 s3, s9;
	s6 =	sadd.s32 @!p0 $0x88, s6;
	s7 =	simm.s32 @p2 $0x1082  }
0x22: {  	[simem:s7], [sflag:s8] =	dma.local @!p0 [hbm:s6], $0xF7A  }
0x23: {  	s9 =	sor.u32 $0xD0000000, s2;
	s6 =	simm.s32 $0x108;
	_ =	swait.ge @!p0 [sflag:s8], $0x0  }
0x24: {  	s3 =	sadd.s32 $0x88, s3;
	s6 =	simm.s32 @!p1 $0x1082;
	[sflag:s4] =	ssyncset.s32 $0xFFFFF086  }
0x25: {  	[simem:s6], [sflag:s4] =	dma.local [hbm:s3], $0xF7A  }
0x26: {  	[smem:$0x3F97] =	sst s1;
	(tag) =	ssettag s2;
	_ =	strace s9  }
0x27: {  	s1 =	sld [smem:$0x3FA7]  }
0x28: {  	s2 =	sld [smem:$0x3FA8]  }
0x29: {  	s4 =	sld [smem:$0x3FAA]  }
0x2a: {  	p0 =	seq.s32 s5, $0x0;
	s5 =	sld [smem:$0x3FAB]  }
0x2b: {  	s6 =	sld [smem:$0x3FAC]  }
0x2c: {  	s7 =	sld [smem:$0x3FAD]  }
0x2d: {  	s3 =	simm.s32 $0x108;
	s8 =	sld [smem:$0x3FAE]  }
0x2e: {  	s3 =	simm.s32 @!p0 $0x1082;
	s9 =	sld [smem:$0x3FAF]  }
0x2f: {  	lr =	sadd.s32 s0, s3;
	s0 =	sld [smem:$0x3FA6]  }
0x30: {  	s3 =	sld [smem:$0x3FA9]  }
0x31: {  	[smem:$0x3FB2] =	sst s10  }
0x32: {  	s10 =	sld [smem:$0x3FB0];
	_ =	sdelay $0x3  }
0x33: {  	p0 =	seq.s32 s10, $0x1;
	s10 =	sld [smem:$0x3FB2];
	_ =	sdelay $0x3  }
0x34: {  	[smem:$0x3FB2] =	sst s10  }
0x35: {  	s10 =	sld [smem:$0x3FB1];
	_ =	sdelay $0x3  }
0x36: {  	p1 =	seq.s32 s10, $0x1;
	s10 =	sld [smem:$0x3FB2];
	_ =	sdelay $0x3  }
0x37: {  	[smem:$0x3FB2] =	sst s10  }
0x38: {  	s10 =	sld [smem:$0x3FB3]  }
0x39: {  	_ = 	snop;
	(pc) =	sbr.ind lr, $3  }
0x3a: {  	_ = 	snop  }
0x3b: {  	_ = 	snop  }
0x3c: {  	p2 =	seq.s32 s10, $0x1;
	s10 =	sld [smem:$0x3FB2]  }
0x3d: {  	_ =	shalt  }
0x3e: {  	_ =	shalt  }
0x3f: {  	_ =	shalt  }
0x40: {  	_ =	shalt  }
0x41: {  	_ =	shalt  }
0x42: {  	_ =	shalt  }
0x43: {  	_ =	shalt  }
0x44: {  	_ =	shalt  }
0x45: {  	_ =	shalt  }
0x46: {  	_ =	shalt  }
0x47: {  	_ =	shalt  }
0x48: {  	_ =	shalt  }
0x49: {  	_ =	shalt  }
0x4a: {  	_ =	shalt  }
0x4b: {  	_ =	shalt  }
0x4c: {  	_ =	shalt  }
0x4d: {  	_ =	shalt  }
0x4e: {  	_ =	shalt  }
0x4f: {  	_ =	shalt  }
0x50: {  	_ =	shalt  }
0x51: {  	_ =	shalt  }
0x52: {  	_ =	shalt  }
0x53: {  	_ =	shalt  }
0x54: {  	_ =	shalt  }
0x55: {  	_ =	shalt  }
0x56: {  	_ =	shalt  }
0x57: {  	_ =	shalt  }
0x58: {  	_ =	shalt  }
0x59: {  	_ =	shalt  }
0x5a: {  	_ =	shalt  }
0x5b: {  	_ =	shalt  }
0x5c: {  	_ =	shalt  }
0x5d: {  	_ =	shalt  }
0x5e: {  	_ =	shalt  }
0x5f: {  	_ =	shalt  }
0x60: {  	_ =	shalt  }
0x61: {  	_ =	shalt  }
0x62: {  	_ =	shalt  }
0x63: {  	_ =	shalt  }
0x64: {  	_ =	shalt  }
0x65: {  	_ =	shalt  }
0x66: {  	_ =	shalt  }
0x67: {  	_ =	shalt  }
0x68: {  	_ =	shalt  }
0x69: {  	_ =	shalt  }
0x6a: {  	_ =	shalt  }
0x6b: {  	_ =	shalt  }
0x6c: {  	_ =	shalt  }
0x6d: {  	_ =	shalt  }
0x6e: {  	_ =	shalt  }
0x6f: {  	_ =	shalt  }
0x70: {  	_ =	shalt  }
0x71: {  	_ =	shalt  }
0x72: {  	_ =	shalt  }
0x73: {  	_ =	shalt  }
0x74: {  	_ =	shalt  }
0x75: {  	_ =	shalt  }
0x76: {  	_ =	shalt  }
0x77: {  	_ =	shalt  }
0x78: {  	_ =	shalt  }
0x79: {  	_ =	shalt  }
0x7a: {  	_ =	shalt  }
0x7b: {  	_ =	shalt  }
0x7c: {  	_ =	shalt  }
0x7d: {  	_ =	shalt  }
0x7e: {  	_ =	shalt  }
0x7f: {  	_ =	shalt  }
0x80: {  	_ =	shalt  }
0x81: {  	_ =	shalt  }
0x82: {  	_ =	shalt  }
0x83: {  	_ =	shalt  }
0x84: {  	_ =	shalt  }
0x85: {  	_ =	shalt  }
0x86: {  	_ =	shalt  }
0x87: {  	_ =	shalt  }
.Lfunc_end0:
.L_simem_size_0:
called_computation_lowered:
.L_overlay_start_0:
0x88: {  	s2 =	sld [smem:$0x3FD9]  }
0x89: {  	s3 =	sld [smem:$0x3FFE];
	_ =	sdelay $0x1  }
0x8a: {  	s1 =	srdreg.scid  }
0x8b: {  	s0 =	sand.u32 $0x1, s1  }
0x8c: {  	s16 =	sshll.u32 s0, $0xA;
	s2 =	sadd.s32 s3, s2  }
0x8d: {  	s2 =	sadd.s32 s2, s16  }
0x8e: {  	[smem:$0x3FBE] =	sst s2  }
0x8f: {  	_ = 	snop  }
0x90: {  	(tm) =	ssettm $0x1  }
0x91: {  	s17 =	sld [smem:$0x3FFB];
	_ =	sdelay $0x3  }
0x92: {  	_ =	strace s17  }
0x93: {  	s2 =	sld [smem:$0x3FFC];
	_ =	sdelay $0x3  }
0x94: {  	_ =	strace s2  }
0x95: {  	s2 =	sld [smem:$0x3FFD];
	_ =	sdelay $0x3  }
0x96: {  	_ =	strace s2  }
0x97: {  	_ =	strace $0x8FFFFFFF  }
0x98: {  	s18 =	sld [smem:$0x3FDB];
	_ =	sdelay $0x1  }
0x99: {  	s19 =	simm.s32 $_scs_section_size  }
0x9a: {  	s4 =	simm.s32 $_size__tile_overlayer_lowered;
	s5 =	simm.s32 $_tile_overlayer_lowered  }
0x9b: {  	s22 =	simm.s32 $0x1BFF;
	s21 =	sshll.u32 s5, $0x1;
	s2 =	sadd.s32 s19, s18  }
0x9c: {  	s6 =	simm.s32 $0x0;
	s20 =	sshll.u32 s4, $0x1;
	s4 =	sadd.s32 s21, s2  }
0x9d: {  	[timem:s6], [sflag:s22] =	dma.local [hbm:s4], s20  }
0x9e: {  	_ =	swait.ge [sflag:s22], s20  }
0x9f: {  	s3 =	ssub.s32 $0x0, s20;
	[sflag:s22] =	ssyncset.done $0x0  }
0xa0: {  	[sflag:s22] =	ssyncadd.s32 s3;
	_ =	sdelay $0x1  }
0xa1: {  	s23 =	simm.s32 $0x1B8B  }
0xa2: {  	_ =	swait.ge [sflag:s23], $0x1  }
0xa3: {  	[sflag:s23] =	ssyncset.done $0x0  }
0xa4: {  	s25 =	simm.s32 $0x1B8E;
	s24 =	sld [smem:$0x3FFE];
	[sflag:s23] =	ssyncadd.s32 $0xFFFFFFFF  }
0xa5: {  	s26 =	simm.s32 $execute0_lowered;
	[smem:$0x3FD2] =	sst s25  }
0xa6: {  	s4 =	sshll.u32 s26, $0x1;
	_ =	strace $0x80000046;
	[dreg:$0x1] =	wrdreg $0xFFFFFFFF  }
0xa7: {  	s28 =	simm.s32 $_size_execute0_lowered;
	s2 =	sadd.s32 s2, s4;
	[dreg:$0x0] =	wrdreg $0x0  }
0xa8: {  	s4 =	sshll.u32 s28, $0x1;
	[dreg:$0x2] =	wrdreg s2  }
0xa9: {  	[dreg:$0x3] =	wrdreg s4  }
0xaa: {  	[dreg:$0x4] =	wrdreg $0xC0  }
0xab: {  	_ =	task [dreg:s6], $0x5FFFF  }
0xac: {  	[dreg:$0x1] =	wrdreg $0xFFFFFFFF  }
0xad: {  	[dreg:$0x0] =	wrdreg $0x60  }
0xae: {  	[dreg:$0x2] =	wrdreg s24  }
0xaf: {  	[dreg:$0x3] =	wrdreg $0x88000  }
0xb0: {  	[dreg:$0x4] =	wrdreg $0x9  }
0xb1: {  	_ =	task.clear_ibuf [dreg:s6], $0x5FFFF;
	_ =	strace $0x90000046  }
0xb2: {  	s29 =	simm.s32 $0x9;
	_ =	strace $0x80000048  }
0xb3: {  	_ =	swait.ge [sflag:s29], $0x1  }
0xb4: {  	[sflag:s29] =	ssyncadd.s32 $0xFFFFFFFF  }
0xb5: {  	_ =	strace $0x90000048  }
0xb6: {  	_ =	sfence  }
0xb7: {  	s30 =	sld [smem:$0x0];
	_ =	sdelay $0x2  }
0xb8: {  	s31 =	sshll.u32 s1, $0xD;
	s1 =	sshrl.u32 s1, $0x2  }
0xb9: {  	s3 =	sand.u32 $0x4000, s31;
	s1 =	sadd.s32 s1, s30  }
0xba: {  	s0 =	sor.u32 s3, s0;
	s1 =	sshll.u32 s1, $0x11  }
0xbb: {  	s0 =	sor.u32 s1, s0  }
0xbc: {  	s0 =	sadd.s32 $0x8F2B, s0  }
0xbd: {  	[sflag:s0] =	ssyncadd.remote.s32 $0x1  }
0xbe: {  	_ =	sfence.sel $0xFFFF  }
0xbf: {  	[dreg:$0x0] =	wrdreg $0xFFFFFFFF;
	(pc) =	sbr.abs _section_cstart, $3  }
0xc0: {  	[dreg:$0x1] =	wrdreg $0xFFFFFFFF  }
0xc1: {  	_ =	task.clear_ibuf [dreg:s6], $0x2FFFF;
	_ =	strace $0x9FFFFFFF  }
0xc2: {  	(tm) =	ssettm $0x7FFFFFFF  }
0xc3: {  	_ =	shalt  }
tec
execute0_lowered:
.L_overlay_start_1:
0x0: {  	(tag) =	ssettag $0x1  }
0x1: {  	s6 =	rddreg [dreg:$0x0]  }
0x2: {  	s0 =	srdreg.scid;
	s2 =	rddreg [dreg:$0x1]  }
0x3: {  	s3 =	simm.s32 $0x0;
	s5 =	sand.u32 $0x1, s0;
	s0 =	stileid.u32  }
0x4: {  	s16 =	simm.s32 $0x5400;
	s17 =	simm.s32 $0x1;
	s7 =	smul.u32 $0x4E000, s0  }
0x5: {  	s18 =	simm.s32 $0x7D;
	s19 =	simm.s32 $0x1400;
	s9 =	smul.u32 $0x2700, s0  }
0x6: {  	[smem:$0x7FF] =	sst s3;
	s13 =	sadd.s32 $0x7600, s6;
	s29 =	smul.u32 $0x27100, s5  }
0x7: {  	s1 =	sshll.u32 s5, $0x4;
	s10 =	ssub.s32 $0x2, s5;
	s12 =	smul.u32 $0x138800, s5  }
0x8: {  	p0 =	sne.s32 s0, $0xF;
	s4 =	sor.u32 s0, s1;
	s1 =	rddreg [dreg:$0x2]  }
0x9: {  	_ =	strace $0x80000047;
	s11 =	sshrl.u32 s10, $0x1;
	s4 =	smul.u32 $0x280, s4  }
0xa: {  	s28 =	sshrl.u32 s7, $0x2;
	s10 =	ssub.s32 s10, s11;
	s30 =	sshrl.u32 s12, $0x3  }
0xb: {  	s9 =	sadd.s32 s9, s29;
	s31 =	sadd.s32 s13, s30;
	s10 =	smax.u32 s10, $0x1  }
0xc: {  	s8 =	sadd.s32 s4, s6;
	s4 =	sadd.s32 s28, s2;
	s6 =	sadd.s32 $0x138000, s2  }
0xd: {  	s5 =	sadd.s32 $0x12000, s4;
	s7 =	sadd.s32 $0x2600, s8;
	s8 =	sadd.s32 s13, s9  }
0xe: {  	s9 =	sadd.s32 $0x27000, s31;
	s11 =	sadd.s32 $0x3000, s4;
	s12 =	sadd.s32 $0x6000, s4  }
0xf: {  	v0 =	vimm.f32 $1.000000000e+00;
	v1 =	vimm.f32 $0.0e+00;
	s13 =	sadd.s32 $0x9000, s4;
	s14 =	sadd.s32 $0xC000, s4;
	s15 =	sadd.s32 $0xF000, s4  }
.LBB2_1:
0x10: {  	s20 =	simm.s32 $0x0;
	s21 =	simm.s32 $0x0  }
.LBB2_2:
0x11: {  	p1 =	sne.s32 s21, $0xF9C0  }
.Ltmp0:
0x12: {  	_ = 	snop;
	(pc) =	sbr.rel @p1 .LBB2_2-.Ltmp0, $4  }
0x13: {  	s22 =	sand.u32 $0xFE00, s21  }
0x14: {  	s23 =	sand.u32 $0x70, s20;
	s22 =	sshrl.u32 s22, $0x2  }
0x15: {  	s22 =	sor.u32 s23, s22  }
0x16: {  	s20 =	sadd.s32 $0x10, s20;
	s21 =	sadd.s32 $0x40, s21;
	[tilespmem:s22+$0x1400] =	vst v0  }
0x17: {  	s20 =	simm.s32 $0x0  }
0x18: {  	s21 =	sand.u32 $0xFE00, s20  }
0x19: {  	s22 =	sand.u32 $0x70, s20;
	s23 =	sshrl.u32 s21, $0x2  }
0x1a: {  	s21 =	simm.s32 $0x40;
	s22 =	sor.u32 s22, s23  }
.LBB2_4:
0x1b: {  	p1 =	sne.s32 s21, $0xCFC0  }
0x1c: {  	[tilespmem:s22+$0x5400] =	vst v1;
	s20 =	sadd.s32 $0x10, s20;
	s22 =	smov.u32 s21;
	s21 =	sadd.s32 $0x40, s21  }
.Ltmp1:
0x1d: {  	(pc) =	sbr.rel @p1 .LBB2_4-.Ltmp1, $4  }
0x1e: {  	_ = 	snop  }
0x1f: {  	s22 =	sand.u32 $0xFE00, s22  }
0x20: {  	s23 =	sand.u32 $0x70, s20;
	s22 =	sshrl.u32 s22, $0x2  }
0x21: {  	s22 =	sor.u32 s23, s22  }
0x22: {  	[tilespmem:s22+$0x5400] =	vst v1  }
0x23: {  	[spmem:s4] =	stream.linear.scatter [tilespmem:s16], [sflag:$0x1], $0x3000, $0x38;
	[tilespmem:$0x1C080] =	vst v63  }
0x24: {  	_ =	swait.ge [sflag:s17], $0x3000  }
0x25: {  	[sflag:s17] =	ssyncset.done $0x0  }
0x26: {  	[sflag:s17] =	ssyncadd.s32 $0xFFFFD000  }
0x27: {  	[spmem:s11] =	stream.linear.scatter [tilespmem:s16], [sflag:$0x1], $0x3000, $0x38;
	[tilespmem:$0x1C080] =	vst v63  }
0x28: {  	_ =	swait.ge [sflag:s17], $0x3000  }
0x29: {  	[sflag:s17] =	ssyncset.done $0x0  }
0x2a: {  	[sflag:s17] =	ssyncadd.s32 $0xFFFFD000  }
0x2b: {  	[spmem:s12] =	stream.linear.scatter [tilespmem:s16], [sflag:$0x1], $0x3000, $0x38;
	[tilespmem:$0x1C080] =	vst v63  }
0x2c: {  	_ =	swait.ge [sflag:s17], $0x3000  }
0x2d: {  	[sflag:s17] =	ssyncset.done $0x0  }
0x2e: {  	[sflag:s17] =	ssyncadd.s32 $0xFFFFD000  }
0x2f: {  	[spmem:s13] =	stream.linear.scatter [tilespmem:s16], [sflag:$0x1], $0x3000, $0x38;
	[tilespmem:$0x1C080] =	vst v63  }
0x30: {  	_ =	swait.ge [sflag:s17], $0x3000  }
0x31: {  	[sflag:s17] =	ssyncset.done $0x0  }
0x32: {  	[sflag:s17] =	ssyncadd.s32 $0xFFFFD000  }
0x33: {  	[spmem:s14] =	stream.linear.scatter [tilespmem:s16], [sflag:$0x1], $0x3000, $0x38;
	[tilespmem:$0x1C080] =	vst v63  }
0x34: {  	_ =	swait.ge [sflag:s17], $0x3000  }
0x35: {  	[sflag:s17] =	ssyncset.done $0x0  }
0x36: {  	[sflag:s17] =	ssyncadd.s32 $0xFFFFD000  }
0x37: {  	[spmem:s15] =	stream.linear.scatter [tilespmem:s16], [sflag:$0x1], $0x3000, $0x38;
	[tilespmem:$0x1C080] =	vst v63  }
0x38: {  	_ =	swait.ge [sflag:s17], $0x3000  }
0x39: {  	[sflag:s17] =	ssyncset.done $0x0  }
0x3a: {  	[sflag:s17] =	ssyncadd.s32 $0xFFFFD000  }
0x3b: {  	[spmem:s5] =	stream.linear.scatter [tilespmem:s16], [sflag:$0x1], $0x1800, $0x38;
	[tilespmem:$0x1C080] =	vst v63  }
0x3c: {  	_ =	swait.ge [sflag:s17], $0x1800  }
0x3d: {  	[sflag:s17] =	ssyncset.done $0x0  }
0x3e: {  	s20 =	simm.s32 @!p0 $0x5400;
	[sflag:s17] =	ssyncadd.s32 $0xFFFFE800  }
0x3f: {  	[spmem:s6] =	stream.linear.scatter @!p0 [tilespmem:s20], [sflag:$0x1], $0x800, $0x38;
	[tilespmem:$0x1C080] =	vst v63  }
0x40: {  	s20 =	simm.s32 @!p0 $0x1  }
0x41: {  	_ =	swait.ge @!p0 [sflag:s20], $0x800  }
0x42: {  	[sflag:s20] =	ssyncset.done @!p0 $0x0  }
0x43: {  	s30 =	simm.s32 $0x0;
	[sflag:s20] =	ssyncadd.s32 @!p0 $0xFFFFF800  }
0x44: {  	[tilespmem:s30], [sflag:$0x1] =	stream.linear.gather [hbm4b:s7+s30], $0x1400, $0x38;
	[tilespmem:$0x1C080] =	vst v63  }
0x45: {  	_ =	swait.ge [sflag:s17], $0x1400  }
0x46: {  	[sflag:s17] =	ssyncset.done $0x0  }
0x47: {  	[sflag:s17] =	ssyncadd.s32 $0xFFFFEC00  }
0x48: {  	s31 =	simm.s32 $0x0;
	[bflag:$0x0] =	sbarrier.arrive $0xFFFF  }
0x49: {  	[spmem:s2] =	stream.indirect.scatter.add.f32 [tilespmem:s19], [sflag:$0x1], $0x80, s31, s18, $0xb8;
	[tilespmem:$0x1C080] =	vst v63  }
0x4a: {  	_ =	swait.ge [sflag:s17], $0x3E80  }
0x4b: {  	s20 =	simm.s32 $0x200;
	[sflag:s17] =	ssyncset.done $0x0  }
.LBB2_6:
0x4c: {  	s21 =	sshra.s32 s20, $0x2;
	[sflag:s17] =	ssyncadd.s32 $0xFFFFC180;
	p1 =	sne.s32 s20, $0x4E00  }
0x4d: {  	[spmem:s2] =	stream.indirect.scatter.add.f32 [tilespmem:s19], [sflag:$0x1], $0x80, s21, s18, $0xb8;
	[tilespmem:$0x1C080] =	vst v63  }
.Ltmp2:
0x4e: {  	_ = 	snop;
	(pc) =	sbr.rel @p1 .LBB2_6-.Ltmp2, $4  }
0x4f: {  	_ = 	snop  }
0x50: {  	s20 =	sadd.s32 $0x200, s20  }
0x51: {  	_ =	swait.ge [sflag:s17], $0x3E80  }
0x52: {  	[sflag:s17] =	ssyncset.done $0x0  }
0x53: {  	[sflag:s17] =	ssyncadd.s32 $0xFFFFC180;
	s20 =	sshll.u32 s0, $0x6  }
0x54: {  	s21 =	sshrl.u32 s4, $0x3;
	[bflag:$0x0] =	sbarrier.arrive $0xFFFF;
	s20 =	sor.u32 $0x1C01, s20  }
0x55: {  	[hbm:s8], [sflag:s20] =	dma.local [spmem:s21], $0x2700  }
0x56: {  	_ =	swait.ge [sflag:s17], $0x2700  }
0x57: {  	s3 =	sadd.s32 $0x1, s3;
	[sflag:s17] =	ssyncset.done $0x0  }
0x58: {  	p1 =	sne.s32 s3, s10;
	s21 =	sshrl.u32 @!p0 s6, $0x3;
	[sflag:s17] =	ssyncadd.s32 $0xFFFFD900  }
0x59: {  	[hbm:s9], [sflag:s20] =	dma.local @!p0 [spmem:s21], $0x100  }
.Ltmp3:
0x5a: {  	_ = 	snop;
	(pc) =	sbr.rel @p1 .LBB2_1-.Ltmp3, $4  }
0x5b: {  	s20 =	simm.s32 @!p0 $0x1  }
0x5c: {  	_ =	swait.ge @!p0 [sflag:s20], $0x100  }
0x5d: {  	[sflag:s20] =	ssyncset.done @!p0 $0x0  }
0x5e: {  	[sflag:s20] =	ssyncadd.s32 @!p0 $0xFFFFFF00  }
0x5f: {  	_ =	sfence.sel $0x180000  }
0x60: {  	[bflag:$0x0] =	sbarrier.arrive $0xFFFF  }
0x61: {  	p0 =	sne.s32 s0, $0x0;
	_ =	strace $0x90000047  }
0x62: {  	s0 =	sadd.s32 @!p0 $0x100000, s1;
	[bflag:$0x2] =	sbarrier.arrive $0xFFFF  }
0x63: {  	[sflag:s0] =	ssyncadd.tile.s32 @!p0 $0x1;
	_ =	shalt  }
.Lfunc_end2:
_tile_overlayer_lowered:
.L_overlay_start_2:
0x64: {  	(tag) =	ssettag $0x2  }
0x65: {  	s0 =	rddreg [dreg:$0x0];
	s2 =	stileid.u32  }
0x66: {  	s1 =	rddreg [dreg:$0x1];
	p0 =	sne.s32 s2, $0x0  }
0x67: {  	s3 =	rddreg [dreg:$0x2];
	[bflag:$0x3] =	sbarrier.arrive $0xFFFF;
	s2 =	simm.s32 @!p0 $0x1C01  }
0x68: {  	[timem:s3], [sflag:s2] =	dma.local @!p0 [hbm:s0], s1  }
0x69: {  	s0 =	simm.s32 @!p0 $0x1  }
0x6a: {  	_ =	swait.ge @!p0 [sflag:s0], s1  }
0x6b: {  	s1 =	ssub.s32 @!p0 $0x0, s1;
	[sflag:s0] =	ssyncset.done @!p0 $0x0  }
0x6c: {  	[sflag:s0] =	ssyncadd.s32 @!p0 s1  }
0x6d: {  	[bflag:$0x3] =	sbarrier.arrive $0xFFFF  }
0x6e: {  	_ =	shalt  }

// kernel: kernel.13.cloned.1.call-start
scs
__scs_entry_jumppad:
0x0: {  	(pc) =	sbr.rel $0x88, $3  }
0x1: {  	(tag) =	ssettag $0x0;
	lr =	simm.s32 $0x1  }
0x2: {  	[smem:$0x3F97] =	sst lr;
	_ =	strace $0xD0000000  }
0x3: {  	_ = 	snop  }
0x4: {  	_ = 	snop  }
0x5: {  	_ = 	snop  }
0x6: {  	_ = 	snop  }
0x7: {  	_ = 	snop  }
__scs_overlays_trampoline_lowered:
0x8: {  	[smem:$0x3FA6] =	sst s0  }
0x9: {  	[smem:$0x3FA7] =	sst s1  }
0xa: {  	[smem:$0x3FA8] =	sst s2  }
0xb: {  	[smem:$0x3FA9] =	sst s3  }
0xc: {  	[smem:$0x3FAA] =	sst s4  }
0xd: {  	[smem:$0x3FAB] =	sst s5  }
0xe: {  	[smem:$0x3FAC] =	sst s6  }
0xf: {  	[smem:$0x3FAD] =	sst s7  }
0x10: {  	[smem:$0x3FAE] =	sst s8  }
0x11: {  	[smem:$0x3FAF] =	sst s9;
	s0 =	simm.s32 @!p0 $0x0  }
0x12: {  	s1 =	sld [smem:$0x3F95];
	s0 =	simm.s32 @p0 $0x1  }
0x13: {  	[smem:$0x3FB0] =	sst s0;
	s0 =	simm.s32 @!p1 $0x0  }
0x14: {  	s2 =	sld [smem:$0x3F94];
	s0 =	simm.s32 @p1 $0x1  }
0x15: {  	[smem:$0x3FB1] =	sst s0;
	s0 =	simm.s32 @!p2 $0x0  }
0x16: {  	s3 =	sld [smem:$0x3FDB];
	s0 =	simm.s32 @p2 $0x1  }
0x17: {  	s4 =	simm.s32 $0x1BF5;
	[smem:$0x3FB3] =	sst s0  }
0x18: {  	s0 =	sld [smem:$0x3F96];
	_ =	swait.ge [sflag:s4], $0x0  }
0x19: {  	s7 =	sld [smem:$0x3F97]  }
0x1a: {  	s8 =	sadd.s32 $0xFFFFE003, lr  }
0x1b: {  	s9 =	sadd.s32 $0xFFFFFEF7, lr;
	s5 =	simm.s32 $0xFFFFFFFF;
	p2 =	slt.u32 s8, $0xFFFFF086  }
0x1c: {  	p1 =	slt.u32 s9, $0xF7A;
	s5 =	simm.s32 @!p2 $0x0  }
0x1d: {  	s5 =	simm.s32 @p1 $0x1;
	p0 =	seq.s32 s7, s2  }
0x1e: {  	s7 =	smul.u32 @!p0 $0xF7A, s2;
	p2 =	seq.s32 @!p0 s5, $0x0  }
0x1f: {  	s9 =	smul.u32 $0xF7A, s1;
	s8 =	simm.s32 @!p0 $0x1BF5;
	p2 =	por !p2, p0  }
0x20: {  	[sflag:s8] =	ssyncset.s32 @!p0 $0xFFFFF086;
	s6 =	sadd.s32 @!p0 s3, s7;
	s7 =	simm.s32 @!p0 $0x108  }
0x21: {  	s3 =	sadd.s32 s3, s9;
	s6 =	sadd.s32 @!p0 $0x88, s6;
	s7 =	simm.s32 @p2 $0x1082  }
0x22: {  	[simem:s7], [sflag:s8] =	dma.local @!p0 [hbm:s6], $0xF7A  }
0x23: {  	s9 =	sor.u32 $0xD0000000, s2;
	s6 =	simm.s32 $0x108;
	_ =	swait.ge @!p0 [sflag:s8], $0x0  }
0x24: {  	s3 =	sadd.s32 $0x88, s3;
	s6 =	simm.s32 @!p1 $0x1082;
	[sflag:s4] =	ssyncset.s32 $0xFFFFF086  }
0x25: {  	[simem:s6], [sflag:s4] =	dma.local [hbm:s3], $0xF7A  }
0x26: {  	[smem:$0x3F97] =	sst s1;
	(tag) =	ssettag s2;
	_ =	strace s9  }
0x27: {  	s1 =	sld [smem:$0x3FA7]  }
0x28: {  	s2 =	sld [smem:$0x3FA8]  }
0x29: {  	s4 =	sld [smem:$0x3FAA]  }
0x2a: {  	p0 =	seq.s32 s5, $0x0;
	s5 =	sld [smem:$0x3FAB]  }
0x2b: {  	s6 =	sld [smem:$0x3FAC]  }
0x2c: {  	s7 =	sld [smem:$0x3FAD]  }
0x2d: {  	s3 =	simm.s32 $0x108;
	s8 =	sld [smem:$0x3FAE]  }
0x2e: {  	s3 =	simm.s32 @!p0 $0x1082;
	s9 =	sld [smem:$0x3FAF]  }
0x2f: {  	lr =	sadd.s32 s0, s3;
	s0 =	sld [smem:$0x3FA6]  }
0x30: {  	s3 =	sld [smem:$0x3FA9]  }
0x31: {  	[smem:$0x3FB2] =	sst s10  }
0x32: {  	s10 =	sld [smem:$0x3FB0];
	_ =	sdelay $0x3  }
0x33: {  	p0 =	seq.s32 s10, $0x1;
	s10 =	sld [smem:$0x3FB2];
	_ =	sdelay $0x3  }
0x34: {  	[smem:$0x3FB2] =	sst s10  }
0x35: {  	s10 =	sld [smem:$0x3FB1];
	_ =	sdelay $0x3  }
0x36: {  	p1 =	seq.s32 s10, $0x1;
	s10 =	sld [smem:$0x3FB2];
	_ =	sdelay $0x3  }
0x37: {  	[smem:$0x3FB2] =	sst s10  }
0x38: {  	s10 =	sld [smem:$0x3FB3]  }
0x39: {  	_ = 	snop;
	(pc) =	sbr.ind lr, $3  }
0x3a: {  	_ = 	snop  }
0x3b: {  	_ = 	snop  }
0x3c: {  	p2 =	seq.s32 s10, $0x1;
	s10 =	sld [smem:$0x3FB2]  }
0x3d: {  	_ =	shalt  }
0x3e: {  	_ =	shalt  }
0x3f: {  	_ =	shalt  }
0x40: {  	_ =	shalt  }
0x41: {  	_ =	shalt  }
0x42: {  	_ =	shalt  }
0x43: {  	_ =	shalt  }
0x44: {  	_ =	shalt  }
0x45: {  	_ =	shalt  }
0x46: {  	_ =	shalt  }
0x47: {  	_ =	shalt  }
0x48: {  	_ =	shalt  }
0x49: {  	_ =	shalt  }
0x4a: {  	_ =	shalt  }
0x4b: {  	_ =	shalt  }
0x4c: {  	_ =	shalt  }
0x4d: {  	_ =	shalt  }
0x4e: {  	_ =	shalt  }
0x4f: {  	_ =	shalt  }
0x50: {  	_ =	shalt  }
0x51: {  	_ =	shalt  }
0x52: {  	_ =	shalt  }
0x53: {  	_ =	shalt  }
0x54: {  	_ =	shalt  }
0x55: {  	_ =	shalt  }
0x56: {  	_ =	shalt  }
0x57: {  	_ =	shalt  }
0x58: {  	_ =	shalt  }
0x59: {  	_ =	shalt  }
0x5a: {  	_ =	shalt  }
0x5b: {  	_ =	shalt  }
0x5c: {  	_ =	shalt  }
0x5d: {  	_ =	shalt  }
0x5e: {  	_ =	shalt  }
0x5f: {  	_ =	shalt  }
0x60: {  	_ =	shalt  }
0x61: {  	_ =	shalt  }
0x62: {  	_ =	shalt  }
0x63: {  	_ =	shalt  }
0x64: {  	_ =	shalt  }
0x65: {  	_ =	shalt  }
0x66: {  	_ =	shalt  }
0x67: {  	_ =	shalt  }
0x68: {  	_ =	shalt  }
0x69: {  	_ =	shalt  }
0x6a: {  	_ =	shalt  }
0x6b: {  	_ =	shalt  }
0x6c: {  	_ =	shalt  }
0x6d: {  	_ =	shalt  }
0x6e: {  	_ =	shalt  }
0x6f: {  	_ =	shalt  }
0x70: {  	_ =	shalt  }
0x71: {  	_ =	shalt  }
0x72: {  	_ =	shalt  }
0x73: {  	_ =	shalt  }
0x74: {  	_ =	shalt  }
0x75: {  	_ =	shalt  }
0x76: {  	_ =	shalt  }
0x77: {  	_ =	shalt  }
0x78: {  	_ =	shalt  }
0x79: {  	_ =	shalt  }
0x7a: {  	_ =	shalt  }
0x7b: {  	_ =	shalt  }
0x7c: {  	_ =	shalt  }
0x7d: {  	_ =	shalt  }
0x7e: {  	_ =	shalt  }
0x7f: {  	_ =	shalt  }
0x80: {  	_ =	shalt  }
0x81: {  	_ =	shalt  }
0x82: {  	_ =	shalt  }
0x83: {  	_ =	shalt  }
0x84: {  	_ =	shalt  }
0x85: {  	_ =	shalt  }
0x86: {  	_ =	shalt  }
0x87: {  	_ =	shalt  }
.Lfunc_end0:
.L_simem_size_0:
called_computation.1_lowered:
.L_overlay_start_0:
0x88: {  	s2 =	sld [smem:$0x3FD9]  }
0x89: {  	s3 =	sld [smem:$0x3FFE];
	_ =	sdelay $0x1  }
0x8a: {  	s1 =	srdreg.scid  }
0x8b: {  	s0 =	sand.u32 $0x1, s1  }
0x8c: {  	s17 =	sshll.u32 s0, $0xA;
	s2 =	sadd.s32 s3, s2  }
0x8d: {  	s2 =	sadd.s32 s2, s17  }
0x8e: {  	[smem:$0x3FBE] =	sst s2  }
0x8f: {  	_ = 	snop  }
0x90: {  	s2 =	sld [smem:$0x3FD0];
	(tm) =	ssettm $0x1  }
0x91: {  	s18 =	sld [smem:$0x3FFB];
	_ =	sdelay $0x3  }
0x92: {  	_ =	strace s18  }
0x93: {  	s3 =	sld [smem:$0x3FFC];
	_ =	sdelay $0x3  }
0x94: {  	_ =	strace s3  }
0x95: {  	s3 =	sld [smem:$0x3FFD];
	_ =	sdelay $0x3  }
0x96: {  	_ =	strace s3  }
0x97: {  	_ =	strace $0x8FFFFFFF  }
0x98: {  	s19 =	sld [smem:$0x3FDB];
	_ =	sdelay $0x1  }
0x99: {  	s4 =	simm.s32 $_scs_section_size  }
0x9a: {  	s5 =	simm.s32 $_size__tile_overlayer_lowered;
	s6 =	simm.s32 $_tile_overlayer_lowered  }
0x9b: {  	s22 =	simm.s32 $0x1BFF;
	s21 =	sshll.u32 s6, $0x1;
	s3 =	sadd.s32 s4, s19  }
0x9c: {  	s7 =	simm.s32 $0x0;
	s20 =	sshll.u32 s5, $0x1;
	s5 =	sadd.s32 s21, s3  }
0x9d: {  	[timem:s7], [sflag:s22] =	dma.local [hbm:s5], s20  }
0x9e: {  	_ =	swait.ge [sflag:s22], s20  }
0x9f: {  	s4 =	ssub.s32 $0x0, s20;
	[sflag:s22] =	ssyncset.done $0x0  }
0xa0: {  	[sflag:s22] =	ssyncadd.s32 s4;
	_ =	sdelay $0x1  }
0xa1: {  	s23 =	simm.s32 $0x1B8B  }
0xa2: {  	_ =	swait.ge [sflag:s23], $0x1  }
0xa3: {  	[sflag:s23] =	ssyncset.done $0x0  }
0xa4: {  	s25 =	simm.s32 $0x1B8E;
	s24 =	sld [smem:$0x3FFE];
	[sflag:s23] =	ssyncadd.s32 $0xFFFFFFFF  }
0xa5: {  	s26 =	simm.s32 $execute0_lowered;
	[smem:$0x3FD2] =	sst s25  }
0xa6: {  	s5 =	sshll.u32 s26, $0x1;
	_ =	strace $0x80000049;
	[dreg:$0x1] =	wrdreg $0xFFFFFFFF  }
0xa7: {  	s28 =	simm.s32 $_size_execute0_lowered;
	s3 =	sadd.s32 s3, s5;
	[dreg:$0x0] =	wrdreg $0x0  }
0xa8: {  	s5 =	sshll.u32 s28, $0x1;
	[dreg:$0x2] =	wrdreg s3  }
0xa9: {  	[dreg:$0x3] =	wrdreg s5  }
0xaa: {  	[dreg:$0x4] =	wrdreg $0xC0  }
0xab: {  	_ =	task [dreg:s7], $0x5FFFF  }
0xac: {  	[dreg:$0x1] =	wrdreg $0xFFFFFFFF  }
0xad: {  	[dreg:$0x0] =	wrdreg $0x60  }
0xae: {  	[dreg:$0x2] =	wrdreg s24  }
0xaf: {  	[dreg:$0x3] =	wrdreg s2  }
0xb0: {  	[dreg:$0x4] =	wrdreg $0x90000  }
0xb1: {  	[dreg:$0x5] =	wrdreg $0x9  }
0xb2: {  	_ =	task.clear_ibuf [dreg:s7], $0x6FFFF;
	_ =	strace $0x90000049  }
0xb3: {  	s29 =	simm.s32 $0x9;
	_ =	strace $0x8000004B  }
0xb4: {  	_ =	swait.ge [sflag:s29], $0x1  }
0xb5: {  	[sflag:s29] =	ssyncadd.s32 $0xFFFFFFFF  }
0xb6: {  	_ =	strace $0x9000004B  }
0xb7: {  	_ =	sfence  }
0xb8: {  	s30 =	sld [smem:$0x0];
	_ =	sdelay $0x2  }
0xb9: {  	s31 =	sshll.u32 s1, $0xD;
	s1 =	sshrl.u32 s1, $0x2  }
0xba: {  	s3 =	sand.u32 $0x4000, s31;
	s1 =	sadd.s32 s1, s30  }
0xbb: {  	s0 =	sor.u32 s3, s0;
	s1 =	sshll.u32 s1, $0x11  }
0xbc: {  	s0 =	sor.u32 s1, s0  }
0xbd: {  	s0 =	sadd.s32 $0x8F2B, s0  }
0xbe: {  	[sflag:s0] =	ssyncadd.remote.s32 $0x1  }
0xbf: {  	_ =	sfence.sel $0xFFFF  }
0xc0: {  	[dreg:$0x0] =	wrdreg $0xFFFFFFFF;
	(pc) =	sbr.abs _section_cstart, $3  }
0xc1: {  	[dreg:$0x1] =	wrdreg $0xFFFFFFFF  }
0xc2: {  	_ =	task.clear_ibuf [dreg:s7], $0x2FFFF;
	_ =	strace $0x9FFFFFFF  }
0xc3: {  	(tm) =	ssettm $0x7FFFFFFF  }
tec
execute0_lowered:
.L_overlay_start_1:
0x0: {  	(tag) =	ssettag $0x1  }
0x1: {  	s5 =	rddreg [dreg:$0x0]  }
0x2: {  	s8 =	rddreg [dreg:$0x1]  }
0x3: {  	s2 =	rddreg [dreg:$0x2]  }
0x4: {  	s0 =	rddreg [dreg:$0x3];
	s3 =	simm.s32 $0x0;
	s1 =	stileid.u32  }
0x5: {  	s7 =	srdreg.scid;
	s18 =	simm.s32 $0x5000;
	s19 =	simm.s32 $0x2  }
0x6: {  	s20 =	simm.s32 $0x2800;
	s21 =	simm.s32 $0x7D;
	s22 =	simm.s32 $0x1  }
0x7: {  	s23 =	simm.s32 $0x0;
	[smem:$0x7FF] =	sst s3;
	s6 =	smul.u32 $0x500, s1  }
0x8: {  	s4 =	sadd.s32 $0x2600, s5;
	s7 =	sand.u32 $0x1, s7;
	s25 =	smul.u32 $0x4E000, s1  }
0x9: {  	s11 =	sadd.s32 $0x5A800, s5;
	s12 =	smul.u32 $0x2700, s1;
	p0 =	sne.s32 s1, $0xF  }
0xa: {  	_ =	strace $0x8000004A;
	s10 =	sshll.u32 s7, $0x4;
	s15 =	smul.u32 $0x138800, s7  }
0xb: {  	s28 =	ssub.s32 $0x2, s7;
	s29 =	smul.u32 $0x27100, s7;
	s7 =	sadd.s32 $0x138000, s2  }
0xc: {  	s9 =	sadd.s32 s6, s5;
	s26 =	sor.u32 s1, s10;
	s6 =	sshrl.u32 s25, $0x2  }
0xd: {  	s14 =	sshrl.u32 s28, $0x1;
	s13 =	smul.u32 $0x500, s26;
	s5 =	sadd.s32 s6, s2  }
0xe: {  	s14 =	ssub.s32 s28, s14;
	s30 =	sshrl.u32 s15, $0x3;
	s9 =	sadd.s32 $0x55800, s9  }
0xf: {  	s10 =	sadd.s32 s12, s29;
	s6 =	sadd.s32 $0x12000, s5;
	s31 =	sadd.s32 s11, s30  }
0x10: {  	s10 =	sadd.s32 s11, s10;
	s12 =	smax.u32 s14, $0x1;
	s14 =	sadd.s32 $0x6000, s5  }
0x11: {  	s15 =	sadd.s32 $0x9000, s5;
	s16 =	sadd.s32 $0xC000, s5;
	s17 =	sadd.s32 $0xF000, s5  }
0x12: {  	v0 =	vimm.f32 $0.0e+00;
	s8 =	sadd.s32 s8, s13;
	s11 =	sadd.s32 $0x27000, s31;
	s13 =	sadd.s32 $0x3000, s5  }
.LBB2_1:
0x13: {  	s24 =	sand.u32 $0xFE00, s3  }
0x14: {  	s25 =	sand.u32 $0x70, s3;
	s26 =	sshrl.u32 s24, $0x2  }
0x15: {  	s24 =	simm.s32 $0x40;
	s26 =	sor.u32 s25, s26;
	s25 =	simm.s32 $0x0  }
.LBB2_2:
0x16: {  	p1 =	sne.s32 s24, $0xF9C0  }
0x17: {  	[tilespmem:s26+$0x5000] =	vst v0;
	s25 =	sadd.s32 $0x10, s25;
	s26 =	smov.u32 s24;
	s24 =	sadd.s32 $0x40, s24  }
.Ltmp0:
0x18: {  	(pc) =	sbr.rel @p1 .LBB2_2-.Ltmp0, $4  }
0x19: {  	_ = 	snop  }
0x1a: {  	s26 =	sand.u32 $0xFE00, s26  }
0x1b: {  	s28 =	sand.u32 $0x70, s25;
	s26 =	sshrl.u32 s26, $0x2  }
0x1c: {  	s26 =	sor.u32 s28, s26  }
0x1d: {  	[tilespmem:s26+$0x5000] =	vst v0  }
0x1e: {  	[spmem:s5] =	stream.linear.scatter [tilespmem:s18], [sflag:$0x2], $0x3000, $0x38;
	[tilespmem:$0x1C880] =	vst v63  }
0x1f: {  	_ =	swait.ge [sflag:s19], $0x3000  }
0x20: {  	[sflag:s19] =	ssyncset.done $0x0  }
0x21: {  	[sflag:s19] =	ssyncadd.s32 $0xFFFFD000  }
0x22: {  	[spmem:s13] =	stream.linear.scatter [tilespmem:s18], [sflag:$0x2], $0x3000, $0x38;
	[tilespmem:$0x1C880] =	vst v63  }
0x23: {  	_ =	swait.ge [sflag:s19], $0x3000  }
0x24: {  	[sflag:s19] =	ssyncset.done $0x0  }
0x25: {  	[sflag:s19] =	ssyncadd.s32 $0xFFFFD000  }
0x26: {  	[spmem:s14] =	stream.linear.scatter [tilespmem:s18], [sflag:$0x2], $0x3000, $0x38;
	[tilespmem:$0x1C880] =	vst v63  }
0x27: {  	_ =	swait.ge [sflag:s19], $0x3000  }
0x28: {  	[sflag:s19] =	ssyncset.done $0x0  }
0x29: {  	[sflag:s19] =	ssyncadd.s32 $0xFFFFD000  }
0x2a: {  	[spmem:s15] =	stream.linear.scatter [tilespmem:s18], [sflag:$0x2], $0x3000, $0x38;
	[tilespmem:$0x1C880] =	vst v63  }
0x2b: {  	_ =	swait.ge [sflag:s19], $0x3000  }
0x2c: {  	[sflag:s19] =	ssyncset.done $0x0  }
0x2d: {  	[sflag:s19] =	ssyncadd.s32 $0xFFFFD000  }
0x2e: {  	[spmem:s16] =	stream.linear.scatter [tilespmem:s18], [sflag:$0x2], $0x3000, $0x38;
	[tilespmem:$0x1C880] =	vst v63  }
0x2f: {  	_ =	swait.ge [sflag:s19], $0x3000  }
0x30: {  	[sflag:s19] =	ssyncset.done $0x0  }
0x31: {  	[sflag:s19] =	ssyncadd.s32 $0xFFFFD000  }
0x32: {  	[spmem:s17] =	stream.linear.scatter [tilespmem:s18], [sflag:$0x2], $0x3000, $0x38;
	[tilespmem:$0x1C880] =	vst v63  }
0x33: {  	_ =	swait.ge [sflag:s19], $0x3000  }
0x34: {  	[sflag:s19] =	ssyncset.done $0x0  }
0x35: {  	[sflag:s19] =	ssyncadd.s32 $0xFFFFD000  }
0x36: {  	[spmem:s6] =	stream.linear.scatter [tilespmem:s18], [sflag:$0x2], $0x1800, $0x38;
	[tilespmem:$0x1C880] =	vst v63  }
0x37: {  	_ =	swait.ge [sflag:s19], $0x1800  }
0x38: {  	[sflag:s19] =	ssyncset.done $0x0  }
0x39: {  	s24 =	simm.s32 @!p0 $0x5000;
	[sflag:s19] =	ssyncadd.s32 $0xFFFFE800  }
0x3a: {  	[spmem:s7] =	stream.linear.scatter @!p0 [tilespmem:s24], [sflag:$0x2], $0x800, $0x38;
	[tilespmem:$0x1C880] =	vst v63  }
0x3b: {  	s24 =	simm.s32 @!p0 $0x2  }
0x3c: {  	_ =	swait.ge @!p0 [sflag:s24], $0x800  }
0x3d: {  	[sflag:s24] =	ssyncset.done @!p0 $0x0  }
0x3e: {  	s29 =	simm.s32 $0x0;
	[sflag:s24] =	ssyncadd.s32 @!p0 $0xFFFFF800  }
0x3f: {  	[tilespmem:s29], [sflag:$0x2] =	stream.linear.gather [hbm4b:s8+s29], $0x2800, $0x38;
	[tilespmem:$0x1C880] =	vst v63  }
0x40: {  	_ =	swait.ge [sflag:s19], $0x2800  }
0x41: {  	[sflag:s19] =	ssyncset.done $0x0  }
0x42: {  	[sflag:s19] =	ssyncadd.s32 $0xFFFFD800  }
0x43: {  	[tilespmem:s20], [sflag:$0x2] =	stream.linear.gather [hbm4b:s9+s29], $0x2800, $0x38;
	[tilespmem:$0x1C880] =	vst v63  }
0x44: {  	_ =	swait.ge [sflag:s19], $0x2800  }
0x45: {  	[sflag:s19] =	ssyncset.done $0x0  }
0x46: {  	[sflag:s19] =	ssyncadd.s32 $0xFFFFD800  }
0x47: {  	s30 =	simm.s32 $0x0;
	[bflag:$0x0] =	sbarrier.arrive $0xFFFF  }
0x48: {  	[tilespmem:s18], [sflag:$0x1] =	stream.indirect.gather [hbm4b:s4+s21], $0x80, s30, s21, $0xb8;
	[tilespmem:$0x1C880] =	vst v63  }
0x49: {  	_ =	swait.ge [sflag:s22], $0x3E80  }
0x4a: {  	[sflag:s22] =	ssyncset.done $0x0  }
0x4b: {  	s31 =	simm.s32 $0x2800;
	[sflag:s22] =	ssyncadd.s32 $0xFFFFC180  }
0x4c: {  	[spmem:s2] =	stream.indirect.scatter.add.f32 [tilespmem:s18], [sflag:$0x2], $0x80, s31, s21, $0xb8;
	[tilespmem:$0x1C880] =	vst v63  }
0x4d: {  	_ =	swait.ge [sflag:s19], $0x3E80  }
0x4e: {  	s25 =	simm.s32 $0x400;
	s24 =	simm.s32 $0x200;
	[sflag:s19] =	ssyncset.done $0x0  }
.LBB2_4:
0x4f: {  	s26 =	sshra.s32 s24, $0x2  }
0x50: {  	[sflag:s19] =	ssyncadd.s32 $0xFFFFC180;
	s24 =	smov.u32 s25;
	s28 =	sadd.s32 $0x200, s25  }
0x51: {  	[tilespmem:s18], [sflag:$0x1] =	stream.indirect.gather [hbm4b:s4+s21], $0x80, s26, s21, $0xb8;
	[tilespmem:$0x1C880] =	vst v63  }
0x52: {  	p1 =	sne.s32 s25, $0x9E00;
	_ =	swait.ge [sflag:s22], $0x3E80  }
.Ltmp1:
0x53: {  	[sflag:s22] =	ssyncset.done $0x0;
	(pc) =	sbr.rel @p1 .LBB2_4-.Ltmp1, $4  }
0x54: {  	s25 =	sadd.s32 $0x2800, s26;
	[sflag:s22] =	ssyncadd.s32 $0xFFFFC180  }
0x55: {  	[spmem:s2] =	stream.indirect.scatter.add.f32 [tilespmem:s18], [sflag:$0x2], $0x80, s25, s21, $0xb8;
	[tilespmem:$0x1C880] =	vst v63  }
0x56: {  	_ =	swait.ge [sflag:s19], $0x3E80  }
0x57: {  	s25 =	smov.u32 s28;
	[sflag:s19] =	ssyncset.done $0x0  }
0x58: {  	s24 =	sshra.s32 s24, $0x2;
	[sflag:s19] =	ssyncadd.s32 $0xFFFFC180  }
0x59: {  	[tilespmem:s18], [sflag:$0x1] =	stream.indirect.gather [hbm4b:s4+s21], $0x80, s24, s21, $0xb8;
	[tilespmem:$0x1C880] =	vst v63  }
0x5a: {  	_ =	swait.ge [sflag:s22], $0x3E80  }
0x5b: {  	[sflag:s22] =	ssyncset.done $0x0  }
0x5c: {  	s24 =	sadd.s32 $0x2800, s24;
	[sflag:s22] =	ssyncadd.s32 $0xFFFFC180  }
0x5d: {  	[spmem:s2] =	stream.indirect.scatter.add.f32 [tilespmem:s18], [sflag:$0x2], $0x80, s24, s21, $0xb8;
	[tilespmem:$0x1C880] =	vst v63  }
0x5e: {  	_ =	swait.ge [sflag:s19], $0x3E80  }
0x5f: {  	[sflag:s19] =	ssyncset.done $0x0  }
0x60: {  	s31 =	sshll.u32 s1, $0x6;
	[sflag:s19] =	ssyncadd.s32 $0xFFFFC180  }
0x61: {  	s25 =	sshrl.u32 s5, $0x3;
	s24 =	sor.u32 $0x1C02, s31;
	[bflag:$0x0] =	sbarrier.arrive $0xFFFF  }
0x62: {  	[hbm:s10], [sflag:s24] =	dma.local [spmem:s25], $0x2700  }
0x63: {  	_ =	swait.ge [sflag:s19], $0x2700  }
0x64: {  	s23 =	sadd.s32 $0x1, s23;
	[sflag:s19] =	ssyncset.done $0x0  }
0x65: {  	p1 =	sne.s32 s23, s12;
	s25 =	sshrl.u32 @!p0 s7, $0x3;
	[sflag:s19] =	ssyncadd.s32 $0xFFFFD900  }
0x66: {  	[hbm:s11], [sflag:s24] =	dma.local @!p0 [spmem:s25], $0x100  }
.Ltmp2:
0x67: {  	_ = 	snop;
	(pc) =	sbr.rel @p1 .LBB2_1-.Ltmp2, $4  }
0x68: {  	s24 =	simm.s32 @!p0 $0x2  }
0x69: {  	_ =	swait.ge @!p0 [sflag:s24], $0x100  }
0x6a: {  	[sflag:s24] =	ssyncset.done @!p0 $0x0  }
0x6b: {  	[sflag:s24] =	ssyncadd.s32 @!p0 $0xFFFFFF00  }
0x6c: {  	_ =	sfence.sel $0x180000  }
0x6d: {  	[bflag:$0x0] =	sbarrier.arrive $0xFFFF  }
0x6e: {  	p0 =	sne.s32 s1, $0x0;
	_ =	strace $0x9000004A  }
0x6f: {  	s0 =	sadd.s32 @!p0 $0x100000, s0;
	[bflag:$0x2] =	sbarrier.arrive $0xFFFF  }
0x70: {  	[sflag:s0] =	ssyncadd.tile.s32 @!p0 $0x1;
	_ =	shalt  }
.Lfunc_end2:
_tile_overlayer_lowered:
.L_overlay_start_2:
0x71: {  	(tag) =	ssettag $0x2  }
0x72: {  	s0 =	rddreg [dreg:$0x0];
	s2 =	stileid.u32  }
0x73: {  	s1 =	rddreg [dreg:$0x1];
	p0 =	sne.s32 s2, $0x0  }
0x74: {  	s3 =	rddreg [dreg:$0x2];
	[bflag:$0x3] =	sbarrier.arrive $0xFFFF;
	s2 =	simm.s32 @!p0 $0x1C02  }
0x75: {  	[timem:s3], [sflag:s2] =	dma.local @!p0 [hbm:s0], s1  }
0x76: {  	s0 =	simm.s32 @!p0 $0x2  }
0x77: {  	_ =	swait.ge @!p0 [sflag:s0], s1  }
0x78: {  	s1 =	ssub.s32 @!p0 $0x0, s1;
	[sflag:s0] =	ssyncset.done @!p0 $0x0  }
0x79: {  	[sflag:s0] =	ssyncadd.s32 @!p0 s1  }
0x7a: {  	[bflag:$0x3] =	sbarrier.arrive $0xFFFF  }
0x7b: {  	_ =	shalt  }

// kernel: kernel.16.cloned.1.call-start
scs
__scs_entry_jumppad:
0x0: {  	(pc) =	sbr.rel $0x88, $3  }
0x1: {  	(tag) =	ssettag $0x0;
	lr =	simm.s32 $0x1  }
0x2: {  	[smem:$0x3F97] =	sst lr;
	_ =	strace $0xD0000000  }
0x3: {  	_ = 	snop  }
0x4: {  	_ = 	snop  }
0x5: {  	_ = 	snop  }
0x6: {  	_ = 	snop  }
0x7: {  	_ = 	snop  }
__scs_overlays_trampoline_lowered:
0x8: {  	[smem:$0x3FA6] =	sst s0  }
0x9: {  	[smem:$0x3FA7] =	sst s1  }
0xa: {  	[smem:$0x3FA8] =	sst s2  }
0xb: {  	[smem:$0x3FA9] =	sst s3  }
0xc: {  	[smem:$0x3FAA] =	sst s4  }
0xd: {  	[smem:$0x3FAB] =	sst s5  }
0xe: {  	[smem:$0x3FAC] =	sst s6  }
0xf: {  	[smem:$0x3FAD] =	sst s7  }
0x10: {  	[smem:$0x3FAE] =	sst s8  }
0x11: {  	[smem:$0x3FAF] =	sst s9;
	s0 =	simm.s32 @!p0 $0x0  }
0x12: {  	s1 =	sld [smem:$0x3F95];
	s0 =	simm.s32 @p0 $0x1  }
0x13: {  	[smem:$0x3FB0] =	sst s0;
	s0 =	simm.s32 @!p1 $0x0  }
0x14: {  	s2 =	sld [smem:$0x3F94];
	s0 =	simm.s32 @p1 $0x1  }
0x15: {  	[smem:$0x3FB1] =	sst s0;
	s0 =	simm.s32 @!p2 $0x0  }
0x16: {  	s3 =	sld [smem:$0x3FDB];
	s0 =	simm.s32 @p2 $0x1  }
0x17: {  	s4 =	simm.s32 $0x1BF5;
	[smem:$0x3FB3] =	sst s0  }
0x18: {  	s0 =	sld [smem:$0x3F96];
	_ =	swait.ge [sflag:s4], $0x0  }
0x19: {  	s7 =	sld [smem:$0x3F97]  }
0x1a: {  	s8 =	sadd.s32 $0xFFFFE003, lr  }
0x1b: {  	s9 =	sadd.s32 $0xFFFFFEF7, lr;
	s5 =	simm.s32 $0xFFFFFFFF;
	p2 =	slt.u32 s8, $0xFFFFF086  }
0x1c: {  	p1 =	slt.u32 s9, $0xF7A;
	s5 =	simm.s32 @!p2 $0x0  }
0x1d: {  	s5 =	simm.s32 @p1 $0x1;
	p0 =	seq.s32 s7, s2  }
0x1e: {  	s7 =	smul.u32 @!p0 $0xF7A, s2;
	p2 =	seq.s32 @!p0 s5, $0x0  }
0x1f: {  	s9 =	smul.u32 $0xF7A, s1;
	s8 =	simm.s32 @!p0 $0x1BF5;
	p2 =	por !p2, p0  }
0x20: {  	[sflag:s8] =	ssyncset.s32 @!p0 $0xFFFFF086;
	s6 =	sadd.s32 @!p0 s3, s7;
	s7 =	simm.s32 @!p0 $0x108  }
0x21: {  	s3 =	sadd.s32 s3, s9;
	s6 =	sadd.s32 @!p0 $0x88, s6;
	s7 =	simm.s32 @p2 $0x1082  }
0x22: {  	[simem:s7], [sflag:s8] =	dma.local @!p0 [hbm:s6], $0xF7A  }
0x23: {  	s9 =	sor.u32 $0xD0000000, s2;
	s6 =	simm.s32 $0x108;
	_ =	swait.ge @!p0 [sflag:s8], $0x0  }
0x24: {  	s3 =	sadd.s32 $0x88, s3;
	s6 =	simm.s32 @!p1 $0x1082;
	[sflag:s4] =	ssyncset.s32 $0xFFFFF086  }
0x25: {  	[simem:s6], [sflag:s4] =	dma.local [hbm:s3], $0xF7A  }
0x26: {  	[smem:$0x3F97] =	sst s1;
	(tag) =	ssettag s2;
	_ =	strace s9  }
0x27: {  	s1 =	sld [smem:$0x3FA7]  }
0x28: {  	s2 =	sld [smem:$0x3FA8]  }
0x29: {  	s4 =	sld [smem:$0x3FAA]  }
0x2a: {  	p0 =	seq.s32 s5, $0x0;
	s5 =	sld [smem:$0x3FAB]  }
0x2b: {  	s6 =	sld [smem:$0x3FAC]  }
0x2c: {  	s7 =	sld [smem:$0x3FAD]  }
0x2d: {  	s3 =	simm.s32 $0x108;
	s8 =	sld [smem:$0x3FAE]  }
0x2e: {  	s3 =	simm.s32 @!p0 $0x1082;
	s9 =	sld [smem:$0x3FAF]  }
0x2f: {  	lr =	sadd.s32 s0, s3;
	s0 =	sld [smem:$0x3FA6]  }
0x30: {  	s3 =	sld [smem:$0x3FA9]  }
0x31: {  	[smem:$0x3FB2] =	sst s10  }
0x32: {  	s10 =	sld [smem:$0x3FB0];
	_ =	sdelay $0x3  }
0x33: {  	p0 =	seq.s32 s10, $0x1;
	s10 =	sld [smem:$0x3FB2];
	_ =	sdelay $0x3  }
0x34: {  	[smem:$0x3FB2] =	sst s10  }
0x35: {  	s10 =	sld [smem:$0x3FB1];
	_ =	sdelay $0x3  }
0x36: {  	p1 =	seq.s32 s10, $0x1;
	s10 =	sld [smem:$0x3FB2];
	_ =	sdelay $0x3  }
0x37: {  	[smem:$0x3FB2] =	sst s10  }
0x38: {  	s10 =	sld [smem:$0x3FB3]  }
0x39: {  	_ = 	snop;
	(pc) =	sbr.ind lr, $3  }
0x3a: {  	_ = 	snop  }
0x3b: {  	_ = 	snop  }
0x3c: {  	p2 =	seq.s32 s10, $0x1;
	s10 =	sld [smem:$0x3FB2]  }
0x3d: {  	_ =	shalt  }
0x3e: {  	_ =	shalt  }
0x3f: {  	_ =	shalt  }
0x40: {  	_ =	shalt  }
0x41: {  	_ =	shalt  }
0x42: {  	_ =	shalt  }
0x43: {  	_ =	shalt  }
0x44: {  	_ =	shalt  }
0x45: {  	_ =	shalt  }
0x46: {  	_ =	shalt  }
0x47: {  	_ =	shalt  }
0x48: {  	_ =	shalt  }
0x49: {  	_ =	shalt  }
0x4a: {  	_ =	shalt  }
0x4b: {  	_ =	shalt  }
0x4c: {  	_ =	shalt  }
0x4d: {  	_ =	shalt  }
0x4e: {  	_ =	shalt  }
0x4f: {  	_ =	shalt  }
0x50: {  	_ =	shalt  }
0x51: {  	_ =	shalt  }
0x52: {  	_ =	shalt  }
0x53: {  	_ =	shalt  }
0x54: {  	_ =	shalt  }
0x55: {  	_ =	shalt  }
0x56: {  	_ =	shalt  }
0x57: {  	_ =	shalt  }
0x58: {  	_ =	shalt  }
0x59: {  	_ =	shalt  }
0x5a: {  	_ =	shalt  }
0x5b: {  	_ =	shalt  }
0x5c: {  	_ =	shalt  }
0x5d: {  	_ =	shalt  }
0x5e: {  	_ =	shalt  }
0x5f: {  	_ =	shalt  }
0x60: {  	_ =	shalt  }
0x61: {  	_ =	shalt  }
0x62: {  	_ =	shalt  }
0x63: {  	_ =	shalt  }
0x64: {  	_ =	shalt  }
0x65: {  	_ =	shalt  }
0x66: {  	_ =	shalt  }
0x67: {  	_ =	shalt  }
0x68: {  	_ =	shalt  }
0x69: {  	_ =	shalt  }
0x6a: {  	_ =	shalt  }
0x6b: {  	_ =	shalt  }
0x6c: {  	_ =	shalt  }
0x6d: {  	_ =	shalt  }
0x6e: {  	_ =	shalt  }
0x6f: {  	_ =	shalt  }
0x70: {  	_ =	shalt  }
0x71: {  	_ =	shalt  }
0x72: {  	_ =	shalt  }
0x73: {  	_ =	shalt  }
0x74: {  	_ =	shalt  }
0x75: {  	_ =	shalt  }
0x76: {  	_ =	shalt  }
0x77: {  	_ =	shalt  }
0x78: {  	_ =	shalt  }
0x79: {  	_ =	shalt  }
0x7a: {  	_ =	shalt  }
0x7b: {  	_ =	shalt  }
0x7c: {  	_ =	shalt  }
0x7d: {  	_ =	shalt  }
0x7e: {  	_ =	shalt  }
0x7f: {  	_ =	shalt  }
0x80: {  	_ =	shalt  }
0x81: {  	_ =	shalt  }
0x82: {  	_ =	shalt  }
0x83: {  	_ =	shalt  }
0x84: {  	_ =	shalt  }
0x85: {  	_ =	shalt  }
0x86: {  	_ =	shalt  }
0x87: {  	_ =	shalt  }
.Lfunc_end0:
.L_simem_size_0:
called_computation.2_lowered:
.L_overlay_start_0:
0x88: {  	s2 =	sld [smem:$0x3FD9]  }
0x89: {  	s3 =	sld [smem:$0x3FFE];
	_ =	sdelay $0x1  }
0x8a: {  	s1 =	srdreg.scid  }
0x8b: {  	s0 =	sand.u32 $0x1, s1  }
0x8c: {  	s17 =	sshll.u32 s0, $0xA;
	s2 =	sadd.s32 s3, s2  }
0x8d: {  	s2 =	sadd.s32 s2, s17  }
0x8e: {  	[smem:$0x3FBE] =	sst s2  }
0x8f: {  	_ = 	snop  }
0x90: {  	s2 =	sld [smem:$0x3FD0];
	(tm) =	ssettm $0x1  }
0x91: {  	s18 =	sld [smem:$0x3FFB];
	_ =	sdelay $0x3  }
0x92: {  	_ =	strace s18  }
0x93: {  	s3 =	sld [smem:$0x3FFC];
	_ =	sdelay $0x3  }
0x94: {  	_ =	strace s3  }
0x95: {  	s3 =	sld [smem:$0x3FFD];
	_ =	sdelay $0x3  }
0x96: {  	_ =	strace s3  }
0x97: {  	_ =	strace $0x8FFFFFFF  }
0x98: {  	s19 =	sld [smem:$0x3FDB];
	_ =	sdelay $0x1  }
0x99: {  	s4 =	simm.s32 $_scs_section_size  }
0x9a: {  	s5 =	simm.s32 $_size__tile_overlayer_lowered;
	s6 =	simm.s32 $_tile_overlayer_lowered  }
0x9b: {  	s22 =	simm.s32 $0x1BFF;
	s21 =	sshll.u32 s6, $0x1;
	s3 =	sadd.s32 s4, s19  }
0x9c: {  	s7 =	simm.s32 $0x0;
	s20 =	sshll.u32 s5, $0x1;
	s5 =	sadd.s32 s21, s3  }
0x9d: {  	[timem:s7], [sflag:s22] =	dma.local [hbm:s5], s20  }
0x9e: {  	_ =	swait.ge [sflag:s22], s20  }
0x9f: {  	s4 =	ssub.s32 $0x0, s20;
	[sflag:s22] =	ssyncset.done $0x0  }
0xa0: {  	[sflag:s22] =	ssyncadd.s32 s4;
	_ =	sdelay $0x1  }
0xa1: {  	s23 =	simm.s32 $0x1B8B  }
0xa2: {  	_ =	swait.ge [sflag:s23], $0x1  }
0xa3: {  	[sflag:s23] =	ssyncset.done $0x0  }
0xa4: {  	s25 =	simm.s32 $0x1B8E;
	s24 =	sld [smem:$0x3FFE];
	[sflag:s23] =	ssyncadd.s32 $0xFFFFFFFF  }
0xa5: {  	s26 =	simm.s32 $execute0_lowered;
	[smem:$0x3FD2] =	sst s25  }
0xa6: {  	s5 =	sshll.u32 s26, $0x1;
	_ =	strace $0x8000004C;
	[dreg:$0x1] =	wrdreg $0xFFFFFFFF  }
0xa7: {  	s28 =	simm.s32 $_size_execute0_lowered;
	s3 =	sadd.s32 s3, s5;
	[dreg:$0x0] =	wrdreg $0x0  }
0xa8: {  	s5 =	sshll.u32 s28, $0x1;
	[dreg:$0x2] =	wrdreg s3  }
0xa9: {  	[dreg:$0x3] =	wrdreg s5  }
0xaa: {  	[dreg:$0x4] =	wrdreg $0xC0  }
0xab: {  	_ =	task [dreg:s7], $0x5FFFF  }
0xac: {  	[dreg:$0x1] =	wrdreg $0xFFFFFFFF  }
0xad: {  	[dreg:$0x0] =	wrdreg $0x60  }
0xae: {  	[dreg:$0x2] =	wrdreg s24  }
0xaf: {  	[dreg:$0x3] =	wrdreg s2  }
0xb0: {  	[dreg:$0x4] =	wrdreg $0x90000  }
0xb1: {  	[dreg:$0x5] =	wrdreg $0x9  }
0xb2: {  	_ =	task.clear_ibuf [dreg:s7], $0x6FFFF;
	_ =	strace $0x9000004C  }
0xb3: {  	s29 =	simm.s32 $0x9;
	_ =	strace $0x8000004E  }
0xb4: {  	_ =	swait.ge [sflag:s29], $0x1  }
0xb5: {  	[sflag:s29] =	ssyncadd.s32 $0xFFFFFFFF  }
0xb6: {  	_ =	strace $0x9000004E  }
0xb7: {  	_ =	sfence  }
0xb8: {  	s30 =	sld [smem:$0x0];
	_ =	sdelay $0x2  }
0xb9: {  	s31 =	sshll.u32 s1, $0xD;
	s1 =	sshrl.u32 s1, $0x2  }
0xba: {  	s3 =	sand.u32 $0x4000, s31;
	s1 =	sadd.s32 s1, s30  }
0xbb: {  	s0 =	sor.u32 s3, s0;
	s1 =	sshll.u32 s1, $0x11  }
0xbc: {  	s0 =	sor.u32 s1, s0  }
0xbd: {  	s0 =	sadd.s32 $0x8F2B, s0  }
0xbe: {  	[sflag:s0] =	ssyncadd.remote.s32 $0x1  }
0xbf: {  	_ =	sfence.sel $0xFFFF  }
0xc0: {  	[dreg:$0x0] =	wrdreg $0xFFFFFFFF;
	(pc) =	sbr.abs _section_cstart, $3  }
0xc1: {  	[dreg:$0x1] =	wrdreg $0xFFFFFFFF  }
0xc2: {  	_ =	task.clear_ibuf [dreg:s7], $0x2FFFF;
	_ =	strace $0x9FFFFFFF  }
0xc3: {  	(tm) =	ssettm $0x7FFFFFFF  }
tec
execute0_lowered:
.L_overlay_start_1:
0x0: {  	(tag) =	ssettag $0x1  }
0x1: {  	s5 =	rddreg [dreg:$0x0]  }
0x2: {  	s8 =	rddreg [dreg:$0x1]  }
0x3: {  	s2 =	rddreg [dreg:$0x2]  }
0x4: {  	s0 =	rddreg [dreg:$0x3];
	s3 =	simm.s32 $0x0;
	s1 =	stileid.u32  }
0x5: {  	s7 =	srdreg.scid;
	s18 =	simm.s32 $0x5000;
	s19 =	simm.s32 $0x2  }
0x6: {  	s20 =	simm.s32 $0x2800;
	s21 =	simm.s32 $0x7D;
	s22 =	simm.s32 $0x1  }
0x7: {  	s23 =	simm.s32 $0x0;
	[smem:$0x7FF] =	sst s3;
	s6 =	smul.u32 $0x500, s1  }
0x8: {  	s4 =	sadd.s32 $0x2600, s5;
	s7 =	sand.u32 $0x1, s7;
	s25 =	smul.u32 $0x4E000, s1  }
0x9: {  	s11 =	sadd.s32 $0xA8A00, s5;
	s12 =	smul.u32 $0x2700, s1;
	p0 =	sne.s32 s1, $0xF  }
0xa: {  	_ =	strace $0x8000004D;
	s10 =	sshll.u32 s7, $0x4;
	s15 =	smul.u32 $0x138800, s7  }
0xb: {  	s28 =	ssub.s32 $0x2, s7;
	s29 =	smul.u32 $0x27100, s7;
	s7 =	sadd.s32 $0x138000, s2  }
0xc: {  	s9 =	sadd.s32 s6, s5;
	s26 =	sor.u32 s1, s10;
	s6 =	sshrl.u32 s25, $0x2  }
0xd: {  	s14 =	sshrl.u32 s28, $0x1;
	s13 =	smul.u32 $0x500, s26;
	s5 =	sadd.s32 s6, s2  }
0xe: {  	s14 =	ssub.s32 s28, s14;
	s30 =	sshrl.u32 s15, $0x3;
	s9 =	sadd.s32 $0x55800, s9  }
0xf: {  	s10 =	sadd.s32 s12, s29;
	s6 =	sadd.s32 $0x12000, s5;
	s31 =	sadd.s32 s11, s30  }
0x10: {  	s10 =	sadd.s32 s11, s10;
	s12 =	smax.u32 s14, $0x1;
	s14 =	sadd.s32 $0x6000, s5  }
0x11: {  	s15 =	sadd.s32 $0x9000, s5;
	s16 =	sadd.s32 $0xC000, s5;
	s17 =	sadd.s32 $0xF000, s5  }
0x12: {  	v0 =	vimm.f32 $0.0e+00;
	s8 =	sadd.s32 s8, s13;
	s11 =	sadd.s32 $0x27000, s31;
	s13 =	sadd.s32 $0x3000, s5  }
.LBB2_1:
0x13: {  	s24 =	sand.u32 $0xFE00, s3  }
0x14: {  	s25 =	sand.u32 $0x70, s3;
	s26 =	sshrl.u32 s24, $0x2  }
0x15: {  	s24 =	simm.s32 $0x40;
	s26 =	sor.u32 s25, s26;
	s25 =	simm.s32 $0x0  }
.LBB2_2:
0x16: {  	p1 =	sne.s32 s24, $0xF9C0  }
0x17: {  	[tilespmem:s26+$0x5000] =	vst v0;
	s25 =	sadd.s32 $0x10, s25;
	s26 =	smov.u32 s24;
	s24 =	sadd.s32 $0x40, s24  }
.Ltmp0:
0x18: {  	(pc) =	sbr.rel @p1 .LBB2_2-.Ltmp0, $4  }
0x19: {  	_ = 	snop  }
0x1a: {  	s26 =	sand.u32 $0xFE00, s26  }
0x1b: {  	s28 =	sand.u32 $0x70, s25;
	s26 =	sshrl.u32 s26, $0x2  }
0x1c: {  	s26 =	sor.u32 s28, s26  }
0x1d: {  	[tilespmem:s26+$0x5000] =	vst v0  }
0x1e: {  	[spmem:s5] =	stream.linear.scatter [tilespmem:s18], [sflag:$0x2], $0x3000, $0x38;
	[tilespmem:$0x1C880] =	vst v63  }
0x1f: {  	_ =	swait.ge [sflag:s19], $0x3000  }
0x20: {  	[sflag:s19] =	ssyncset.done $0x0  }
0x21: {  	[sflag:s19] =	ssyncadd.s32 $0xFFFFD000  }
0x22: {  	[spmem:s13] =	stream.linear.scatter [tilespmem:s18], [sflag:$0x2], $0x3000, $0x38;
	[tilespmem:$0x1C880] =	vst v63  }
0x23: {  	_ =	swait.ge [sflag:s19], $0x3000  }
0x24: {  	[sflag:s19] =	ssyncset.done $0x0  }
0x25: {  	[sflag:s19] =	ssyncadd.s32 $0xFFFFD000  }
0x26: {  	[spmem:s14] =	stream.linear.scatter [tilespmem:s18], [sflag:$0x2], $0x3000, $0x38;
	[tilespmem:$0x1C880] =	vst v63  }
0x27: {  	_ =	swait.ge [sflag:s19], $0x3000  }
0x28: {  	[sflag:s19] =	ssyncset.done $0x0  }
0x29: {  	[sflag:s19] =	ssyncadd.s32 $0xFFFFD000  }
0x2a: {  	[spmem:s15] =	stream.linear.scatter [tilespmem:s18], [sflag:$0x2], $0x3000, $0x38;
	[tilespmem:$0x1C880] =	vst v63  }
0x2b: {  	_ =	swait.ge [sflag:s19], $0x3000  }
0x2c: {  	[sflag:s19] =	ssyncset.done $0x0  }
0x2d: {  	[sflag:s19] =	ssyncadd.s32 $0xFFFFD000  }
0x2e: {  	[spmem:s16] =	stream.linear.scatter [tilespmem:s18], [sflag:$0x2], $0x3000, $0x38;
	[tilespmem:$0x1C880] =	vst v63  }
0x2f: {  	_ =	swait.ge [sflag:s19], $0x3000  }
0x30: {  	[sflag:s19] =	ssyncset.done $0x0  }
0x31: {  	[sflag:s19] =	ssyncadd.s32 $0xFFFFD000  }
0x32: {  	[spmem:s17] =	stream.linear.scatter [tilespmem:s18], [sflag:$0x2], $0x3000, $0x38;
	[tilespmem:$0x1C880] =	vst v63  }
0x33: {  	_ =	swait.ge [sflag:s19], $0x3000  }
0x34: {  	[sflag:s19] =	ssyncset.done $0x0  }
0x35: {  	[sflag:s19] =	ssyncadd.s32 $0xFFFFD000  }
0x36: {  	[spmem:s6] =	stream.linear.scatter [tilespmem:s18], [sflag:$0x2], $0x1800, $0x38;
	[tilespmem:$0x1C880] =	vst v63  }
0x37: {  	_ =	swait.ge [sflag:s19], $0x1800  }
0x38: {  	[sflag:s19] =	ssyncset.done $0x0  }
0x39: {  	s24 =	simm.s32 @!p0 $0x5000;
	[sflag:s19] =	ssyncadd.s32 $0xFFFFE800  }
0x3a: {  	[spmem:s7] =	stream.linear.scatter @!p0 [tilespmem:s24], [sflag:$0x2], $0x800, $0x38;
	[tilespmem:$0x1C880] =	vst v63  }
0x3b: {  	s24 =	simm.s32 @!p0 $0x2  }
0x3c: {  	_ =	swait.ge @!p0 [sflag:s24], $0x800  }
0x3d: {  	[sflag:s24] =	ssyncset.done @!p0 $0x0  }
0x3e: {  	s29 =	simm.s32 $0x0;
	[sflag:s24] =	ssyncadd.s32 @!p0 $0xFFFFF800  }
0x3f: {  	[tilespmem:s29], [sflag:$0x2] =	stream.linear.gather [hbm4b:s8+s29], $0x2800, $0x38;
	[tilespmem:$0x1C880] =	vst v63  }
0x40: {  	_ =	swait.ge [sflag:s19], $0x2800  }
0x41: {  	[sflag:s19] =	ssyncset.done $0x0  }
0x42: {  	[sflag:s19] =	ssyncadd.s32 $0xFFFFD800  }
0x43: {  	[tilespmem:s20], [sflag:$0x2] =	stream.linear.gather [hbm4b:s9+s29], $0x2800, $0x38;
	[tilespmem:$0x1C880] =	vst v63  }
0x44: {  	_ =	swait.ge [sflag:s19], $0x2800  }
0x45: {  	[sflag:s19] =	ssyncset.done $0x0  }
0x46: {  	[sflag:s19] =	ssyncadd.s32 $0xFFFFD800  }
0x47: {  	s30 =	simm.s32 $0x0;
	[bflag:$0x0] =	sbarrier.arrive $0xFFFF  }
0x48: {  	[tilespmem:s18], [sflag:$0x1] =	stream.indirect.gather [hbm4b:s4+s21], $0x80, s30, s21, $0xb8;
	[tilespmem:$0x1C880] =	vst v63  }
0x49: {  	_ =	swait.ge [sflag:s22], $0x3E80  }
0x4a: {  	[sflag:s22] =	ssyncset.done $0x0  }
0x4b: {  	s31 =	simm.s32 $0x2800;
	[sflag:s22] =	ssyncadd.s32 $0xFFFFC180  }
0x4c: {  	[spmem:s2] =	stream.indirect.scatter.add.f32 [tilespmem:s18], [sflag:$0x2], $0x80, s31, s21, $0xb8;
	[tilespmem:$0x1C880] =	vst v63  }
0x4d: {  	_ =	swait.ge [sflag:s19], $0x3E80  }
0x4e: {  	s25 =	simm.s32 $0x400;
	s24 =	simm.s32 $0x200;
	[sflag:s19] =	ssyncset.done $0x0  }
.LBB2_4:
0x4f: {  	s26 =	sshra.s32 s24, $0x2  }
0x50: {  	[sflag:s19] =	ssyncadd.s32 $0xFFFFC180;
	s24 =	smov.u32 s25;
	s28 =	sadd.s32 $0x200, s25  }
0x51: {  	[tilespmem:s18], [sflag:$0x1] =	stream.indirect.gather [hbm4b:s4+s21], $0x80, s26, s21, $0xb8;
	[tilespmem:$0x1C880] =	vst v63  }
0x52: {  	p1 =	sne.s32 s25, $0x9E00;
	_ =	swait.ge [sflag:s22], $0x3E80  }
.Ltmp1:
0x53: {  	[sflag:s22] =	ssyncset.done $0x0;
	(pc) =	sbr.rel @p1 .LBB2_4-.Ltmp1, $4  }
0x54: {  	s25 =	sadd.s32 $0x2800, s26;
	[sflag:s22] =	ssyncadd.s32 $0xFFFFC180  }
0x55: {  	[spmem:s2] =	stream.indirect.scatter.add.f32 [tilespmem:s18], [sflag:$0x2], $0x80, s25, s21, $0xb8;
	[tilespmem:$0x1C880] =	vst v63  }
0x56: {  	_ =	swait.ge [sflag:s19], $0x3E80  }
0x57: {  	s25 =	smov.u32 s28;
	[sflag:s19] =	ssyncset.done $0x0  }
0x58: {  	s24 =	sshra.s32 s24, $0x2;
	[sflag:s19] =	ssyncadd.s32 $0xFFFFC180  }
0x59: {  	[tilespmem:s18], [sflag:$0x1] =	stream.indirect.gather [hbm4b:s4+s21], $0x80, s24, s21, $0xb8;
	[tilespmem:$0x1C880] =	vst v63  }
0x5a: {  	_ =	swait.ge [sflag:s22], $0x3E80  }
0x5b: {  	[sflag:s22] =	ssyncset.done $0x0  }
0x5c: {  	s24 =	sadd.s32 $0x2800, s24;
	[sflag:s22] =	ssyncadd.s32 $0xFFFFC180  }
0x5d: {  	[spmem:s2] =	stream.indirect.scatter.add.f32 [tilespmem:s18], [sflag:$0x2], $0x80, s24, s21, $0xb8;
	[tilespmem:$0x1C880] =	vst v63  }
0x5e: {  	_ =	swait.ge [sflag:s19], $0x3E80  }
0x5f: {  	[sflag:s19] =	ssyncset.done $0x0  }
0x60: {  	s31 =	sshll.u32 s1, $0x6;
	[sflag:s19] =	ssyncadd.s32 $0xFFFFC180  }
0x61: {  	s25 =	sshrl.u32 s5, $0x3;
	s24 =	sor.u32 $0x1C02, s31;
	[bflag:$0x0] =	sbarrier.arrive $0xFFFF  }
0x62: {  	[hbm:s10], [sflag:s24] =	dma.local [spmem:s25], $0x2700  }
0x63: {  	_ =	swait.ge [sflag:s19], $0x2700  }
0x64: {  	s23 =	sadd.s32 $0x1, s23;
	[sflag:s19] =	ssyncset.done $0x0  }
0x65: {  	p1 =	sne.s32 s23, s12;
	s25 =	sshrl.u32 @!p0 s7, $0x3;
	[sflag:s19] =	ssyncadd.s32 $0xFFFFD900  }
0x66: {  	[hbm:s11], [sflag:s24] =	dma.local @!p0 [spmem:s25], $0x100  }
.Ltmp2:
0x67: {  	_ = 	snop;
	(pc) =	sbr.rel @p1 .LBB2_1-.Ltmp2, $4  }
0x68: {  	s24 =	simm.s32 @!p0 $0x2  }
0x69: {  	_ =	swait.ge @!p0 [sflag:s24], $0x100  }
0x6a: {  	[sflag:s24] =	ssyncset.done @!p0 $0x0  }
0x6b: {  	[sflag:s24] =	ssyncadd.s32 @!p0 $0xFFFFFF00  }
0x6c: {  	_ =	sfence.sel $0x180000  }
0x6d: {  	[bflag:$0x0] =	sbarrier.arrive $0xFFFF  }
0x6e: {  	p0 =	sne.s32 s1, $0x0;
	_ =	strace $0x9000004D  }
0x6f: {  	s0 =	sadd.s32 @!p0 $0x100000, s0;
	[bflag:$0x2] =	sbarrier.arrive $0xFFFF  }
0x70: {  	[sflag:s0] =	ssyncadd.tile.s32 @!p0 $0x1;
	_ =	shalt  }
.Lfunc_end2:
_tile_overlayer_lowered:
.L_overlay_start_2:
0x71: {  	(tag) =	ssettag $0x2  }
0x72: {  	s0 =	rddreg [dreg:$0x0];
	s2 =	stileid.u32  }
0x73: {  	s1 =	rddreg [dreg:$0x1];
	p0 =	sne.s32 s2, $0x0  }
0x74: {  	s3 =	rddreg [dreg:$0x2];
	[bflag:$0x3] =	sbarrier.arrive $0xFFFF;
	s2 =	simm.s32 @!p0 $0x1C02  }
0x75: {  	[timem:s3], [sflag:s2] =	dma.local @!p0 [hbm:s0], s1  }
0x76: {  	s0 =	simm.s32 @!p0 $0x2  }
0x77: {  	_ =	swait.ge @!p0 [sflag:s0], s1  }
0x78: {  	s1 =	ssub.s32 @!p0 $0x0, s1;
	[sflag:s0] =	ssyncset.done @!p0 $0x0  }
0x79: {  	[sflag:s0] =	ssyncadd.s32 @!p0 s1  }
0x7a: {  	[bflag:$0x3] =	sbarrier.arrive $0xFFFF  }
0x7b: {  	_ =	shalt  }

// kernel: kernel.19.cloned.1.call-start
scs
__scs_entry_jumppad:
0x0: {  	(pc) =	sbr.rel $0x88, $3  }
0x1: {  	(tag) =	ssettag $0x0;
	lr =	simm.s32 $0x1  }
0x2: {  	[smem:$0x3F97] =	sst lr;
	_ =	strace $0xD0000000  }
0x3: {  	_ = 	snop  }
0x4: {  	_ = 	snop  }
0x5: {  	_ = 	snop  }
0x6: {  	_ = 	snop  }
0x7: {  	_ = 	snop  }
__scs_overlays_trampoline_lowered:
0x8: {  	[smem:$0x3FA6] =	sst s0  }
0x9: {  	[smem:$0x3FA7] =	sst s1  }
0xa: {  	[smem:$0x3FA8] =	sst s2  }
0xb: {  	[smem:$0x3FA9] =	sst s3  }
0xc: {  	[smem:$0x3FAA] =	sst s4  }
0xd: {  	[smem:$0x3FAB] =	sst s5  }
0xe: {  	[smem:$0x3FAC] =	sst s6  }
0xf: {  	[smem:$0x3FAD] =	sst s7  }
0x10: {  	[smem:$0x3FAE] =	sst s8  }
0x11: {  	[smem:$0x3FAF] =	sst s9;
	s0 =	simm.s32 @!p0 $0x0  }
0x12: {  	s1 =	sld [smem:$0x3F95];
	s0 =	simm.s32 @p0 $0x1  }
0x13: {  	[smem:$0x3FB0] =	sst s0;
	s0 =	simm.s32 @!p1 $0x0  }
0x14: {  	s2 =	sld [smem:$0x3F94];
	s0 =	simm.s32 @p1 $0x1  }
0x15: {  	[smem:$0x3FB1] =	sst s0;
	s0 =	simm.s32 @!p2 $0x0  }
0x16: {  	s3 =	sld [smem:$0x3FDB];
	s0 =	simm.s32 @p2 $0x1  }
0x17: {  	s4 =	simm.s32 $0x1BF5;
	[smem:$0x3FB3] =	sst s0  }
0x18: {  	s0 =	sld [smem:$0x3F96];
	_ =	swait.ge [sflag:s4], $0x0  }
0x19: {  	s7 =	sld [smem:$0x3F97]  }
0x1a: {  	s8 =	sadd.s32 $0xFFFFE003, lr  }
0x1b: {  	s9 =	sadd.s32 $0xFFFFFEF7, lr;
	s5 =	simm.s32 $0xFFFFFFFF;
	p2 =	slt.u32 s8, $0xFFFFF086  }
0x1c: {  	p1 =	slt.u32 s9, $0xF7A;
	s5 =	simm.s32 @!p2 $0x0  }
0x1d: {  	s5 =	simm.s32 @p1 $0x1;
	p0 =	seq.s32 s7, s2  }
0x1e: {  	s7 =	smul.u32 @!p0 $0xF7A, s2;
	p2 =	seq.s32 @!p0 s5, $0x0  }
0x1f: {  	s9 =	smul.u32 $0xF7A, s1;
	s8 =	simm.s32 @!p0 $0x1BF5;
	p2 =	por !p2, p0  }
0x20: {  	[sflag:s8] =	ssyncset.s32 @!p0 $0xFFFFF086;
	s6 =	sadd.s32 @!p0 s3, s7;
	s7 =	simm.s32 @!p0 $0x108  }
0x21: {  	s3 =	sadd.s32 s3, s9;
	s6 =	sadd.s32 @!p0 $0x88, s6;
	s7 =	simm.s32 @p2 $0x1082  }
0x22: {  	[simem:s7], [sflag:s8] =	dma.local @!p0 [hbm:s6], $0xF7A  }
0x23: {  	s9 =	sor.u32 $0xD0000000, s2;
	s6 =	simm.s32 $0x108;
	_ =	swait.ge @!p0 [sflag:s8], $0x0  }
0x24: {  	s3 =	sadd.s32 $0x88, s3;
	s6 =	simm.s32 @!p1 $0x1082;
	[sflag:s4] =	ssyncset.s32 $0xFFFFF086  }
0x25: {  	[simem:s6], [sflag:s4] =	dma.local [hbm:s3], $0xF7A  }
0x26: {  	[smem:$0x3F97] =	sst s1;
	(tag) =	ssettag s2;
	_ =	strace s9  }
0x27: {  	s1 =	sld [smem:$0x3FA7]  }
0x28: {  	s2 =	sld [smem:$0x3FA8]  }
0x29: {  	s4 =	sld [smem:$0x3FAA]  }
0x2a: {  	p0 =	seq.s32 s5, $0x0;
	s5 =	sld [smem:$0x3FAB]  }
0x2b: {  	s6 =	sld [smem:$0x3FAC]  }
0x2c: {  	s7 =	sld [smem:$0x3FAD]  }
0x2d: {  	s3 =	simm.s32 $0x108;
	s8 =	sld [smem:$0x3FAE]  }
0x2e: {  	s3 =	simm.s32 @!p0 $0x1082;
	s9 =	sld [smem:$0x3FAF]  }
0x2f: {  	lr =	sadd.s32 s0, s3;
	s0 =	sld [smem:$0x3FA6]  }
0x30: {  	s3 =	sld [smem:$0x3FA9]  }
0x31: {  	[smem:$0x3FB2] =	sst s10  }
0x32: {  	s10 =	sld [smem:$0x3FB0];
	_ =	sdelay $0x3  }
0x33: {  	p0 =	seq.s32 s10, $0x1;
	s10 =	sld [smem:$0x3FB2];
	_ =	sdelay $0x3  }
0x34: {  	[smem:$0x3FB2] =	sst s10  }
0x35: {  	s10 =	sld [smem:$0x3FB1];
	_ =	sdelay $0x3  }
0x36: {  	p1 =	seq.s32 s10, $0x1;
	s10 =	sld [smem:$0x3FB2];
	_ =	sdelay $0x3  }
0x37: {  	[smem:$0x3FB2] =	sst s10  }
0x38: {  	s10 =	sld [smem:$0x3FB3]  }
0x39: {  	_ = 	snop;
	(pc) =	sbr.ind lr, $3  }
0x3a: {  	_ = 	snop  }
0x3b: {  	_ = 	snop  }
0x3c: {  	p2 =	seq.s32 s10, $0x1;
	s10 =	sld [smem:$0x3FB2]  }
0x3d: {  	_ =	shalt  }
0x3e: {  	_ =	shalt  }
0x3f: {  	_ =	shalt  }
0x40: {  	_ =	shalt  }
0x41: {  	_ =	shalt  }
0x42: {  	_ =	shalt  }
0x43: {  	_ =	shalt  }
0x44: {  	_ =	shalt  }
0x45: {  	_ =	shalt  }
0x46: {  	_ =	shalt  }
0x47: {  	_ =	shalt  }
0x48: {  	_ =	shalt  }
0x49: {  	_ =	shalt  }
0x4a: {  	_ =	shalt  }
0x4b: {  	_ =	shalt  }
0x4c: {  	_ =	shalt  }
0x4d: {  	_ =	shalt  }
0x4e: {  	_ =	shalt  }
0x4f: {  	_ =	shalt  }
0x50: {  	_ =	shalt  }
0x51: {  	_ =	shalt  }
0x52: {  	_ =	shalt  }
0x53: {  	_ =	shalt  }
0x54: {  	_ =	shalt  }
0x55: {  	_ =	shalt  }
0x56: {  	_ =	shalt  }
0x57: {  	_ =	shalt  }
0x58: {  	_ =	shalt  }
0x59: {  	_ =	shalt  }
0x5a: {  	_ =	shalt  }
0x5b: {  	_ =	shalt  }
0x5c: {  	_ =	shalt  }
0x5d: {  	_ =	shalt  }
0x5e: {  	_ =	shalt  }
0x5f: {  	_ =	shalt  }
0x60: {  	_ =	shalt  }
0x61: {  	_ =	shalt  }
0x62: {  	_ =	shalt  }
0x63: {  	_ =	shalt  }
0x64: {  	_ =	shalt  }
0x65: {  	_ =	shalt  }
0x66: {  	_ =	shalt  }
0x67: {  	_ =	shalt  }
0x68: {  	_ =	shalt  }
0x69: {  	_ =	shalt  }
0x6a: {  	_ =	shalt  }
0x6b: {  	_ =	shalt  }
0x6c: {  	_ =	shalt  }
0x6d: {  	_ =	shalt  }
0x6e: {  	_ =	shalt  }
0x6f: {  	_ =	shalt  }
0x70: {  	_ =	shalt  }
0x71: {  	_ =	shalt  }
0x72: {  	_ =	shalt  }
0x73: {  	_ =	shalt  }
0x74: {  	_ =	shalt  }
0x75: {  	_ =	shalt  }
0x76: {  	_ =	shalt  }
0x77: {  	_ =	shalt  }
0x78: {  	_ =	shalt  }
0x79: {  	_ =	shalt  }
0x7a: {  	_ =	shalt  }
0x7b: {  	_ =	shalt  }
0x7c: {  	_ =	shalt  }
0x7d: {  	_ =	shalt  }
0x7e: {  	_ =	shalt  }
0x7f: {  	_ =	shalt  }
0x80: {  	_ =	shalt  }
0x81: {  	_ =	shalt  }
0x82: {  	_ =	shalt  }
0x83: {  	_ =	shalt  }
0x84: {  	_ =	shalt  }
0x85: {  	_ =	shalt  }
0x86: {  	_ =	shalt  }
0x87: {  	_ =	shalt  }
.Lfunc_end0:
.L_simem_size_0:
called_computation.3_lowered:
.L_overlay_start_0:
0x88: {  	s2 =	sld [smem:$0x3FD9]  }
0x89: {  	s3 =	sld [smem:$0x3FFE];
	_ =	sdelay $0x1  }
0x8a: {  	s1 =	srdreg.scid  }
0x8b: {  	s0 =	sand.u32 $0x1, s1  }
0x8c: {  	s17 =	sshll.u32 s0, $0xA;
	s2 =	sadd.s32 s3, s2  }
0x8d: {  	s2 =	sadd.s32 s2, s17  }
0x8e: {  	[smem:$0x3FBE] =	sst s2  }
0x8f: {  	_ = 	snop  }
0x90: {  	s2 =	sld [smem:$0x3FD0];
	(tm) =	ssettm $0x1  }
0x91: {  	s18 =	sld [smem:$0x3FFB];
	_ =	sdelay $0x3  }
0x92: {  	_ =	strace s18  }
0x93: {  	s3 =	sld [smem:$0x3FFC];
	_ =	sdelay $0x3  }
0x94: {  	_ =	strace s3  }
0x95: {  	s3 =	sld [smem:$0x3FFD];
	_ =	sdelay $0x3  }
0x96: {  	_ =	strace s3  }
0x97: {  	_ =	strace $0x8FFFFFFF  }
0x98: {  	s19 =	sld [smem:$0x3FDB];
	_ =	sdelay $0x1  }
0x99: {  	s4 =	simm.s32 $_scs_section_size  }
0x9a: {  	s5 =	simm.s32 $_size__tile_overlayer_lowered;
	s6 =	simm.s32 $_tile_overlayer_lowered  }
0x9b: {  	s22 =	simm.s32 $0x1BFF;
	s21 =	sshll.u32 s6, $0x1;
	s3 =	sadd.s32 s4, s19  }
0x9c: {  	s7 =	simm.s32 $0x0;
	s20 =	sshll.u32 s5, $0x1;
	s5 =	sadd.s32 s21, s3  }
0x9d: {  	[timem:s7], [sflag:s22] =	dma.local [hbm:s5], s20  }
0x9e: {  	_ =	swait.ge [sflag:s22], s20  }
0x9f: {  	s4 =	ssub.s32 $0x0, s20;
	[sflag:s22] =	ssyncset.done $0x0  }
0xa0: {  	[sflag:s22] =	ssyncadd.s32 s4;
	_ =	sdelay $0x1  }
0xa1: {  	s23 =	simm.s32 $0x1B8B  }
0xa2: {  	_ =	swait.ge [sflag:s23], $0x1  }
0xa3: {  	[sflag:s23] =	ssyncset.done $0x0  }
0xa4: {  	s25 =	simm.s32 $0x1B8E;
	s24 =	sld [smem:$0x3FFE];
	[sflag:s23] =	ssyncadd.s32 $0xFFFFFFFF  }
0xa5: {  	s26 =	simm.s32 $execute0_lowered;
	[smem:$0x3FD2] =	sst s25  }
0xa6: {  	s5 =	sshll.u32 s26, $0x1;
	_ =	strace $0x8000004F;
	[dreg:$0x1] =	wrdreg $0xFFFFFFFF  }
0xa7: {  	s28 =	simm.s32 $_size_execute0_lowered;
	s3 =	sadd.s32 s3, s5;
	[dreg:$0x0] =	wrdreg $0x0  }
0xa8: {  	s5 =	sshll.u32 s28, $0x1;
	[dreg:$0x2] =	wrdreg s3  }
0xa9: {  	[dreg:$0x3] =	wrdreg s5  }
0xaa: {  	[dreg:$0x4] =	wrdreg $0xC0  }
0xab: {  	_ =	task [dreg:s7], $0x5FFFF  }
0xac: {  	[dreg:$0x1] =	wrdreg $0xFFFFFFFF  }
0xad: {  	[dreg:$0x0] =	wrdreg $0x60  }
0xae: {  	[dreg:$0x2] =	wrdreg s24  }
0xaf: {  	[dreg:$0x3] =	wrdreg s2  }
0xb0: {  	[dreg:$0x4] =	wrdreg $0x90000  }
0xb1: {  	[dreg:$0x5] =	wrdreg $0x9  }
0xb2: {  	_ =	task.clear_ibuf [dreg:s7], $0x6FFFF;
	_ =	strace $0x9000004F  }
0xb3: {  	s29 =	simm.s32 $0x9;
	_ =	strace $0x80000051  }
0xb4: {  	_ =	swait.ge [sflag:s29], $0x1  }
0xb5: {  	[sflag:s29] =	ssyncadd.s32 $0xFFFFFFFF  }
0xb6: {  	_ =	strace $0x90000051  }
0xb7: {  	_ =	sfence  }
0xb8: {  	s30 =	sld [smem:$0x0];
	_ =	sdelay $0x2  }
0xb9: {  	s31 =	sshll.u32 s1, $0xD;
	s1 =	sshrl.u32 s1, $0x2  }
0xba: {  	s3 =	sand.u32 $0x4000, s31;
	s1 =	sadd.s32 s1, s30  }
0xbb: {  	s0 =	sor.u32 s3, s0;
	s1 =	sshll.u32 s1, $0x11  }
0xbc: {  	s0 =	sor.u32 s1, s0  }
0xbd: {  	s0 =	sadd.s32 $0x8F2B, s0  }
0xbe: {  	[sflag:s0] =	ssyncadd.remote.s32 $0x1  }
0xbf: {  	_ =	sfence.sel $0xFFFF  }
0xc0: {  	[dreg:$0x0] =	wrdreg $0xFFFFFFFF;
	(pc) =	sbr.abs _section_cstart, $3  }
0xc1: {  	[dreg:$0x1] =	wrdreg $0xFFFFFFFF  }
0xc2: {  	_ =	task.clear_ibuf [dreg:s7], $0x2FFFF;
	_ =	strace $0x9FFFFFFF  }
0xc3: {  	(tm) =	ssettm $0x7FFFFFFF  }
tec
execute0_lowered:
.L_overlay_start_1:
0x0: {  	(tag) =	ssettag $0x1  }
0x1: {  	s5 =	rddreg [dreg:$0x0]  }
0x2: {  	s8 =	rddreg [dreg:$0x1]  }
0x3: {  	s2 =	rddreg [dreg:$0x2]  }
0x4: {  	s0 =	rddreg [dreg:$0x3];
	s3 =	simm.s32 $0x0;
	s1 =	stileid.u32  }
0x5: {  	s7 =	srdreg.scid;
	s18 =	simm.s32 $0x5000;
	s19 =	simm.s32 $0x2  }
0x6: {  	s20 =	simm.s32 $0x2800;
	s21 =	simm.s32 $0x7D;
	s22 =	simm.s32 $0x1  }
0x7: {  	s23 =	simm.s32 $0x0;
	[smem:$0x7FF] =	sst s3;
	s6 =	smul.u32 $0x500, s1  }
0x8: {  	s4 =	sadd.s32 $0x2600, s5;
	s7 =	sand.u32 $0x1, s7;
	s25 =	smul.u32 $0x4E000, s1  }
0x9: {  	s11 =	sadd.s32 $0xA8A00, s5;
	s12 =	smul.u32 $0x2700, s1;
	p0 =	sne.s32 s1, $0xF  }
0xa: {  	_ =	strace $0x80000050;
	s10 =	sshll.u32 s7, $0x4;
	s15 =	smul.u32 $0x138800, s7  }
0xb: {  	s28 =	ssub.s32 $0x2, s7;
	s29 =	smul.u32 $0x27100, s7;
	s7 =	sadd.s32 $0x138000, s2  }
0xc: {  	s9 =	sadd.s32 s6, s5;
	s26 =	sor.u32 s1, s10;
	s6 =	sshrl.u32 s25, $0x2  }
0xd: {  	s14 =	sshrl.u32 s28, $0x1;
	s13 =	smul.u32 $0x500, s26;
	s5 =	sadd.s32 s6, s2  }
0xe: {  	s14 =	ssub.s32 s28, s14;
	s30 =	sshrl.u32 s15, $0x3;
	s9 =	sadd.s32 $0x55800, s9  }
0xf: {  	s10 =	sadd.s32 s12, s29;
	s6 =	sadd.s32 $0x12000, s5;
	s31 =	sadd.s32 s11, s30  }
0x10: {  	s10 =	sadd.s32 s11, s10;
	s12 =	smax.u32 s14, $0x1;
	s14 =	sadd.s32 $0x6000, s5  }
0x11: {  	s15 =	sadd.s32 $0x9000, s5;
	s16 =	sadd.s32 $0xC000, s5;
	s17 =	sadd.s32 $0xF000, s5  }
0x12: {  	v0 =	vimm.f32 $0.0e+00;
	s8 =	sadd.s32 s8, s13;
	s11 =	sadd.s32 $0x27000, s31;
	s13 =	sadd.s32 $0x3000, s5  }
.LBB2_1:
0x13: {  	s24 =	sand.u32 $0xFE00, s3  }
0x14: {  	s25 =	sand.u32 $0x70, s3;
	s26 =	sshrl.u32 s24, $0x2  }
0x15: {  	s24 =	simm.s32 $0x40;
	s26 =	sor.u32 s25, s26;
	s25 =	simm.s32 $0x0  }
.LBB2_2:
0x16: {  	p1 =	sne.s32 s24, $0xF9C0  }
0x17: {  	[tilespmem:s26+$0x5000] =	vst v0;
	s25 =	sadd.s32 $0x10, s25;
	s26 =	smov.u32 s24;
	s24 =	sadd.s32 $0x40, s24  }
.Ltmp0:
0x18: {  	(pc) =	sbr.rel @p1 .LBB2_2-.Ltmp0, $4  }
0x19: {  	_ = 	snop  }
0x1a: {  	s26 =	sand.u32 $0xFE00, s26  }
0x1b: {  	s28 =	sand.u32 $0x70, s25;
	s26 =	sshrl.u32 s26, $0x2  }
0x1c: {  	s26 =	sor.u32 s28, s26  }
0x1d: {  	[tilespmem:s26+$0x5000] =	vst v0  }
0x1e: {  	[spmem:s5] =	stream.linear.scatter [tilespmem:s18], [sflag:$0x2], $0x3000, $0x38;
	[tilespmem:$0x1C880] =	vst v63  }
0x1f: {  	_ =	swait.ge [sflag:s19], $0x3000  }
0x20: {  	[sflag:s19] =	ssyncset.done $0x0  }
0x21: {  	[sflag:s19] =	ssyncadd.s32 $0xFFFFD000  }
0x22: {  	[spmem:s13] =	stream.linear.scatter [tilespmem:s18], [sflag:$0x2], $0x3000, $0x38;
	[tilespmem:$0x1C880] =	vst v63  }
0x23: {  	_ =	swait.ge [sflag:s19], $0x3000  }
0x24: {  	[sflag:s19] =	ssyncset.done $0x0  }
0x25: {  	[sflag:s19] =	ssyncadd.s32 $0xFFFFD000  }
0x26: {  	[spmem:s14] =	stream.linear.scatter [tilespmem:s18], [sflag:$0x2], $0x3000, $0x38;
	[tilespmem:$0x1C880] =	vst v63  }
0x27: {  	_ =	swait.ge [sflag:s19], $0x3000  }
0x28: {  	[sflag:s19] =	ssyncset.done $0x0  }
0x29: {  	[sflag:s19] =	ssyncadd.s32 $0xFFFFD000  }
0x2a: {  	[spmem:s15] =	stream.linear.scatter [tilespmem:s18], [sflag:$0x2], $0x3000, $0x38;
	[tilespmem:$0x1C880] =	vst v63  }
0x2b: {  	_ =	swait.ge [sflag:s19], $0x3000  }
0x2c: {  	[sflag:s19] =	ssyncset.done $0x0  }
0x2d: {  	[sflag:s19] =	ssyncadd.s32 $0xFFFFD000  }
0x2e: {  	[spmem:s16] =	stream.linear.scatter [tilespmem:s18], [sflag:$0x2], $0x3000, $0x38;
	[tilespmem:$0x1C880] =	vst v63  }
0x2f: {  	_ =	swait.ge [sflag:s19], $0x3000  }
0x30: {  	[sflag:s19] =	ssyncset.done $0x0  }
0x31: {  	[sflag:s19] =	ssyncadd.s32 $0xFFFFD000  }
0x32: {  	[spmem:s17] =	stream.linear.scatter [tilespmem:s18], [sflag:$0x2], $0x3000, $0x38;
	[tilespmem:$0x1C880] =	vst v63  }
0x33: {  	_ =	swait.ge [sflag:s19], $0x3000  }
0x34: {  	[sflag:s19] =	ssyncset.done $0x0  }
0x35: {  	[sflag:s19] =	ssyncadd.s32 $0xFFFFD000  }
0x36: {  	[spmem:s6] =	stream.linear.scatter [tilespmem:s18], [sflag:$0x2], $0x1800, $0x38;
	[tilespmem:$0x1C880] =	vst v63  }
0x37: {  	_ =	swait.ge [sflag:s19], $0x1800  }
0x38: {  	[sflag:s19] =	ssyncset.done $0x0  }
0x39: {  	s24 =	simm.s32 @!p0 $0x5000;
	[sflag:s19] =	ssyncadd.s32 $0xFFFFE800  }
0x3a: {  	[spmem:s7] =	stream.linear.scatter @!p0 [tilespmem:s24], [sflag:$0x2], $0x800, $0x38;
	[tilespmem:$0x1C880] =	vst v63  }
0x3b: {  	s24 =	simm.s32 @!p0 $0x2  }
0x3c: {  	_ =	swait.ge @!p0 [sflag:s24], $0x800  }
0x3d: {  	[sflag:s24] =	ssyncset.done @!p0 $0x0  }
0x3e: {  	s29 =	simm.s32 $0x0;
	[sflag:s24] =	ssyncadd.s32 @!p0 $0xFFFFF800  }
0x3f: {  	[tilespmem:s29], [sflag:$0x2] =	stream.linear.gather [hbm4b:s8+s29], $0x2800, $0x38;
	[tilespmem:$0x1C880] =	vst v63  }
0x40: {  	_ =	swait.ge [sflag:s19], $0x2800  }
0x41: {  	[sflag:s19] =	ssyncset.done $0x0  }
0x42: {  	[sflag:s19] =	ssyncadd.s32 $0xFFFFD800  }
0x43: {  	[tilespmem:s20], [sflag:$0x2] =	stream.linear.gather [hbm4b:s9+s29], $0x2800, $0x38;
	[tilespmem:$0x1C880] =	vst v63  }
0x44: {  	_ =	swait.ge [sflag:s19], $0x2800  }
0x45: {  	[sflag:s19] =	ssyncset.done $0x0  }
0x46: {  	[sflag:s19] =	ssyncadd.s32 $0xFFFFD800  }
0x47: {  	s30 =	simm.s32 $0x0;
	[bflag:$0x0] =	sbarrier.arrive $0xFFFF  }
0x48: {  	[tilespmem:s18], [sflag:$0x1] =	stream.indirect.gather [hbm4b:s4+s21], $0x80, s30, s21, $0xb8;
	[tilespmem:$0x1C880] =	vst v63  }
0x49: {  	_ =	swait.ge [sflag:s22], $0x3E80  }
0x4a: {  	[sflag:s22] =	ssyncset.done $0x0  }
0x4b: {  	s31 =	simm.s32 $0x2800;
	[sflag:s22] =	ssyncadd.s32 $0xFFFFC180  }
0x4c: {  	[spmem:s2] =	stream.indirect.scatter.add.f32 [tilespmem:s18], [sflag:$0x2], $0x80, s31, s21, $0xb8;
	[tilespmem:$0x1C880] =	vst v63  }
0x4d: {  	_ =	swait.ge [sflag:s19], $0x3E80  }
0x4e: {  	s25 =	simm.s32 $0x400;
	s24 =	simm.s32 $0x200;
	[sflag:s19] =	ssyncset.done $0x0  }
.LBB2_4:
0x4f: {  	s26 =	sshra.s32 s24, $0x2  }
0x50: {  	[sflag:s19] =	ssyncadd.s32 $0xFFFFC180;
	s24 =	smov.u32 s25;
	s28 =	sadd.s32 $0x200, s25  }
0x51: {  	[tilespmem:s18], [sflag:$0x1] =	stream.indirect.gather [hbm4b:s4+s21], $0x80, s26, s21, $0xb8;
	[tilespmem:$0x1C880] =	vst v63  }
0x52: {  	p1 =	sne.s32 s25, $0x9E00;
	_ =	swait.ge [sflag:s22], $0x3E80  }
.Ltmp1:
0x53: {  	[sflag:s22] =	ssyncset.done $0x0;
	(pc) =	sbr.rel @p1 .LBB2_4-.Ltmp1, $4  }
0x54: {  	s25 =	sadd.s32 $0x2800, s26;
	[sflag:s22] =	ssyncadd.s32 $0xFFFFC180  }
0x55: {  	[spmem:s2] =	stream.indirect.scatter.add.f32 [tilespmem:s18], [sflag:$0x2], $0x80, s25, s21, $0xb8;
	[tilespmem:$0x1C880] =	vst v63  }
0x56: {  	_ =	swait.ge [sflag:s19], $0x3E80  }
0x57: {  	s25 =	smov.u32 s28;
	[sflag:s19] =	ssyncset.done $0x0  }
0x58: {  	s24 =	sshra.s32 s24, $0x2;
	[sflag:s19] =	ssyncadd.s32 $0xFFFFC180  }
0x59: {  	[tilespmem:s18], [sflag:$0x1] =	stream.indirect.gather [hbm4b:s4+s21], $0x80, s24, s21, $0xb8;
	[tilespmem:$0x1C880] =	vst v63  }
0x5a: {  	_ =	swait.ge [sflag:s22], $0x3E80  }
0x5b: {  	[sflag:s22] =	ssyncset.done $0x0  }
0x5c: {  	s24 =	sadd.s32 $0x2800, s24;
	[sflag:s22] =	ssyncadd.s32 $0xFFFFC180  }
0x5d: {  	[spmem:s2] =	stream.indirect.scatter.add.f32 [tilespmem:s18], [sflag:$0x2], $0x80, s24, s21, $0xb8;
	[tilespmem:$0x1C880] =	vst v63  }
0x5e: {  	_ =	swait.ge [sflag:s19], $0x3E80  }
0x5f: {  	[sflag:s19] =	ssyncset.done $0x0  }
0x60: {  	s31 =	sshll.u32 s1, $0x6;
	[sflag:s19] =	ssyncadd.s32 $0xFFFFC180  }
0x61: {  	s25 =	sshrl.u32 s5, $0x3;
	s24 =	sor.u32 $0x1C02, s31;
	[bflag:$0x0] =	sbarrier.arrive $0xFFFF  }
0x62: {  	[hbm:s10], [sflag:s24] =	dma.local [spmem:s25], $0x2700  }
0x63: {  	_ =	swait.ge [sflag:s19], $0x2700  }
0x64: {  	s23 =	sadd.s32 $0x1, s23;
	[sflag:s19] =	ssyncset.done $0x0  }
0x65: {  	p1 =	sne.s32 s23, s12;
	s25 =	sshrl.u32 @!p0 s7, $0x3;
	[sflag:s19] =	ssyncadd.s32 $0xFFFFD900  }
0x66: {  	[hbm:s11], [sflag:s24] =	dma.local @!p0 [spmem:s25], $0x100  }
.Ltmp2:
0x67: {  	_ = 	snop;
	(pc) =	sbr.rel @p1 .LBB2_1-.Ltmp2, $4  }
0x68: {  	s24 =	simm.s32 @!p0 $0x2  }
0x69: {  	_ =	swait.ge @!p0 [sflag:s24], $0x100  }
0x6a: {  	[sflag:s24] =	ssyncset.done @!p0 $0x0  }
0x6b: {  	[sflag:s24] =	ssyncadd.s32 @!p0 $0xFFFFFF00  }
0x6c: {  	_ =	sfence.sel $0x180000  }
0x6d: {  	[bflag:$0x0] =	sbarrier.arrive $0xFFFF  }
0x6e: {  	p0 =	sne.s32 s1, $0x0;
	_ =	strace $0x90000050  }
0x6f: {  	s0 =	sadd.s32 @!p0 $0x100000, s0;
	[bflag:$0x2] =	sbarrier.arrive $0xFFFF  }
0x70: {  	[sflag:s0] =	ssyncadd.tile.s32 @!p0 $0x1;
	_ =	shalt  }
.Lfunc_end2:
_tile_overlayer_lowered:
.L_overlay_start_2:
0x71: {  	(tag) =	ssettag $0x2  }
0x72: {  	s0 =	rddreg [dreg:$0x0];
	s2 =	stileid.u32  }
0x73: {  	s1 =	rddreg [dreg:$0x1];
	p0 =	sne.s32 s2, $0x0  }
0x74: {  	s3 =	rddreg [dreg:$0x2];
	[bflag:$0x3] =	sbarrier.arrive $0xFFFF;
	s2 =	simm.s32 @!p0 $0x1C02  }
0x75: {  	[timem:s3], [sflag:s2] =	dma.local @!p0 [hbm:s0], s1  }
0x76: {  	s0 =	simm.s32 @!p0 $0x2  }
0x77: {  	_ =	swait.ge @!p0 [sflag:s0], s1  }
0x78: {  	s1 =	ssub.s32 @!p0 $0x0, s1;
	[sflag:s0] =	ssyncset.done @!p0 $0x0  }
0x79: {  	[sflag:s0] =	ssyncadd.s32 @!p0 s1  }
0x7a: {  	[bflag:$0x3] =	sbarrier.arrive $0xFFFF  }
0x7b: {  	_ =	shalt  }

</sc_bundles>
